<compile_context>
chip_gen: v7x
topology: tpu7x:2x2x1
jax: 0.10.2.dev20260603
libtpu: 0.0.44.dev20260713+nightly
codegen_flags: <defaults>
</compile_context>

<pallas_src>
import dataclasses
import functools

import jax
import jax.numpy as jnp
from jax import lax
from jax.experimental import pallas as pl
from jax.experimental.pallas import tpu as pltpu
from jax.experimental.pallas import tpu_sc as plsc

N = 10000
E = 320000
D = 128
H = 8
HD = 16
L = 16
NC = 2
NS = 16
NW = NC * NS
EPW = E // NW
W = 40
NWIN = EPW // W
MROW = 144
RPT = N // NS



def _proj_body(x_ref, ws_ref, wr_ref, bs_ref, br_ref, xs_ref, xr_ref):
    x = x_ref[...]
    xs_ref[...] = lax.dot_general(
        x, ws_ref[...], (((1,), (0,)), ((), ())),
        precision=lax.Precision.HIGHEST,
        preferred_element_type=jnp.float32) + bs_ref[...]
    xr_ref[...] = lax.dot_general(
        x, wr_ref[...], (((1,), (0,)), ((), ())),
        precision=lax.Precision.HIGHEST,
        preferred_element_type=jnp.float32) + br_ref[...]


def _project(x, ws, wr, bs, br):
    blk = 1000
    grid = N // blk
    return pl.pallas_call(
        _proj_body,
        grid=(grid,),
        in_specs=[
            pl.BlockSpec((blk, D), lambda i: (i, 0)),
            pl.BlockSpec((D, D), lambda i: (0, 0)),
            pl.BlockSpec((D, D), lambda i: (0, 0)),
            pl.BlockSpec((1, D), lambda i: (0, 0)),
            pl.BlockSpec((1, D), lambda i: (0, 0)),
        ],
        out_specs=[
            pl.BlockSpec((blk, D), lambda i: (i, 0)),
            pl.BlockSpec((blk, D), lambda i: (i, 0)),
        ],
        out_shape=[
            jax.ShapeDtypeStruct((N, D), jnp.float32),
            jax.ShapeDtypeStruct((N, D), jnp.float32),
        ],
    )(x, ws, wr, bs, br)



def _sc_body(xs_hbm, xr_hbm, ei_hbm, av_hbm, zz_hbm, out_hbm,
             agg_sh, idx_p0, idx_c0, s_v0, r_v0, m_v0,
             idx_p1, idx_c1, s_v1, r_v1, m_v1, a_v,
             si0, si1, sg_s0, sg_r0, sg_s1, sg_r1, sc0, sc1):
    cid = lax.axis_index("c")
    sid = lax.axis_index("s")
    wid = sid * NC + cid

    idx_p = (idx_p0, idx_p1)
    idx_c = (idx_c0, idx_c1)
    s_v = (s_v0, s_v1)
    r_v = (r_v0, r_v1)
    m_v = (m_v0, m_v1)
    si = (si0, si1)
    sg_s = (sg_s0, sg_s1)
    sg_r = (sg_r0, sg_r1)
    sc = (sc0, sc1)

    pltpu.sync_copy(zz_hbm.at[pl.ds(sid * RPT, RPT)],
                    agg_sh.at[pl.ds(sid * RPT, RPT)])

    pltpu.sync_copy(av_hbm, a_v)
    plsc.subcore_barrier()

    a_vec = a_v[...]
    iota = lax.iota(jnp.int32, L)
    head_mask = [iota == h for h in range(H)]

    def issue_idx(win, b):
        pltpu.async_copy(ei_hbm.at[wid * NWIN + win], idx_p[b], si[b])

    def wait_idx(b):
        pltpu.make_async_copy(ei_hbm.at[0], idx_p[b], si[b]).wait()

    def issue_gather(b):
        pltpu.async_copy(xs_hbm.at[idx_p[b].at[0]], s_v[b], sg_s[b])
        pltpu.async_copy(xr_hbm.at[idx_p[b].at[1]], r_v[b], sg_r[b])

    def wait_gather(b):
        pltpu.make_async_copy(xs_hbm.at[idx_p[b].at[0]], s_v[b],
                              sg_s[b]).wait()
        pltpu.make_async_copy(xr_hbm.at[idx_p[b].at[1]], r_v[b],
                              sg_r[b]).wait()

    def wait_scatter(b):
        pltpu.make_async_copy(m_v[b], agg_sh.at[idx_c[b]], sc[b]).wait()

    pltpu.sync_copy(ei_hbm.at[wid * NWIN], idx_p[0])
    issue_gather(0)
    issue_idx(1, 1)

    @pl.loop(0, NWIN, step=2)
    def _(base):
        for b in (0, 1):
            win = base + b
            nb = 1 - b
            wait_idx(nb)
            issue_gather(nb)
            wait_gather(b)
            @pl.when(win >= 2)
            def _():
                wait_scatter(b)
            for off in (0, 16, 24):
                idx_c[b][pl.ds(off, L)] = idx_p[b][1, pl.ds(off, L)]
            nxt = jnp.minimum(win + 2, NWIN - 1)
            issue_idx(nxt, b)

            @plsc.parallel_loop(0, W, unroll=2)
            def _(w):
                ss = [s_v[b][w, pl.ds(h * HD, HD)] for h in range(H)]
                rr = [r_v[b][w, pl.ds(h * HD, HD)] for h in range(H)]
                zz_ = [ss[h] + rr[h] for h in range(H)]
                uu = [jnp.exp(jnp.minimum(z, 20.0)) for z in zz_]
                tt = [u * (u + 2.0) for u in uu]
                pp = [(zz_[h] * a_vec) * tt[h] / (tt[h] + 2.0)
                      for h in range(H)]
                lg = [jnp.sum(p) for p in pp]
                uv = [jnp.exp(lax.broadcast(g, (L,))) for g in lg]
                du = jnp.zeros((L,), jnp.float32)
                for h in range(H):
                    m_v[b][w, pl.ds(h * HD, HD)] = ss[h] * uv[h]
                    du = du + jnp.where(head_mask[h], uv[h], 0.0)
                m_v[b][w, pl.ds(D, L)] = du

            pltpu.async_copy(m_v[b], agg_sh.at[idx_c[b]], sc[b], add=True)

    wait_scatter(0)
    wait_scatter(1)
    wait_gather(0)
    wait_idx(1)

    plsc.subcore_barrier()

    pltpu.sync_copy(agg_sh.at[pl.ds(sid * RPT, RPT)],
                    out_hbm.at[cid, pl.ds(sid * RPT, RPT)])


def _sc_edge_pass(xs, xr, ei3, a_vec):
    mesh = plsc.VectorSubcoreMesh(core_axis_name="c", subcore_axis_name="s")
    cp = pltpu.CompilerParams()
    if "needs_layout_passes" in pltpu.CompilerParams.__dataclass_fields__:
        cp = dataclasses.replace(cp, needs_layout_passes=False)
    if "use_tc_tiling_on_sc" in pltpu.CompilerParams.__dataclass_fields__:
        cp = dataclasses.replace(cp, use_tc_tiling_on_sc=False)
    kern = pl.kernel(
        _sc_body,
        compiler_params=cp,
        out_type=jax.ShapeDtypeStruct((NC, N, MROW), jnp.float32),
        mesh=mesh,
        scratch_types=(
            [pltpu.VMEM_SHARED((N, MROW), jnp.float32)]
            + 2 * [
                pltpu.VMEM((2, W), jnp.int32),
                pltpu.VMEM((W,), jnp.int32),
                pltpu.VMEM((W, D), jnp.float32),
                pltpu.VMEM((W, D), jnp.float32),
                pltpu.VMEM((W, MROW), jnp.float32),
            ]
            + [
                pltpu.VMEM((L,), jnp.float32),
            ]
            + 8 * [pltpu.SemaphoreType.DMA]
        ),
    )
    zz = jnp.zeros((N, MROW), jnp.float32)
    return kern(xs, xr, ei3, a_vec, zz)



def _comb_body(p0_ref, p1_ref, o_ref):
    a = p0_ref[:, :D] + p1_ref[:, :D]
    dnm = p0_ref[:, D:D + H] + p1_ref[:, D:D + H]
    drep = jnp.concatenate(
        [jnp.broadcast_to(dnm[:, h:h + 1], (dnm.shape[0], HD))
         for h in range(H)], axis=1)
    o_ref[...] = jnp.where(drep > 0.0, a / drep, 0.0)


def _combine(partials):
    blk = 1000
    grid = N // blk
    p0 = partials[0]
    p1 = partials[1]
    return pl.pallas_call(
        _comb_body,
        grid=(grid,),
        in_specs=[
            pl.BlockSpec((blk, MROW), lambda i: (i, 0)),
            pl.BlockSpec((blk, MROW), lambda i: (i, 0)),
        ],
        out_specs=pl.BlockSpec((blk, D), lambda i: (i, 0)),
        out_shape=jax.ShapeDtypeStruct((N, D), jnp.float32),
    )(p0, p1)



def kernel(x, edge_index, Ws_k, Ws_b, Wr_k, Wr_b, A_k, A_b):
    ws = Ws_k.reshape(D, H * HD)
    wr = Wr_k.reshape(D, H * HD)
    bs = Ws_b.reshape(1, H * HD)
    br = Wr_b.reshape(1, H * HD)
    a_vec = A_k.reshape(HD)
    ei3 = jnp.transpose(edge_index.reshape(2, NW * NWIN, W), (1, 0, 2))

    xs, xr = _project(x, ws, wr, bs, br)
    partials = _sc_edge_pass(xs, xr, ei3, a_vec)
    return _combine(partials)

# --- scband reference (transcript-rebuilt; emitter-appended) ---
"""Pipeline reference for scband-gatv2-65472481460436 (READ-ONLY COPY).

The authoritative reference and input builder live on the scoring server;
editing this copy changes nothing except your own understanding.
"""

import jax, jax.numpy as jnp
import numpy as np

N = 10000
E = 320000
D = 128
H = 8
HD = 16  # embed_dim // num_heads


def mish(x):
    return x * jnp.tanh(jax.nn.softplus(x))


def setup_inputs(seed: int = 0) -> dict:
    key = jax.random.key(seed)
    ks = jax.random.split(key, 6)
    x = jax.random.normal(ks[0], (N, D), dtype=jnp.float32)
    edge_index = jax.random.randint(ks[1], (2, E), 0, N)
    # DenseGeneral W_s: features=(H, HD) over input dim D
    Ws_k = jax.random.normal(ks[2], (D, H, HD), dtype=jnp.float32) / np.sqrt(D)
    Ws_b = jnp.zeros((H, HD), dtype=jnp.float32)
    # DenseGeneral W_r
    Wr_k = jax.random.normal(ks[3], (D, H, HD), dtype=jnp.float32) / np.sqrt(D)
    Wr_b = jnp.zeros((H, HD), dtype=jnp.float32)
    # Dense(1) attention projection over head_dim
    A_k = jax.random.normal(ks[4], (HD, 1), dtype=jnp.float32) / np.sqrt(HD)
    A_b = jnp.zeros((1,), dtype=jnp.float32)
    return {"x": x, "edge_index": edge_index, "Ws_k": Ws_k, "Ws_b": Ws_b,
            "Wr_k": Wr_k, "Wr_b": Wr_b, "A_k": A_k, "A_b": A_b}


def reference(x, edge_index, Ws_k, Ws_b, Wr_k, Wr_b, A_k, A_b):
    senders = edge_index[0]
    receivers = edge_index[1]
    # update_edge_fn: edges = W_s(sent node features) -> [E, H, HD]
    sent = jnp.einsum('ef,fhd->ehd', jnp.take(x, senders, axis=0), Ws_k) + Ws_b
    # attention_logit_fn: Dense(1)(mish(edges + W_r(received node features)))
    recv = jnp.einsum('ef,fhd->ehd', jnp.take(x, receivers, axis=0), Wr_k) + Wr_b
    z = mish(sent + recv)
    logits = jnp.einsum('ehd,do->eho', z, A_k) + A_b  # [E, H, 1]
    # jraph segment_softmax over edges sharing the same receiver
    lmax = jax.ops.segment_max(logits, receivers, num_segments=N)
    lmax = jnp.where(jnp.isfinite(lmax), lmax, 0.0)
    unnorm = jnp.exp(logits - jnp.take(lmax, receivers, axis=0))
    denom = jax.ops.segment_sum(unnorm, receivers, num_segments=N)
    weights = unnorm / jnp.take(denom, receivers, axis=0)
    # attention_reduce_fn: edges * weights, then segment_sum aggregation to receivers
    msgs = sent * weights  # [E, H, HD]
    agg = jax.ops.segment_sum(msgs, receivers, num_segments=N)  # [N, H, HD]
    # node_update_fn: rearrange '... h d -> ... (h d)'
    nodes = agg.reshape(N, H * HD)
    return nodes

if __name__ == "__main__":
    import jax
    _d = setup_inputs()
    print(jax.jit(kernel)(*tuple(_d.values())))

</pallas_src>

<mosaic_0001>
#map = affine_map<(d0, d1) -> (0, 0)>
#map1 = affine_map<(d0, d1) -> (0, 0, 0)>
#map2 = affine_map<(d0, d1) -> (0)>
module attributes {stable_mosaic.version = 14 : i64} {
  func.func @_sc_body(%arg0: i32, %arg1: i32, %arg2: memref<10000x128xf32, #tpu.memory_space<hbm>>, %arg3: memref<10000x128xf32, #tpu.memory_space<hbm>>, %arg4: memref<8000x2x40xi32, #tpu.memory_space<hbm>>, %arg5: memref<16xf32, #tpu.memory_space<hbm>>, %arg6: memref<10000x144xf32, #tpu.memory_space<hbm>>, %arg7: memref<2x10000x144xf32, #tpu.memory_space<hbm>>, %arg8: memref<10000x144xf32, #tpu.memory_space<vmem_shared>>, %arg9: memref<2x40xi32, #tpu.memory_space<vmem>>, %arg10: memref<40xi32, #tpu.memory_space<vmem>>, %arg11: memref<40x128xf32, #tpu.memory_space<vmem>>, %arg12: memref<40x128xf32, #tpu.memory_space<vmem>>, %arg13: memref<40x144xf32, #tpu.memory_space<vmem>>, %arg14: memref<2x40xi32, #tpu.memory_space<vmem>>, %arg15: memref<40xi32, #tpu.memory_space<vmem>>, %arg16: memref<40x128xf32, #tpu.memory_space<vmem>>, %arg17: memref<40x128xf32, #tpu.memory_space<vmem>>, %arg18: memref<40x144xf32, #tpu.memory_space<vmem>>, %arg19: memref<16xf32, #tpu.memory_space<vmem>>, %arg20: memref<!tpu.dma_semaphore, #tpu.memory_space<semaphore_mem>>, %arg21: memref<!tpu.dma_semaphore, #tpu.memory_space<semaphore_mem>>, %arg22: memref<!tpu.dma_semaphore, #tpu.memory_space<semaphore_mem>>, %arg23: memref<!tpu.dma_semaphore, #tpu.memory_space<semaphore_mem>>, %arg24: memref<!tpu.dma_semaphore, #tpu.memory_space<semaphore_mem>>, %arg25: memref<!tpu.dma_semaphore, #tpu.memory_space<semaphore_mem>>, %arg26: memref<!tpu.dma_semaphore, #tpu.memory_space<semaphore_mem>>, %arg27: memref<!tpu.dma_semaphore, #tpu.memory_space<semaphore_mem>>) attributes {dimension_semantics = [#tpu.dimension_semantics<core_parallel>, #tpu.dimension_semantics<subcore_parallel>], iteration_bounds = array<i64: 2, 16>, scalar_prefetch = 0 : i64, scratch_operands = 20 : i64, tpu.core_type = #tpu.core_type<sc_vector_subcore>, window_params = [{transform_indices = #map}, {transform_indices = #map}, {transform_indices = #map1}, {transform_indices = #map2}, {transform_indices = #map}, {transform_indices = #map1}]} {
    %mul3A = arith.constant 2 : i32
    %mul3A_0 = arith.muli %arg1, %mul3A : i32
    %add3A = arith.addi %mul3A_0, %arg0 : i32
    %mul3A_1 = arith.constant 625 : i32
    %mul3A_2 = arith.muli %arg1, %mul3A_1 : i32
    %mul3A_3 = arith.constant 625 : i32
    %mul3A_4 = arith.muli %arg1, %mul3A_3 : i32
    "tpu.region"() ({
      %run_scoped3A = tpu.sem_alloc : memref<!tpu.dma_semaphore, #tpu.memory_space<semaphore_mem>>
      %dma_start3A_93 = arith.constant 0 : i32
      %dma_start3A_94 = tpu.memref_slice %arg8[%mul3A_4, %dma_start3A_93] : memref<10000x144xf32, #tpu.memory_space<vmem_shared>> -> memref<625x144xf32, #tpu.memory_space<vmem_shared>>
      %dma_start3A_95 = arith.constant 0 : i32
      %dma_start3A_96 = tpu.memref_slice %arg6[%mul3A_2, %dma_start3A_95] : memref<10000x144xf32, #tpu.memory_space<hbm>> -> memref<625x144xf32, #tpu.memory_space<hbm>>
      tpu.enqueue_dma source(%dma_start3A_96 : memref<625x144xf32, #tpu.memory_space<hbm>>) target(%dma_start3A_94 : memref<625x144xf32, #tpu.memory_space<vmem_shared>>) target_semaphore(%run_scoped3A : memref<!tpu.dma_semaphore, #tpu.memory_space<semaphore_mem>>)
      %dma_wait3A_97 = arith.constant 0 : i32
      %dma_wait3A_98 = tpu.memref_slice %arg8[%mul3A_4, %dma_wait3A_97] : memref<10000x144xf32, #tpu.memory_space<vmem_shared>> -> memref<625x144xf32, #tpu.memory_space<vmem_shared>>
      %dma_wait3A_99 = arith.constant 0 : i32
      %dma_wait3A_100 = tpu.memref_slice %arg6[%mul3A_2, %dma_wait3A_99] : memref<10000x144xf32, #tpu.memory_space<hbm>> -> memref<625x144xf32, #tpu.memory_space<hbm>>
      tpu.wait_dma2 semaphore(%run_scoped3A : memref<!tpu.dma_semaphore, #tpu.memory_space<semaphore_mem>>) src(%dma_wait3A_100 : memref<625x144xf32, #tpu.memory_space<hbm>>) dst(%dma_wait3A_98 : memref<625x144xf32, #tpu.memory_space<vmem_shared>>)
      tpu.yield
    }) : () -> ()
    "tpu.region"() ({
      %run_scoped3A = tpu.sem_alloc : memref<!tpu.dma_semaphore, #tpu.memory_space<semaphore_mem>>
      tpu.enqueue_dma source(%arg5 : memref<16xf32, #tpu.memory_space<hbm>>) target(%arg19 : memref<16xf32, #tpu.memory_space<vmem>>) target_semaphore(%run_scoped3A : memref<!tpu.dma_semaphore, #tpu.memory_space<semaphore_mem>>)
      tpu.wait_dma2 semaphore(%run_scoped3A : memref<!tpu.dma_semaphore, #tpu.memory_space<semaphore_mem>>) src(%arg5 : memref<16xf32, #tpu.memory_space<hbm>>) dst(%arg19 : memref<16xf32, #tpu.memory_space<vmem>>)
      tpu.yield
    }) : () -> ()
    %barrier3A = arith.constant 0 : index
    tpu.barrier barrier_id(%barrier3A)
    %get3A = arith.constant 0 : index
    %get3A_5 = tpu.vector_load %arg19[%get3A] {strides = array<i32>} : memref<16xf32, #tpu.memory_space<vmem>>, vector<16xf32>,
    %iota3A = tpu.iota {dimensions = array<i32: 0>} : vector<16xi32>
    %eq3A = arith.constant 0 : i32
    %eq3A_6 = vector.broadcast %eq3A : i32 to vector<16xi32>
    %eq3A_7 = arith.cmpi eq, %iota3A, %eq3A_6 : vector<16xi32>
    %eq3A_8 = arith.constant 1 : i32
    %eq3A_9 = vector.broadcast %eq3A_8 : i32 to vector<16xi32>
    %eq3A_10 = arith.cmpi eq, %iota3A, %eq3A_9 : vector<16xi32>
    %eq3A_11 = arith.constant 2 : i32
    %eq3A_12 = vector.broadcast %eq3A_11 : i32 to vector<16xi32>
    %eq3A_13 = arith.cmpi eq, %iota3A, %eq3A_12 : vector<16xi32>
    %eq3A_14 = arith.constant 3 : i32
    %eq3A_15 = vector.broadcast %eq3A_14 : i32 to vector<16xi32>
    %eq3A_16 = arith.cmpi eq, %iota3A, %eq3A_15 : vector<16xi32>
    %eq3A_17 = arith.constant 4 : i32
    %eq3A_18 = vector.broadcast %eq3A_17 : i32 to vector<16xi32>
    %eq3A_19 = arith.cmpi eq, %iota3A, %eq3A_18 : vector<16xi32>
    %eq3A_20 = arith.constant 5 : i32
    %eq3A_21 = vector.broadcast %eq3A_20 : i32 to vector<16xi32>
    %eq3A_22 = arith.cmpi eq, %iota3A, %eq3A_21 : vector<16xi32>
    %eq3A_23 = arith.constant 6 : i32
    %eq3A_24 = vector.broadcast %eq3A_23 : i32 to vector<16xi32>
    %eq3A_25 = arith.cmpi eq, %iota3A, %eq3A_24 : vector<16xi32>
    %eq3A_26 = arith.constant 7 : i32
    %eq3A_27 = vector.broadcast %eq3A_26 : i32 to vector<16xi32>
    %eq3A_28 = arith.cmpi eq, %iota3A, %eq3A_27 : vector<16xi32>
    %mul3A_29 = arith.constant 250 : i32
    %mul3A_30 = arith.muli %add3A, %mul3A_29 : i32
    "tpu.region"() ({
      %run_scoped3A = tpu.sem_alloc : memref<!tpu.dma_semaphore, #tpu.memory_space<semaphore_mem>>
      %dma_start3A_93 = arith.constant 0 : i32
      %dma_start3A_94 = arith.constant 0 : i32
      %dma_start3A_95 = tpu.memref_slice %arg4[%mul3A_30, %dma_start3A_93, %dma_start3A_94] : memref<8000x2x40xi32, #tpu.memory_space<hbm>> -> memref<1x2x40xi32, #tpu.memory_space<hbm>>
      %dma_start3A_96 = tpu.memref_squeeze %dma_start3A_95 : memref<1x2x40xi32, #tpu.memory_space<hbm>> -> memref<2x40xi32, #tpu.memory_space<hbm>>
      %dma_start3A_97 = arith.constant 0 : i32
      %dma_start3A_98 = arith.constant 0 : i32
      %dma_start3A_99 = tpu.memref_slice %arg4[%mul3A_30, %dma_start3A_97, %dma_start3A_98] : memref<8000x2x40xi32, #tpu.memory_space<hbm>> -> memref<1x2x40xi32, #tpu.memory_space<hbm>>
      %dma_start3A_100 = tpu.memref_squeeze %dma_start3A_99 : memref<1x2x40xi32, #tpu.memory_space<hbm>> -> memref<2x40xi32, #tpu.memory_space<hbm>>
      tpu.enqueue_dma source(%dma_start3A_100 : memref<2x40xi32, #tpu.memory_space<hbm>>) target(%arg9 : memref<2x40xi32, #tpu.memory_space<vmem>>) target_semaphore(%run_scoped3A : memref<!tpu.dma_semaphore, #tpu.memory_space<semaphore_mem>>)
      %dma_wait3A_101 = arith.constant 0 : i32
      %dma_wait3A_102 = arith.constant 0 : i32
      %dma_wait3A_103 = tpu.memref_slice %arg4[%mul3A_30, %dma_wait3A_101, %dma_wait3A_102] : memref<8000x2x40xi32, #tpu.memory_space<hbm>> -> memref<1x2x40xi32, #tpu.memory_space<hbm>>
      %dma_wait3A_104 = tpu.memref_squeeze %dma_wait3A_103 : memref<1x2x40xi32, #tpu.memory_space<hbm>> -> memref<2x40xi32, #tpu.memory_space<hbm>>
      %dma_wait3A_105 = arith.constant 0 : i32
      %dma_wait3A_106 = arith.constant 0 : i32
      %dma_wait3A_107 = tpu.memref_slice %arg4[%mul3A_30, %dma_wait3A_105, %dma_wait3A_106] : memref<8000x2x40xi32, #tpu.memory_space<hbm>> -> memref<1x2x40xi32, #tpu.memory_space<hbm>>
      %dma_wait3A_108 = tpu.memref_squeeze %dma_wait3A_107 : memref<1x2x40xi32, #tpu.memory_space<hbm>> -> memref<2x40xi32, #tpu.memory_space<hbm>>
      tpu.wait_dma2 semaphore(%run_scoped3A : memref<!tpu.dma_semaphore, #tpu.memory_space<semaphore_mem>>) src(%dma_wait3A_108 : memref<2x40xi32, #tpu.memory_space<hbm>>) dst(%arg9 : memref<2x40xi32, #tpu.memory_space<vmem>>)
      tpu.yield
    }) : () -> ()
    %dma_start3A = arith.constant 0 : i32
    %dma_start3A_31 = arith.constant 0 : i32
    %dma_start3A_32 = tpu.memref_slice %arg9[%dma_start3A, %dma_start3A_31] : memref<2x40xi32, #tpu.memory_space<vmem>> -> memref<1x40xi32, #tpu.memory_space<vmem>>
    %dma_start3A_33 = tpu.memref_squeeze %dma_start3A_32 : memref<1x40xi32, #tpu.memory_space<vmem>> -> memref<40xi32, #tpu.memory_space<vmem>>
    %dma_start3A_34 = arith.constant 0 : i32
    %dma_start3A_35 = arith.constant 0 : i32
    %dma_start3A_36 = tpu.memref_slice %arg2[%dma_start3A_34, %dma_start3A_35] : memref<10000x128xf32, #tpu.memory_space<hbm>> -> memref<10000x128xf32, #tpu.memory_space<hbm>>
    tpu.enqueue_indirect_dma source(%dma_start3A_36 : memref<10000x128xf32, #tpu.memory_space<hbm>>) target(%arg11 : memref<40x128xf32, #tpu.memory_space<vmem>>) offsets(%dma_start3A_33 : memref<40xi32, #tpu.memory_space<vmem>>) semaphore(%arg22 : memref<!tpu.dma_semaphore, #tpu.memory_space<semaphore_mem>>)
    %dma_start3A_37 = arith.constant 1 : i32
    %dma_start3A_38 = arith.constant 0 : i32
    %dma_start3A_39 = tpu.memref_slice %arg9[%dma_start3A_37, %dma_start3A_38] : memref<2x40xi32, #tpu.memory_space<vmem>> -> memref<1x40xi32, #tpu.memory_space<vmem>>
    %dma_start3A_40 = tpu.memref_squeeze %dma_start3A_39 : memref<1x40xi32, #tpu.memory_space<vmem>> -> memref<40xi32, #tpu.memory_space<vmem>>
    %dma_start3A_41 = arith.constant 0 : i32
    %dma_start3A_42 = arith.constant 0 : i32
    %dma_start3A_43 = tpu.memref_slice %arg3[%dma_start3A_41, %dma_start3A_42] : memref<10000x128xf32, #tpu.memory_space<hbm>> -> memref<10000x128xf32, #tpu.memory_space<hbm>>
    tpu.enqueue_indirect_dma source(%dma_start3A_43 : memref<10000x128xf32, #tpu.memory_space<hbm>>) target(%arg12 : memref<40x128xf32, #tpu.memory_space<vmem>>) offsets(%dma_start3A_40 : memref<40xi32, #tpu.memory_space<vmem>>) semaphore(%arg23 : memref<!tpu.dma_semaphore, #tpu.memory_space<semaphore_mem>>)
    %mul3A_44 = arith.constant 250 : i32
    %mul3A_45 = arith.muli %add3A, %mul3A_44 : i32
    %add3A_46 = arith.constant 1 : i32
    %add3A_47 = arith.addi %mul3A_45, %add3A_46 : i32
    %dma_start3A_48 = arith.constant 0 : i32
    %dma_start3A_49 = arith.constant 0 : i32
    %dma_start3A_50 = tpu.memref_slice %arg4[%add3A_47, %dma_start3A_48, %dma_start3A_49] : memref<8000x2x40xi32, #tpu.memory_space<hbm>> -> memref<1x2x40xi32, #tpu.memory_space<hbm>>
    %dma_start3A_51 = tpu.memref_squeeze %dma_start3A_50 : memref<1x2x40xi32, #tpu.memory_space<hbm>> -> memref<2x40xi32, #tpu.memory_space<hbm>>
    %dma_start3A_52 = arith.constant 0 : i32
    %dma_start3A_53 = arith.constant 0 : i32
    %dma_start3A_54 = tpu.memref_slice %arg4[%add3A_47, %dma_start3A_52, %dma_start3A_53] : memref<8000x2x40xi32, #tpu.memory_space<hbm>> -> memref<1x2x40xi32, #tpu.memory_space<hbm>>
    %dma_start3A_55 = tpu.memref_squeeze %dma_start3A_54 : memref<1x2x40xi32, #tpu.memory_space<hbm>> -> memref<2x40xi32, #tpu.memory_space<hbm>>
    tpu.enqueue_dma source(%dma_start3A_55 : memref<2x40xi32, #tpu.memory_space<hbm>>) target(%arg14 : memref<2x40xi32, #tpu.memory_space<vmem>>) target_semaphore(%arg21 : memref<!tpu.dma_semaphore, #tpu.memory_space<semaphore_mem>>)
    %scan3A = arith.constant 0 : i32
    %scan3A_56 = arith.constant 125 : i32
    %scan3A_57 = arith.addi %scan3A, %scan3A_56 : i32
    %scan3A_58 = arith.constant 1 : i32
    scf.for %scan3A_93 = %scan3A to %scan3A_57 step %scan3A_58  : i32 {
      %mul3A_94 = arith.constant 2 : i32
      %mul3A_95 = arith.muli %scan3A_93, %mul3A_94 : i32
      %add3A_96 = arith.constant 0 : i32
      %add3A_97 = arith.addi %add3A_96, %mul3A_95 : i32
      %add3A_98 = arith.constant 0 : i32
      %add3A_99 = arith.addi %add3A_97, %add3A_98 : i32
      %dma_wait3A_100 = arith.constant 0 : i32
      %dma_wait3A_101 = arith.constant 0 : i32
      %dma_wait3A_102 = arith.constant 0 : i32
      %dma_wait3A_103 = tpu.memref_slice %arg4[%dma_wait3A_100, %dma_wait3A_101, %dma_wait3A_102] : memref<8000x2x40xi32, #tpu.memory_space<hbm>> -> memref<1x2x40xi32, #tpu.memory_space<hbm>>
      %dma_wait3A_104 = tpu.memref_squeeze %dma_wait3A_103 : memref<1x2x40xi32, #tpu.memory_space<hbm>> -> memref<2x40xi32, #tpu.memory_space<hbm>>
      %dma_wait3A_105 = arith.constant 0 : i32
      %dma_wait3A_106 = arith.constant 0 : i32
      %dma_wait3A_107 = tpu.memref_slice %arg4[%dma_wait3A_100, %dma_wait3A_105, %dma_wait3A_106] : memref<8000x2x40xi32, #tpu.memory_space<hbm>> -> memref<1x2x40xi32, #tpu.memory_space<hbm>>
      %dma_wait3A_108 = tpu.memref_squeeze %dma_wait3A_107 : memref<1x2x40xi32, #tpu.memory_space<hbm>> -> memref<2x40xi32, #tpu.memory_space<hbm>>
      tpu.wait_dma2 semaphore(%arg21 : memref<!tpu.dma_semaphore, #tpu.memory_space<semaphore_mem>>) src(%dma_wait3A_108 : memref<2x40xi32, #tpu.memory_space<hbm>>) dst(%arg14 : memref<2x40xi32, #tpu.memory_space<vmem>>)
      %dma_start3A_109 = arith.constant 0 : i32
      %dma_start3A_110 = arith.constant 0 : i32
      %dma_start3A_111 = tpu.memref_slice %arg14[%dma_start3A_109, %dma_start3A_110] : memref<2x40xi32, #tpu.memory_space<vmem>> -> memref<1x40xi32, #tpu.memory_space<vmem>>
      %dma_start3A_112 = tpu.memref_squeeze %dma_start3A_111 : memref<1x40xi32, #tpu.memory_space<vmem>> -> memref<40xi32, #tpu.memory_space<vmem>>
      %dma_start3A_113 = arith.constant 0 : i32
      %dma_start3A_114 = arith.constant 0 : i32
      %dma_start3A_115 = tpu.memref_slice %arg2[%dma_start3A_113, %dma_start3A_114] : memref<10000x128xf32, #tpu.memory_space<hbm>> -> memref<10000x128xf32, #tpu.memory_space<hbm>>
      tpu.enqueue_indirect_dma source(%dma_start3A_115 : memref<10000x128xf32, #tpu.memory_space<hbm>>) target(%arg16 : memref<40x128xf32, #tpu.memory_space<vmem>>) offsets(%dma_start3A_112 : memref<40xi32, #tpu.memory_space<vmem>>) semaphore(%arg24 : memref<!tpu.dma_semaphore, #tpu.memory_space<semaphore_mem>>)
      %dma_start3A_116 = arith.constant 1 : i32
      %dma_start3A_117 = arith.constant 0 : i32
      %dma_start3A_118 = tpu.memref_slice %arg14[%dma_start3A_116, %dma_start3A_117] : memref<2x40xi32, #tpu.memory_space<vmem>> -> memref<1x40xi32, #tpu.memory_space<vmem>>
      %dma_start3A_119 = tpu.memref_squeeze %dma_start3A_118 : memref<1x40xi32, #tpu.memory_space<vmem>> -> memref<40xi32, #tpu.memory_space<vmem>>
      %dma_start3A_120 = arith.constant 0 : i32
      %dma_start3A_121 = arith.constant 0 : i32
      %dma_start3A_122 = tpu.memref_slice %arg3[%dma_start3A_120, %dma_start3A_121] : memref<10000x128xf32, #tpu.memory_space<hbm>> -> memref<10000x128xf32, #tpu.memory_space<hbm>>
      tpu.enqueue_indirect_dma source(%dma_start3A_122 : memref<10000x128xf32, #tpu.memory_space<hbm>>) target(%arg17 : memref<40x128xf32, #tpu.memory_space<vmem>>) offsets(%dma_start3A_119 : memref<40xi32, #tpu.memory_space<vmem>>) semaphore(%arg25 : memref<!tpu.dma_semaphore, #tpu.memory_space<semaphore_mem>>)
      %dma_wait3A_123 = arith.constant 0 : i32
      %dma_wait3A_124 = arith.constant 0 : i32
      %dma_wait3A_125 = tpu.memref_slice %arg9[%dma_wait3A_123, %dma_wait3A_124] : memref<2x40xi32, #tpu.memory_space<vmem>> -> memref<1x40xi32, #tpu.memory_space<vmem>>
      %dma_wait3A_126 = tpu.memref_squeeze %dma_wait3A_125 : memref<1x40xi32, #tpu.memory_space<vmem>> -> memref<40xi32, #tpu.memory_space<vmem>>
      %dma_wait3A_127 = arith.constant 0 : i32
      %dma_wait3A_128 = arith.constant 0 : i32
      %dma_wait3A_129 = tpu.memref_slice %arg2[%dma_wait3A_127, %dma_wait3A_128] : memref<10000x128xf32, #tpu.memory_space<hbm>> -> memref<10000x128xf32, #tpu.memory_space<hbm>>
      tpu.wait_indirect_dma semaphore(%arg22 : memref<!tpu.dma_semaphore, #tpu.memory_space<semaphore_mem>>) src(%dma_wait3A_129 : memref<10000x128xf32, #tpu.memory_space<hbm>>) dst(%arg11 : memref<40x128xf32, #tpu.memory_space<vmem>>)
      %dma_wait3A_130 = arith.constant 1 : i32
      %dma_wait3A_131 = arith.constant 0 : i32
      %dma_wait3A_132 = tpu.memref_slice %arg9[%dma_wait3A_130, %dma_wait3A_131] : memref<2x40xi32, #tpu.memory_space<vmem>> -> memref<1x40xi32, #tpu.memory_space<vmem>>
      %dma_wait3A_133 = tpu.memref_squeeze %dma_wait3A_132 : memref<1x40xi32, #tpu.memory_space<vmem>> -> memref<40xi32, #tpu.memory_space<vmem>>
      %dma_wait3A_134 = arith.constant 0 : i32
      %dma_wait3A_135 = arith.constant 0 : i32
      %dma_wait3A_136 = tpu.memref_slice %arg3[%dma_wait3A_134, %dma_wait3A_135] : memref<10000x128xf32, #tpu.memory_space<hbm>> -> memref<10000x128xf32, #tpu.memory_space<hbm>>
      tpu.wait_indirect_dma semaphore(%arg23 : memref<!tpu.dma_semaphore, #tpu.memory_space<semaphore_mem>>) src(%dma_wait3A_136 : memref<10000x128xf32, #tpu.memory_space<hbm>>) dst(%arg12 : memref<40x128xf32, #tpu.memory_space<vmem>>)
      %ge3A = arith.constant 2 : i32
      %ge3A_137 = arith.cmpi sge, %add3A_99, %ge3A : i32
      %convert_element_type3A = arith.extui %ge3A_137 : i1 to i32
      %cond3A = arith.constant 0 : i32
      %cond3A_138 = arith.cmpi ne, %convert_element_type3A, %cond3A : i32
      scf.if %cond3A_138 {
        %dma_wait3A_258 = arith.constant 0 : i32
        %dma_wait3A_259 = arith.constant 0 : i32
        %dma_wait3A_260 = tpu.memref_slice %arg8[%dma_wait3A_258, %dma_wait3A_259] : memref<10000x144xf32, #tpu.memory_space<vmem_shared>> -> memref<10000x144xf32, #tpu.memory_space<vmem_shared>>
        tpu.wait_indirect_dma semaphore(%arg26 : memref<!tpu.dma_semaphore, #tpu.memory_space<semaphore_mem>>) src(%arg13 : memref<40x144xf32, #tpu.memory_space<vmem>>) dst(%dma_wait3A_260 : memref<10000x144xf32, #tpu.memory_space<vmem_shared>>)
      } else {
      }
      %get3A_139 = arith.constant 1 : i32
      %get3A_140 = arith.index_cast %get3A_139 : i32 to index
      %get3A_141 = arith.constant 0 : index
      %get3A_142 = tpu.vector_load %arg9[%get3A_140, %get3A_141] {strides = array<i32>} : memref<2x40xi32, #tpu.memory_space<vmem>>, vector<16xi32>,
      %swap3A = arith.constant 0 : index
      %swap3A_143 = tpu.vector_load %arg10[%swap3A] {strides = array<i32>} : memref<40xi32, #tpu.memory_space<vmem>>, vector<16xi32>,
      tpu.vector_store %arg10[%swap3A], %get3A_142 {strides = array<i32>} : memref<40xi32, #tpu.memory_space<vmem>>, vector<16xi32>,
      %get3A_144 = arith.constant 1 : i32
      %get3A_145 = arith.index_cast %get3A_144 : i32 to index
      %get3A_146 = arith.constant 16 : index
      %get3A_147 = tpu.vector_load %arg9[%get3A_145, %get3A_146] {strides = array<i32>} : memref<2x40xi32, #tpu.memory_space<vmem>>, vector<16xi32>,
      %swap3A_148 = arith.constant 16 : index
      %swap3A_149 = tpu.vector_load %arg10[%swap3A_148] {strides = array<i32>} : memref<40xi32, #tpu.memory_space<vmem>>, vector<16xi32>,
      tpu.vector_store %arg10[%swap3A_148], %get3A_147 {strides = array<i32>} : memref<40xi32, #tpu.memory_space<vmem>>, vector<16xi32>,
      %get3A_150 = arith.constant 1 : i32
      %get3A_151 = arith.index_cast %get3A_150 : i32 to index
      %get3A_152 = arith.constant 24 : index
      %get3A_153 = tpu.vector_load %arg9[%get3A_151, %get3A_152] {strides = array<i32>} : memref<2x40xi32, #tpu.memory_space<vmem>>, vector<16xi32>,
      %swap3A_154 = arith.constant 24 : index
      %swap3A_155 = tpu.vector_load %arg10[%swap3A_154] {strides = array<i32>} : memref<40xi32, #tpu.memory_space<vmem>>, vector<16xi32>,
      tpu.vector_store %arg10[%swap3A_154], %get3A_153 {strides = array<i32>} : memref<40xi32, #tpu.memory_space<vmem>>, vector<16xi32>,
      %add3A_156 = arith.constant 2 : i32
      %add3A_157 = arith.addi %add3A_99, %add3A_156 : i32
      %min3A = arith.constant 249 : i32
      %min3A_158 = arith.minsi %add3A_157, %min3A : i32
      %mul3A_159 = arith.constant 250 : i32
      %mul3A_160 = arith.muli %add3A, %mul3A_159 : i32
      %add3A_161 = arith.addi %mul3A_160, %min3A_158 : i32
      %dma_start3A_162 = arith.constant 0 : i32
      %dma_start3A_163 = arith.constant 0 : i32
      %dma_start3A_164 = tpu.memref_slice %arg4[%add3A_161, %dma_start3A_162, %dma_start3A_163] : memref<8000x2x40xi32, #tpu.memory_space<hbm>> -> memref<1x2x40xi32, #tpu.memory_space<hbm>>
      %dma_start3A_165 = tpu.memref_squeeze %dma_start3A_164 : memref<1x2x40xi32, #tpu.memory_space<hbm>> -> memref<2x40xi32, #tpu.memory_space<hbm>>
      %dma_start3A_166 = arith.constant 0 : i32
      %dma_start3A_167 = arith.constant 0 : i32
      %dma_start3A_168 = tpu.memref_slice %arg4[%add3A_161, %dma_start3A_166, %dma_start3A_167] : memref<8000x2x40xi32, #tpu.memory_space<hbm>> -> memref<1x2x40xi32, #tpu.memory_space<hbm>>
      %dma_start3A_169 = tpu.memref_squeeze %dma_start3A_168 : memref<1x2x40xi32, #tpu.memory_space<hbm>> -> memref<2x40xi32, #tpu.memory_space<hbm>>
      tpu.enqueue_dma source(%dma_start3A_169 : memref<2x40xi32, #tpu.memory_space<hbm>>) target(%arg9 : memref<2x40xi32, #tpu.memory_space<vmem>>) target_semaphore(%arg20 : memref<!tpu.dma_semaphore, #tpu.memory_space<semaphore_mem>>)
      %parallel_loop3A = arith.constant 0 : i32
      %parallel_loop3A_170 = arith.constant 40 : i32
      %parallel_loop3A_171 = arith.constant 1 : i32
      scf.for %parallel_loop3A_258 = %parallel_loop3A to %parallel_loop3A_170 step %parallel_loop3A_171  : i32 {
        %parallel_loop3A_259 = arith.index_cast %parallel_loop3A_258 : i32 to index
        %parallel_loop3A_260 = arith.constant 0 : index
        %parallel_loop3A_261 = tpu.vector_load %arg11[%parallel_loop3A_259, %parallel_loop3A_260] {strides = array<i32>} : memref<40x128xf32, #tpu.memory_space<vmem>>, vector<16xf32>,
        %parallel_loop3A_262 = arith.index_cast %parallel_loop3A_258 : i32 to index
        %parallel_loop3A_263 = arith.constant 16 : index
        %parallel_loop3A_264 = tpu.vector_load %arg11[%parallel_loop3A_262, %parallel_loop3A_263] {strides = array<i32>} : memref<40x128xf32, #tpu.memory_space<vmem>>, vector<16xf32>,
        %parallel_loop3A_265 = arith.index_cast %parallel_loop3A_258 : i32 to index
        %parallel_loop3A_266 = arith.constant 32 : index
        %parallel_loop3A_267 = tpu.vector_load %arg11[%parallel_loop3A_265, %parallel_loop3A_266] {strides = array<i32>} : memref<40x128xf32, #tpu.memory_space<vmem>>, vector<16xf32>,
        %parallel_loop3A_268 = arith.index_cast %parallel_loop3A_258 : i32 to index
        %parallel_loop3A_269 = arith.constant 48 : index
        %parallel_loop3A_270 = tpu.vector_load %arg11[%parallel_loop3A_268, %parallel_loop3A_269] {strides = array<i32>} : memref<40x128xf32, #tpu.memory_space<vmem>>, vector<16xf32>,
        %parallel_loop3A_271 = arith.index_cast %parallel_loop3A_258 : i32 to index
        %parallel_loop3A_272 = arith.constant 64 : index
        %parallel_loop3A_273 = tpu.vector_load %arg11[%parallel_loop3A_271, %parallel_loop3A_272] {strides = array<i32>} : memref<40x128xf32, #tpu.memory_space<vmem>>, vector<16xf32>,
        %parallel_loop3A_274 = arith.index_cast %parallel_loop3A_258 : i32 to index
        %parallel_loop3A_275 = arith.constant 80 : index
        %parallel_loop3A_276 = tpu.vector_load %arg11[%parallel_loop3A_274, %parallel_loop3A_275] {strides = array<i32>} : memref<40x128xf32, #tpu.memory_space<vmem>>, vector<16xf32>,
        %parallel_loop3A_277 = arith.index_cast %parallel_loop3A_258 : i32 to index
        %parallel_loop3A_278 = arith.constant 96 : index
        %parallel_loop3A_279 = tpu.vector_load %arg11[%parallel_loop3A_277, %parallel_loop3A_278] {strides = array<i32>} : memref<40x128xf32, #tpu.memory_space<vmem>>, vector<16xf32>,
        %parallel_loop3A_280 = arith.index_cast %parallel_loop3A_258 : i32 to index
        %parallel_loop3A_281 = arith.constant 112 : index
        %parallel_loop3A_282 = tpu.vector_load %arg11[%parallel_loop3A_280, %parallel_loop3A_281] {strides = array<i32>} : memref<40x128xf32, #tpu.memory_space<vmem>>, vector<16xf32>,
        %parallel_loop3A_283 = arith.index_cast %parallel_loop3A_258 : i32 to index
        %parallel_loop3A_284 = arith.constant 0 : index
        %parallel_loop3A_285 = tpu.vector_load %arg12[%parallel_loop3A_283, %parallel_loop3A_284] {strides = array<i32>} : memref<40x128xf32, #tpu.memory_space<vmem>>, vector<16xf32>,
        %parallel_loop3A_286 = arith.index_cast %parallel_loop3A_258 : i32 to index
        %parallel_loop3A_287 = arith.constant 16 : index
        %parallel_loop3A_288 = tpu.vector_load %arg12[%parallel_loop3A_286, %parallel_loop3A_287] {strides = array<i32>} : memref<40x128xf32, #tpu.memory_space<vmem>>, vector<16xf32>,
        %parallel_loop3A_289 = arith.index_cast %parallel_loop3A_258 : i32 to index
        %parallel_loop3A_290 = arith.constant 32 : index
        %parallel_loop3A_291 = tpu.vector_load %arg12[%parallel_loop3A_289, %parallel_loop3A_290] {strides = array<i32>} : memref<40x128xf32, #tpu.memory_space<vmem>>, vector<16xf32>,
        %parallel_loop3A_292 = arith.index_cast %parallel_loop3A_258 : i32 to index
        %parallel_loop3A_293 = arith.constant 48 : index
        %parallel_loop3A_294 = tpu.vector_load %arg12[%parallel_loop3A_292, %parallel_loop3A_293] {strides = array<i32>} : memref<40x128xf32, #tpu.memory_space<vmem>>, vector<16xf32>,
        %parallel_loop3A_295 = arith.index_cast %parallel_loop3A_258 : i32 to index
        %parallel_loop3A_296 = arith.constant 64 : index
        %parallel_loop3A_297 = tpu.vector_load %arg12[%parallel_loop3A_295, %parallel_loop3A_296] {strides = array<i32>} : memref<40x128xf32, #tpu.memory_space<vmem>>, vector<16xf32>,
        %parallel_loop3A_298 = arith.index_cast %parallel_loop3A_258 : i32 to index
        %parallel_loop3A_299 = arith.constant 80 : index
        %parallel_loop3A_300 = tpu.vector_load %arg12[%parallel_loop3A_298, %parallel_loop3A_299] {strides = array<i32>} : memref<40x128xf32, #tpu.memory_space<vmem>>, vector<16xf32>,
        %parallel_loop3A_301 = arith.index_cast %parallel_loop3A_258 : i32 to index
        %parallel_loop3A_302 = arith.constant 96 : index
        %parallel_loop3A_303 = tpu.vector_load %arg12[%parallel_loop3A_301, %parallel_loop3A_302] {strides = array<i32>} : memref<40x128xf32, #tpu.memory_space<vmem>>, vector<16xf32>,
        %parallel_loop3A_304 = arith.index_cast %parallel_loop3A_258 : i32 to index
        %parallel_loop3A_305 = arith.constant 112 : index
        %parallel_loop3A_306 = tpu.vector_load %arg12[%parallel_loop3A_304, %parallel_loop3A_305] {strides = array<i32>} : memref<40x128xf32, #tpu.memory_space<vmem>>, vector<16xf32>,
        %parallel_loop3A_307 = arith.addf %parallel_loop3A_261, %parallel_loop3A_285 : vector<16xf32>
        %parallel_loop3A_308 = arith.addf %parallel_loop3A_264, %parallel_loop3A_288 : vector<16xf32>
        %parallel_loop3A_309 = arith.addf %parallel_loop3A_267, %parallel_loop3A_291 : vector<16xf32>
        %parallel_loop3A_310 = arith.addf %parallel_loop3A_270, %parallel_loop3A_294 : vector<16xf32>
        %parallel_loop3A_311 = arith.addf %parallel_loop3A_273, %parallel_loop3A_297 : vector<16xf32>
        %parallel_loop3A_312 = arith.addf %parallel_loop3A_276, %parallel_loop3A_300 : vector<16xf32>
        %parallel_loop3A_313 = arith.addf %parallel_loop3A_279, %parallel_loop3A_303 : vector<16xf32>
        %parallel_loop3A_314 = arith.addf %parallel_loop3A_282, %parallel_loop3A_306 : vector<16xf32>
        %parallel_loop3A_315 = arith.constant 2.000000e+01 : f32
        %parallel_loop3A_316 = vector.broadcast %parallel_loop3A_315 : f32 to vector<16xf32>
        %parallel_loop3A_317 = arith.minimumf %parallel_loop3A_307, %parallel_loop3A_316 : vector<16xf32>
        %parallel_loop3A_318 = math.exp %parallel_loop3A_317 : vector<16xf32>
        %parallel_loop3A_319 = arith.constant 2.000000e+01 : f32
        %parallel_loop3A_320 = vector.broadcast %parallel_loop3A_319 : f32 to vector<16xf32>
        %parallel_loop3A_321 = arith.minimumf %parallel_loop3A_308, %parallel_loop3A_320 : vector<16xf32>
        %parallel_loop3A_322 = math.exp %parallel_loop3A_321 : vector<16xf32>
        %parallel_loop3A_323 = arith.constant 2.000000e+01 : f32
        %parallel_loop3A_324 = vector.broadcast %parallel_loop3A_323 : f32 to vector<16xf32>
        %parallel_loop3A_325 = arith.minimumf %parallel_loop3A_309, %parallel_loop3A_324 : vector<16xf32>
        %parallel_loop3A_326 = math.exp %parallel_loop3A_325 : vector<16xf32>
        %parallel_loop3A_327 = arith.constant 2.000000e+01 : f32
        %parallel_loop3A_328 = vector.broadcast %parallel_loop3A_327 : f32 to vector<16xf32>
        %parallel_loop3A_329 = arith.minimumf %parallel_loop3A_310, %parallel_loop3A_328 : vector<16xf32>
        %parallel_loop3A_330 = math.exp %parallel_loop3A_329 : vector<16xf32>
        %parallel_loop3A_331 = arith.constant 2.000000e+01 : f32
        %parallel_loop3A_332 = vector.broadcast %parallel_loop3A_331 : f32 to vector<16xf32>
        %parallel_loop3A_333 = arith.minimumf %parallel_loop3A_311, %parallel_loop3A_332 : vector<16xf32>
        %parallel_loop3A_334 = math.exp %parallel_loop3A_333 : vector<16xf32>
        %parallel_loop3A_335 = arith.constant 2.000000e+01 : f32
        %parallel_loop3A_336 = vector.broadcast %parallel_loop3A_335 : f32 to vector<16xf32>
        %parallel_loop3A_337 = arith.minimumf %parallel_loop3A_312, %parallel_loop3A_336 : vector<16xf32>
        %parallel_loop3A_338 = math.exp %parallel_loop3A_337 : vector<16xf32>
        %parallel_loop3A_339 = arith.constant 2.000000e+01 : f32
        %parallel_loop3A_340 = vector.broadcast %parallel_loop3A_339 : f32 to vector<16xf32>
        %parallel_loop3A_341 = arith.minimumf %parallel_loop3A_313, %parallel_loop3A_340 : vector<16xf32>
        %parallel_loop3A_342 = math.exp %parallel_loop3A_341 : vector<16xf32>
        %parallel_loop3A_343 = arith.constant 2.000000e+01 : f32
        %parallel_loop3A_344 = vector.broadcast %parallel_loop3A_343 : f32 to vector<16xf32>
        %parallel_loop3A_345 = arith.minimumf %parallel_loop3A_314, %parallel_loop3A_344 : vector<16xf32>
        %parallel_loop3A_346 = math.exp %parallel_loop3A_345 : vector<16xf32>
        %parallel_loop3A_347 = arith.constant 2.000000e+00 : f32
        %parallel_loop3A_348 = vector.broadcast %parallel_loop3A_347 : f32 to vector<16xf32>
        %parallel_loop3A_349 = arith.addf %parallel_loop3A_318, %parallel_loop3A_348 : vector<16xf32>
        %parallel_loop3A_350 = arith.mulf %parallel_loop3A_318, %parallel_loop3A_349 : vector<16xf32>
        %parallel_loop3A_351 = arith.constant 2.000000e+00 : f32
        %parallel_loop3A_352 = vector.broadcast %parallel_loop3A_351 : f32 to vector<16xf32>
        %parallel_loop3A_353 = arith.addf %parallel_loop3A_322, %parallel_loop3A_352 : vector<16xf32>
        %parallel_loop3A_354 = arith.mulf %parallel_loop3A_322, %parallel_loop3A_353 : vector<16xf32>
        %parallel_loop3A_355 = arith.constant 2.000000e+00 : f32
        %parallel_loop3A_356 = vector.broadcast %parallel_loop3A_355 : f32 to vector<16xf32>
        %parallel_loop3A_357 = arith.addf %parallel_loop3A_326, %parallel_loop3A_356 : vector<16xf32>
        %parallel_loop3A_358 = arith.mulf %parallel_loop3A_326, %parallel_loop3A_357 : vector<16xf32>
        %parallel_loop3A_359 = arith.constant 2.000000e+00 : f32
        %parallel_loop3A_360 = vector.broadcast %parallel_loop3A_359 : f32 to vector<16xf32>
        %parallel_loop3A_361 = arith.addf %parallel_loop3A_330, %parallel_loop3A_360 : vector<16xf32>
        %parallel_loop3A_362 = arith.mulf %parallel_loop3A_330, %parallel_loop3A_361 : vector<16xf32>
        %parallel_loop3A_363 = arith.constant 2.000000e+00 : f32
        %parallel_loop3A_364 = vector.broadcast %parallel_loop3A_363 : f32 to vector<16xf32>
        %parallel_loop3A_365 = arith.addf %parallel_loop3A_334, %parallel_loop3A_364 : vector<16xf32>
        %parallel_loop3A_366 = arith.mulf %parallel_loop3A_334, %parallel_loop3A_365 : vector<16xf32>
        %parallel_loop3A_367 = arith.constant 2.000000e+00 : f32
        %parallel_loop3A_368 = vector.broadcast %parallel_loop3A_367 : f32 to vector<16xf32>
        %parallel_loop3A_369 = arith.addf %parallel_loop3A_338, %parallel_loop3A_368 : vector<16xf32>
        %parallel_loop3A_370 = arith.mulf %parallel_loop3A_338, %parallel_loop3A_369 : vector<16xf32>
        %parallel_loop3A_371 = arith.constant 2.000000e+00 : f32
        %parallel_loop3A_372 = vector.broadcast %parallel_loop3A_371 : f32 to vector<16xf32>
        %parallel_loop3A_373 = arith.addf %parallel_loop3A_342, %parallel_loop3A_372 : vector<16xf32>
        %parallel_loop3A_374 = arith.mulf %parallel_loop3A_342, %parallel_loop3A_373 : vector<16xf32>
        %parallel_loop3A_375 = arith.constant 2.000000e+00 : f32
        %parallel_loop3A_376 = vector.broadcast %parallel_loop3A_375 : f32 to vector<16xf32>
        %parallel_loop3A_377 = arith.addf %parallel_loop3A_346, %parallel_loop3A_376 : vector<16xf32>
        %parallel_loop3A_378 = arith.mulf %parallel_loop3A_346, %parallel_loop3A_377 : vector<16xf32>
        %parallel_loop3A_379 = arith.mulf %parallel_loop3A_307, %get3A_5 : vector<16xf32>
        %parallel_loop3A_380 = arith.mulf %parallel_loop3A_379, %parallel_loop3A_350 : vector<16xf32>
        %parallel_loop3A_381 = arith.constant 2.000000e+00 : f32
        %parallel_loop3A_382 = vector.broadcast %parallel_loop3A_381 : f32 to vector<16xf32>
        %parallel_loop3A_383 = arith.addf %parallel_loop3A_350, %parallel_loop3A_382 : vector<16xf32>
        %parallel_loop3A_384 = arith.divf %parallel_loop3A_380, %parallel_loop3A_383 : vector<16xf32>
        %parallel_loop3A_385 = arith.mulf %parallel_loop3A_308, %get3A_5 : vector<16xf32>
        %parallel_loop3A_386 = arith.mulf %parallel_loop3A_385, %parallel_loop3A_354 : vector<16xf32>
        %parallel_loop3A_387 = arith.constant 2.000000e+00 : f32
        %parallel_loop3A_388 = vector.broadcast %parallel_loop3A_387 : f32 to vector<16xf32>
        %parallel_loop3A_389 = arith.addf %parallel_loop3A_354, %parallel_loop3A_388 : vector<16xf32>
        %parallel_loop3A_390 = arith.divf %parallel_loop3A_386, %parallel_loop3A_389 : vector<16xf32>
        %parallel_loop3A_391 = arith.mulf %parallel_loop3A_309, %get3A_5 : vector<16xf32>
        %parallel_loop3A_392 = arith.mulf %parallel_loop3A_391, %parallel_loop3A_358 : vector<16xf32>
        %parallel_loop3A_393 = arith.constant 2.000000e+00 : f32
        %parallel_loop3A_394 = vector.broadcast %parallel_loop3A_393 : f32 to vector<16xf32>
        %parallel_loop3A_395 = arith.addf %parallel_loop3A_358, %parallel_loop3A_394 : vector<16xf32>
        %parallel_loop3A_396 = arith.divf %parallel_loop3A_392, %parallel_loop3A_395 : vector<16xf32>
        %parallel_loop3A_397 = arith.mulf %parallel_loop3A_310, %get3A_5 : vector<16xf32>
        %parallel_loop3A_398 = arith.mulf %parallel_loop3A_397, %parallel_loop3A_362 : vector<16xf32>
        %parallel_loop3A_399 = arith.constant 2.000000e+00 : f32
        %parallel_loop3A_400 = vector.broadcast %parallel_loop3A_399 : f32 to vector<16xf32>
        %parallel_loop3A_401 = arith.addf %parallel_loop3A_362, %parallel_loop3A_400 : vector<16xf32>
        %parallel_loop3A_402 = arith.divf %parallel_loop3A_398, %parallel_loop3A_401 : vector<16xf32>
        %parallel_loop3A_403 = arith.mulf %parallel_loop3A_311, %get3A_5 : vector<16xf32>
        %parallel_loop3A_404 = arith.mulf %parallel_loop3A_403, %parallel_loop3A_366 : vector<16xf32>
        %parallel_loop3A_405 = arith.constant 2.000000e+00 : f32
        %parallel_loop3A_406 = vector.broadcast %parallel_loop3A_405 : f32 to vector<16xf32>
        %parallel_loop3A_407 = arith.addf %parallel_loop3A_366, %parallel_loop3A_406 : vector<16xf32>
        %parallel_loop3A_408 = arith.divf %parallel_loop3A_404, %parallel_loop3A_407 : vector<16xf32>
        %parallel_loop3A_409 = arith.mulf %parallel_loop3A_312, %get3A_5 : vector<16xf32>
        %parallel_loop3A_410 = arith.mulf %parallel_loop3A_409, %parallel_loop3A_370 : vector<16xf32>
        %parallel_loop3A_411 = arith.constant 2.000000e+00 : f32
        %parallel_loop3A_412 = vector.broadcast %parallel_loop3A_411 : f32 to vector<16xf32>
        %parallel_loop3A_413 = arith.addf %parallel_loop3A_370, %parallel_loop3A_412 : vector<16xf32>
        %parallel_loop3A_414 = arith.divf %parallel_loop3A_410, %parallel_loop3A_413 : vector<16xf32>
        %parallel_loop3A_415 = arith.mulf %parallel_loop3A_313, %get3A_5 : vector<16xf32>
        %parallel_loop3A_416 = arith.mulf %parallel_loop3A_415, %parallel_loop3A_374 : vector<16xf32>
        %parallel_loop3A_417 = arith.constant 2.000000e+00 : f32
        %parallel_loop3A_418 = vector.broadcast %parallel_loop3A_417 : f32 to vector<16xf32>
        %parallel_loop3A_419 = arith.addf %parallel_loop3A_374, %parallel_loop3A_418 : vector<16xf32>
        %parallel_loop3A_420 = arith.divf %parallel_loop3A_416, %parallel_loop3A_419 : vector<16xf32>
        %parallel_loop3A_421 = arith.mulf %parallel_loop3A_314, %get3A_5 : vector<16xf32>
        %parallel_loop3A_422 = arith.mulf %parallel_loop3A_421, %parallel_loop3A_378 : vector<16xf32>
        %parallel_loop3A_423 = arith.constant 2.000000e+00 : f32
        %parallel_loop3A_424 = vector.broadcast %parallel_loop3A_423 : f32 to vector<16xf32>
        %parallel_loop3A_425 = arith.addf %parallel_loop3A_378, %parallel_loop3A_424 : vector<16xf32>
        %parallel_loop3A_426 = arith.divf %parallel_loop3A_422, %parallel_loop3A_425 : vector<16xf32>
        %parallel_loop3A_427 = arith.constant true
        %parallel_loop3A_428 = vector.broadcast %parallel_loop3A_427 : i1 to vector<16xi1>
        %parallel_loop3A_429 = tpu.scan <sum>, %parallel_loop3A_384 masked %parallel_loop3A_428 : vector<16xf32>, vector<16xi1> -> vector<16xf32>
        %parallel_loop3A_430 = vector.extract %parallel_loop3A_429[15] : f32 from vector<16xf32>
        %parallel_loop3A_431 = arith.constant true
        %parallel_loop3A_432 = vector.broadcast %parallel_loop3A_431 : i1 to vector<16xi1>
        %parallel_loop3A_433 = tpu.scan <sum>, %parallel_loop3A_390 masked %parallel_loop3A_432 : vector<16xf32>, vector<16xi1> -> vector<16xf32>
        %parallel_loop3A_434 = vector.extract %parallel_loop3A_433[15] : f32 from vector<16xf32>
        %parallel_loop3A_435 = arith.constant true
        %parallel_loop3A_436 = vector.broadcast %parallel_loop3A_435 : i1 to vector<16xi1>
        %parallel_loop3A_437 = tpu.scan <sum>, %parallel_loop3A_396 masked %parallel_loop3A_436 : vector<16xf32>, vector<16xi1> -> vector<16xf32>
        %parallel_loop3A_438 = vector.extract %parallel_loop3A_437[15] : f32 from vector<16xf32>
        %parallel_loop3A_439 = arith.constant true
        %parallel_loop3A_440 = vector.broadcast %parallel_loop3A_439 : i1 to vector<16xi1>
        %parallel_loop3A_441 = tpu.scan <sum>, %parallel_loop3A_402 masked %parallel_loop3A_440 : vector<16xf32>, vector<16xi1> -> vector<16xf32>
        %parallel_loop3A_442 = vector.extract %parallel_loop3A_441[15] : f32 from vector<16xf32>
        %parallel_loop3A_443 = arith.constant true
        %parallel_loop3A_444 = vector.broadcast %parallel_loop3A_443 : i1 to vector<16xi1>
        %parallel_loop3A_445 = tpu.scan <sum>, %parallel_loop3A_408 masked %parallel_loop3A_444 : vector<16xf32>, vector<16xi1> -> vector<16xf32>
        %parallel_loop3A_446 = vector.extract %parallel_loop3A_445[15] : f32 from vector<16xf32>
        %parallel_loop3A_447 = arith.constant true
        %parallel_loop3A_448 = vector.broadcast %parallel_loop3A_447 : i1 to vector<16xi1>
        %parallel_loop3A_449 = tpu.scan <sum>, %parallel_loop3A_414 masked %parallel_loop3A_448 : vector<16xf32>, vector<16xi1> -> vector<16xf32>
        %parallel_loop3A_450 = vector.extract %parallel_loop3A_449[15] : f32 from vector<16xf32>
        %parallel_loop3A_451 = arith.constant true
        %parallel_loop3A_452 = vector.broadcast %parallel_loop3A_451 : i1 to vector<16xi1>
        %parallel_loop3A_453 = tpu.scan <sum>, %parallel_loop3A_420 masked %parallel_loop3A_452 : vector<16xf32>, vector<16xi1> -> vector<16xf32>
        %parallel_loop3A_454 = vector.extract %parallel_loop3A_453[15] : f32 from vector<16xf32>
        %parallel_loop3A_455 = arith.constant true
        %parallel_loop3A_456 = vector.broadcast %parallel_loop3A_455 : i1 to vector<16xi1>
        %parallel_loop3A_457 = tpu.scan <sum>, %parallel_loop3A_426 masked %parallel_loop3A_456 : vector<16xf32>, vector<16xi1> -> vector<16xf32>
        %parallel_loop3A_458 = vector.extract %parallel_loop3A_457[15] : f32 from vector<16xf32>
        %parallel_loop3A_459 = vector.broadcast %parallel_loop3A_430 : f32 to vector<16xf32>
        %parallel_loop3A_460 = math.exp %parallel_loop3A_459 : vector<16xf32>
        %parallel_loop3A_461 = vector.broadcast %parallel_loop3A_434 : f32 to vector<16xf32>
        %parallel_loop3A_462 = math.exp %parallel_loop3A_461 : vector<16xf32>
        %parallel_loop3A_463 = vector.broadcast %parallel_loop3A_438 : f32 to vector<16xf32>
        %parallel_loop3A_464 = math.exp %parallel_loop3A_463 : vector<16xf32>
        %parallel_loop3A_465 = vector.broadcast %parallel_loop3A_442 : f32 to vector<16xf32>
        %parallel_loop3A_466 = math.exp %parallel_loop3A_465 : vector<16xf32>
        %parallel_loop3A_467 = vector.broadcast %parallel_loop3A_446 : f32 to vector<16xf32>
        %parallel_loop3A_468 = math.exp %parallel_loop3A_467 : vector<16xf32>
        %parallel_loop3A_469 = vector.broadcast %parallel_loop3A_450 : f32 to vector<16xf32>
        %parallel_loop3A_470 = math.exp %parallel_loop3A_469 : vector<16xf32>
        %parallel_loop3A_471 = vector.broadcast %parallel_loop3A_454 : f32 to vector<16xf32>
        %parallel_loop3A_472 = math.exp %parallel_loop3A_471 : vector<16xf32>
        %parallel_loop3A_473 = vector.broadcast %parallel_loop3A_458 : f32 to vector<16xf32>
        %parallel_loop3A_474 = math.exp %parallel_loop3A_473 : vector<16xf32>
        %parallel_loop3A_475 = arith.constant 0.000000e+00 : f32
        %parallel_loop3A_476 = vector.broadcast %parallel_loop3A_475 : f32 to vector<16xf32>
        %parallel_loop3A_477 = arith.mulf %parallel_loop3A_261, %parallel_loop3A_460 : vector<16xf32>
        %parallel_loop3A_478 = arith.index_cast %parallel_loop3A_258 : i32 to index
        %parallel_loop3A_479 = arith.constant 0 : index
        %parallel_loop3A_480 = tpu.vector_load %arg13[%parallel_loop3A_478, %parallel_loop3A_479] {strides = array<i32>} : memref<40x144xf32, #tpu.memory_space<vmem>>, vector<16xf32>,
        tpu.vector_store %arg13[%parallel_loop3A_478, %parallel_loop3A_479], %parallel_loop3A_477 {strides = array<i32>} : memref<40x144xf32, #tpu.memory_space<vmem>>, vector<16xf32>,
        %parallel_loop3A_481 = arith.constant 0.000000e+00 : f32
        %parallel_loop3A_482 = vector.broadcast %parallel_loop3A_481 : f32 to vector<16xf32>
        %parallel_loop3A_483 = arith.select %eq3A_7, %parallel_loop3A_460, %parallel_loop3A_482 : vector<16xi1>, vector<16xf32>
        %parallel_loop3A_484 = arith.addf %parallel_loop3A_476, %parallel_loop3A_483 : vector<16xf32>
        %parallel_loop3A_485 = arith.mulf %parallel_loop3A_264, %parallel_loop3A_462 : vector<16xf32>
        %parallel_loop3A_486 = arith.index_cast %parallel_loop3A_258 : i32 to index
        %parallel_loop3A_487 = arith.constant 16 : index
        %parallel_loop3A_488 = tpu.vector_load %arg13[%parallel_loop3A_486, %parallel_loop3A_487] {strides = array<i32>} : memref<40x144xf32, #tpu.memory_space<vmem>>, vector<16xf32>,
        tpu.vector_store %arg13[%parallel_loop3A_486, %parallel_loop3A_487], %parallel_loop3A_485 {strides = array<i32>} : memref<40x144xf32, #tpu.memory_space<vmem>>, vector<16xf32>,
        %parallel_loop3A_489 = arith.constant 0.000000e+00 : f32
        %parallel_loop3A_490 = vector.broadcast %parallel_loop3A_489 : f32 to vector<16xf32>
        %parallel_loop3A_491 = arith.select %eq3A_10, %parallel_loop3A_462, %parallel_loop3A_490 : vector<16xi1>, vector<16xf32>
        %parallel_loop3A_492 = arith.addf %parallel_loop3A_484, %parallel_loop3A_491 : vector<16xf32>
        %parallel_loop3A_493 = arith.mulf %parallel_loop3A_267, %parallel_loop3A_464 : vector<16xf32>
        %parallel_loop3A_494 = arith.index_cast %parallel_loop3A_258 : i32 to index
        %parallel_loop3A_495 = arith.constant 32 : index
        %parallel_loop3A_496 = tpu.vector_load %arg13[%parallel_loop3A_494, %parallel_loop3A_495] {strides = array<i32>} : memref<40x144xf32, #tpu.memory_space<vmem>>, vector<16xf32>,
        tpu.vector_store %arg13[%parallel_loop3A_494, %parallel_loop3A_495], %parallel_loop3A_493 {strides = array<i32>} : memref<40x144xf32, #tpu.memory_space<vmem>>, vector<16xf32>,
        %parallel_loop3A_497 = arith.constant 0.000000e+00 : f32
        %parallel_loop3A_498 = vector.broadcast %parallel_loop3A_497 : f32 to vector<16xf32>
        %parallel_loop3A_499 = arith.select %eq3A_13, %parallel_loop3A_464, %parallel_loop3A_498 : vector<16xi1>, vector<16xf32>
        %parallel_loop3A_500 = arith.addf %parallel_loop3A_492, %parallel_loop3A_499 : vector<16xf32>
        %parallel_loop3A_501 = arith.mulf %parallel_loop3A_270, %parallel_loop3A_466 : vector<16xf32>
        %parallel_loop3A_502 = arith.index_cast %parallel_loop3A_258 : i32 to index
        %parallel_loop3A_503 = arith.constant 48 : index
        %parallel_loop3A_504 = tpu.vector_load %arg13[%parallel_loop3A_502, %parallel_loop3A_503] {strides = array<i32>} : memref<40x144xf32, #tpu.memory_space<vmem>>, vector<16xf32>,
        tpu.vector_store %arg13[%parallel_loop3A_502, %parallel_loop3A_503], %parallel_loop3A_501 {strides = array<i32>} : memref<40x144xf32, #tpu.memory_space<vmem>>, vector<16xf32>,
        %parallel_loop3A_505 = arith.constant 0.000000e+00 : f32
        %parallel_loop3A_506 = vector.broadcast %parallel_loop3A_505 : f32 to vector<16xf32>
        %parallel_loop3A_507 = arith.select %eq3A_16, %parallel_loop3A_466, %parallel_loop3A_506 : vector<16xi1>, vector<16xf32>
        %parallel_loop3A_508 = arith.addf %parallel_loop3A_500, %parallel_loop3A_507 : vector<16xf32>
        %parallel_loop3A_509 = arith.mulf %parallel_loop3A_273, %parallel_loop3A_468 : vector<16xf32>
        %parallel_loop3A_510 = arith.index_cast %parallel_loop3A_258 : i32 to index
        %parallel_loop3A_511 = arith.constant 64 : index
        %parallel_loop3A_512 = tpu.vector_load %arg13[%parallel_loop3A_510, %parallel_loop3A_511] {strides = array<i32>} : memref<40x144xf32, #tpu.memory_space<vmem>>, vector<16xf32>,
        tpu.vector_store %arg13[%parallel_loop3A_510, %parallel_loop3A_511], %parallel_loop3A_509 {strides = array<i32>} : memref<40x144xf32, #tpu.memory_space<vmem>>, vector<16xf32>,
        %parallel_loop3A_513 = arith.constant 0.000000e+00 : f32
        %parallel_loop3A_514 = vector.broadcast %parallel_loop3A_513 : f32 to vector<16xf32>
        %parallel_loop3A_515 = arith.select %eq3A_19, %parallel_loop3A_468, %parallel_loop3A_514 : vector<16xi1>, vector<16xf32>
        %parallel_loop3A_516 = arith.addf %parallel_loop3A_508, %parallel_loop3A_515 : vector<16xf32>
        %parallel_loop3A_517 = arith.mulf %parallel_loop3A_276, %parallel_loop3A_470 : vector<16xf32>
        %parallel_loop3A_518 = arith.index_cast %parallel_loop3A_258 : i32 to index
        %parallel_loop3A_519 = arith.constant 80 : index
        %parallel_loop3A_520 = tpu.vector_load %arg13[%parallel_loop3A_518, %parallel_loop3A_519] {strides = array<i32>} : memref<40x144xf32, #tpu.memory_space<vmem>>, vector<16xf32>,
        tpu.vector_store %arg13[%parallel_loop3A_518, %parallel_loop3A_519], %parallel_loop3A_517 {strides = array<i32>} : memref<40x144xf32, #tpu.memory_space<vmem>>, vector<16xf32>,
        %parallel_loop3A_521 = arith.constant 0.000000e+00 : f32
        %parallel_loop3A_522 = vector.broadcast %parallel_loop3A_521 : f32 to vector<16xf32>
        %parallel_loop3A_523 = arith.select %eq3A_22, %parallel_loop3A_470, %parallel_loop3A_522 : vector<16xi1>, vector<16xf32>
        %parallel_loop3A_524 = arith.addf %parallel_loop3A_516, %parallel_loop3A_523 : vector<16xf32>
        %parallel_loop3A_525 = arith.mulf %parallel_loop3A_279, %parallel_loop3A_472 : vector<16xf32>
        %parallel_loop3A_526 = arith.index_cast %parallel_loop3A_258 : i32 to index
        %parallel_loop3A_527 = arith.constant 96 : index
        %parallel_loop3A_528 = tpu.vector_load %arg13[%parallel_loop3A_526, %parallel_loop3A_527] {strides = array<i32>} : memref<40x144xf32, #tpu.memory_space<vmem>>, vector<16xf32>,
        tpu.vector_store %arg13[%parallel_loop3A_526, %parallel_loop3A_527], %parallel_loop3A_525 {strides = array<i32>} : memref<40x144xf32, #tpu.memory_space<vmem>>, vector<16xf32>,
        %parallel_loop3A_529 = arith.constant 0.000000e+00 : f32
        %parallel_loop3A_530 = vector.broadcast %parallel_loop3A_529 : f32 to vector<16xf32>
        %parallel_loop3A_531 = arith.select %eq3A_25, %parallel_loop3A_472, %parallel_loop3A_530 : vector<16xi1>, vector<16xf32>
        %parallel_loop3A_532 = arith.addf %parallel_loop3A_524, %parallel_loop3A_531 : vector<16xf32>
        %parallel_loop3A_533 = arith.mulf %parallel_loop3A_282, %parallel_loop3A_474 : vector<16xf32>
        %parallel_loop3A_534 = arith.index_cast %parallel_loop3A_258 : i32 to index
        %parallel_loop3A_535 = arith.constant 112 : index
        %parallel_loop3A_536 = tpu.vector_load %arg13[%parallel_loop3A_534, %parallel_loop3A_535] {strides = array<i32>} : memref<40x144xf32, #tpu.memory_space<vmem>>, vector<16xf32>,
        tpu.vector_store %arg13[%parallel_loop3A_534, %parallel_loop3A_535], %parallel_loop3A_533 {strides = array<i32>} : memref<40x144xf32, #tpu.memory_space<vmem>>, vector<16xf32>,
        %parallel_loop3A_537 = arith.constant 0.000000e+00 : f32
        %parallel_loop3A_538 = vector.broadcast %parallel_loop3A_537 : f32 to vector<16xf32>
        %parallel_loop3A_539 = arith.select %eq3A_28, %parallel_loop3A_474, %parallel_loop3A_538 : vector<16xi1>, vector<16xf32>
        %parallel_loop3A_540 = arith.addf %parallel_loop3A_532, %parallel_loop3A_539 : vector<16xf32>
        %parallel_loop3A_541 = arith.index_cast %parallel_loop3A_258 : i32 to index
        %parallel_loop3A_542 = arith.constant 128 : index
        %parallel_loop3A_543 = tpu.vector_load %arg13[%parallel_loop3A_541, %parallel_loop3A_542] {strides = array<i32>} : memref<40x144xf32, #tpu.memory_space<vmem>>, vector<16xf32>,
        tpu.vector_store %arg13[%parallel_loop3A_541, %parallel_loop3A_542], %parallel_loop3A_540 {strides = array<i32>} : memref<40x144xf32, #tpu.memory_space<vmem>>, vector<16xf32>,
      } {sc.loop_unroll_factor = 2 : i64, sc.parallel_access}
      %dma_start3A_172 = arith.constant 0 : i32
      %dma_start3A_173 = arith.constant 0 : i32
      %dma_start3A_174 = tpu.memref_slice %arg8[%dma_start3A_172, %dma_start3A_173] : memref<10000x144xf32, #tpu.memory_space<vmem_shared>> -> memref<10000x144xf32, #tpu.memory_space<vmem_shared>>
      tpu.enqueue_indirect_dma source(%arg13 : memref<40x144xf32, #tpu.memory_space<vmem>>) target(%dma_start3A_174 : memref<10000x144xf32, #tpu.memory_space<vmem_shared>>) offsets(%arg10 : memref<40xi32, #tpu.memory_space<vmem>>) semaphore(%arg26 : memref<!tpu.dma_semaphore, #tpu.memory_space<semaphore_mem>>) {add = true}
      %add3A_175 = arith.constant 1 : i32
      %add3A_176 = arith.addi %add3A_97, %add3A_175 : i32
      %dma_wait3A_177 = arith.constant 0 : i32
      %dma_wait3A_178 = arith.constant 0 : i32
      %dma_wait3A_179 = arith.constant 0 : i32
      %dma_wait3A_180 = tpu.memref_slice %arg4[%dma_wait3A_177, %dma_wait3A_178, %dma_wait3A_179] : memref<8000x2x40xi32, #tpu.memory_space<hbm>> -> memref<1x2x40xi32, #tpu.memory_space<hbm>>
      %dma_wait3A_181 = tpu.memref_squeeze %dma_wait3A_180 : memref<1x2x40xi32, #tpu.memory_space<hbm>> -> memref<2x40xi32, #tpu.memory_space<hbm>>
      %dma_wait3A_182 = arith.constant 0 : i32
      %dma_wait3A_183 = arith.constant 0 : i32
      %dma_wait3A_184 = tpu.memref_slice %arg4[%dma_wait3A_177, %dma_wait3A_182, %dma_wait3A_183] : memref<8000x2x40xi32, #tpu.memory_space<hbm>> -> memref<1x2x40xi32, #tpu.memory_space<hbm>>
      %dma_wait3A_185 = tpu.memref_squeeze %dma_wait3A_184 : memref<1x2x40xi32, #tpu.memory_space<hbm>> -> memref<2x40xi32, #tpu.memory_space<hbm>>
      tpu.wait_dma2 semaphore(%arg20 : memref<!tpu.dma_semaphore, #tpu.memory_space<semaphore_mem>>) src(%dma_wait3A_185 : memref<2x40xi32, #tpu.memory_space<hbm>>) dst(%arg9 : memref<2x40xi32, #tpu.memory_space<vmem>>)
      %dma_start3A_186 = arith.constant 0 : i32
      %dma_start3A_187 = arith.constant 0 : i32
      %dma_start3A_188 = tpu.memref_slice %arg9[%dma_start3A_186, %dma_start3A_187] : memref<2x40xi32, #tpu.memory_space<vmem>> -> memref<1x40xi32, #tpu.memory_space<vmem>>
      %dma_start3A_189 = tpu.memref_squeeze %dma_start3A_188 : memref<1x40xi32, #tpu.memory_space<vmem>> -> memref<40xi32, #tpu.memory_space<vmem>>
      %dma_start3A_190 = arith.constant 0 : i32
      %dma_start3A_191 = arith.constant 0 : i32
      %dma_start3A_192 = tpu.memref_slice %arg2[%dma_start3A_190, %dma_start3A_191] : memref<10000x128xf32, #tpu.memory_space<hbm>> -> memref<10000x128xf32, #tpu.memory_space<hbm>>
      tpu.enqueue_indirect_dma source(%dma_start3A_192 : memref<10000x128xf32, #tpu.memory_space<hbm>>) target(%arg11 : memref<40x128xf32, #tpu.memory_space<vmem>>) offsets(%dma_start3A_189 : memref<40xi32, #tpu.memory_space<vmem>>) semaphore(%arg22 : memref<!tpu.dma_semaphore, #tpu.memory_space<semaphore_mem>>)
      %dma_start3A_193 = arith.constant 1 : i32
      %dma_start3A_194 = arith.constant 0 : i32
      %dma_start3A_195 = tpu.memref_slice %arg9[%dma_start3A_193, %dma_start3A_194] : memref<2x40xi32, #tpu.memory_space<vmem>> -> memref<1x40xi32, #tpu.memory_space<vmem>>
      %dma_start3A_196 = tpu.memref_squeeze %dma_start3A_195 : memref<1x40xi32, #tpu.memory_space<vmem>> -> memref<40xi32, #tpu.memory_space<vmem>>
      %dma_start3A_197 = arith.constant 0 : i32
      %dma_start3A_198 = arith.constant 0 : i32
      %dma_start3A_199 = tpu.memref_slice %arg3[%dma_start3A_197, %dma_start3A_198] : memref<10000x128xf32, #tpu.memory_space<hbm>> -> memref<10000x128xf32, #tpu.memory_space<hbm>>
      tpu.enqueue_indirect_dma source(%dma_start3A_199 : memref<10000x128xf32, #tpu.memory_space<hbm>>) target(%arg12 : memref<40x128xf32, #tpu.memory_space<vmem>>) offsets(%dma_start3A_196 : memref<40xi32, #tpu.memory_space<vmem>>) semaphore(%arg23 : memref<!tpu.dma_semaphore, #tpu.memory_space<semaphore_mem>>)
      %dma_wait3A_200 = arith.constant 0 : i32
      %dma_wait3A_201 = arith.constant 0 : i32
      %dma_wait3A_202 = tpu.memref_slice %arg14[%dma_wait3A_200, %dma_wait3A_201] : memref<2x40xi32, #tpu.memory_space<vmem>> -> memref<1x40xi32, #tpu.memory_space<vmem>>
      %dma_wait3A_203 = tpu.memref_squeeze %dma_wait3A_202 : memref<1x40xi32, #tpu.memory_space<vmem>> -> memref<40xi32, #tpu.memory_space<vmem>>
      %dma_wait3A_204 = arith.constant 0 : i32
      %dma_wait3A_205 = arith.constant 0 : i32
      %dma_wait3A_206 = tpu.memref_slice %arg2[%dma_wait3A_204, %dma_wait3A_205] : memref<10000x128xf32, #tpu.memory_space<hbm>> -> memref<10000x128xf32, #tpu.memory_space<hbm>>
      tpu.wait_indirect_dma semaphore(%arg24 : memref<!tpu.dma_semaphore, #tpu.memory_space<semaphore_mem>>) src(%dma_wait3A_206 : memref<10000x128xf32, #tpu.memory_space<hbm>>) dst(%arg16 : memref<40x128xf32, #tpu.memory_space<vmem>>)
      %dma_wait3A_207 = arith.constant 1 : i32
      %dma_wait3A_208 = arith.constant 0 : i32
      %dma_wait3A_209 = tpu.memref_slice %arg14[%dma_wait3A_207, %dma_wait3A_208] : memref<2x40xi32, #tpu.memory_space<vmem>> -> memref<1x40xi32, #tpu.memory_space<vmem>>
      %dma_wait3A_210 = tpu.memref_squeeze %dma_wait3A_209 : memref<1x40xi32, #tpu.memory_space<vmem>> -> memref<40xi32, #tpu.memory_space<vmem>>
      %dma_wait3A_211 = arith.constant 0 : i32
      %dma_wait3A_212 = arith.constant 0 : i32
      %dma_wait3A_213 = tpu.memref_slice %arg3[%dma_wait3A_211, %dma_wait3A_212] : memref<10000x128xf32, #tpu.memory_space<hbm>> -> memref<10000x128xf32, #tpu.memory_space<hbm>>
      tpu.wait_indirect_dma semaphore(%arg25 : memref<!tpu.dma_semaphore, #tpu.memory_space<semaphore_mem>>) src(%dma_wait3A_213 : memref<10000x128xf32, #tpu.memory_space<hbm>>) dst(%arg17 : memref<40x128xf32, #tpu.memory_space<vmem>>)
      %ge3A_214 = arith.constant 2 : i32
      %ge3A_215 = arith.cmpi sge, %add3A_176, %ge3A_214 : i32
      %convert_element_type3A_216 = arith.extui %ge3A_215 : i1 to i32
      %cond3A_217 = arith.constant 0 : i32
      %cond3A_218 = arith.cmpi ne, %convert_element_type3A_216, %cond3A_217 : i32
      scf.if %cond3A_218 {
        %dma_wait3A_258 = arith.constant 0 : i32
        %dma_wait3A_259 = arith.constant 0 : i32
        %dma_wait3A_260 = tpu.memref_slice %arg8[%dma_wait3A_258, %dma_wait3A_259] : memref<10000x144xf32, #tpu.memory_space<vmem_shared>> -> memref<10000x144xf32, #tpu.memory_space<vmem_shared>>
        tpu.wait_indirect_dma semaphore(%arg27 : memref<!tpu.dma_semaphore, #tpu.memory_space<semaphore_mem>>) src(%arg18 : memref<40x144xf32, #tpu.memory_space<vmem>>) dst(%dma_wait3A_260 : memref<10000x144xf32, #tpu.memory_space<vmem_shared>>)
      } else {
      }
      %get3A_219 = arith.constant 1 : i32
      %get3A_220 = arith.index_cast %get3A_219 : i32 to index
      %get3A_221 = arith.constant 0 : index
      %get3A_222 = tpu.vector_load %arg14[%get3A_220, %get3A_221] {strides = array<i32>} : memref<2x40xi32, #tpu.memory_space<vmem>>, vector<16xi32>,
      %swap3A_223 = arith.constant 0 : index
      %swap3A_224 = tpu.vector_load %arg15[%swap3A_223] {strides = array<i32>} : memref<40xi32, #tpu.memory_space<vmem>>, vector<16xi32>,
      tpu.vector_store %arg15[%swap3A_223], %get3A_222 {strides = array<i32>} : memref<40xi32, #tpu.memory_space<vmem>>, vector<16xi32>,
      %get3A_225 = arith.constant 1 : i32
      %get3A_226 = arith.index_cast %get3A_225 : i32 to index
      %get3A_227 = arith.constant 16 : index
      %get3A_228 = tpu.vector_load %arg14[%get3A_226, %get3A_227] {strides = array<i32>} : memref<2x40xi32, #tpu.memory_space<vmem>>, vector<16xi32>,
      %swap3A_229 = arith.constant 16 : index
      %swap3A_230 = tpu.vector_load %arg15[%swap3A_229] {strides = array<i32>} : memref<40xi32, #tpu.memory_space<vmem>>, vector<16xi32>,
      tpu.vector_store %arg15[%swap3A_229], %get3A_228 {strides = array<i32>} : memref<40xi32, #tpu.memory_space<vmem>>, vector<16xi32>,
      %get3A_231 = arith.constant 1 : i32
      %get3A_232 = arith.index_cast %get3A_231 : i32 to index
      %get3A_233 = arith.constant 24 : index
      %get3A_234 = tpu.vector_load %arg14[%get3A_232, %get3A_233] {strides = array<i32>} : memref<2x40xi32, #tpu.memory_space<vmem>>, vector<16xi32>,
      %swap3A_235 = arith.constant 24 : index
      %swap3A_236 = tpu.vector_load %arg15[%swap3A_235] {strides = array<i32>} : memref<40xi32, #tpu.memory_space<vmem>>, vector<16xi32>,
      tpu.vector_store %arg15[%swap3A_235], %get3A_234 {strides = array<i32>} : memref<40xi32, #tpu.memory_space<vmem>>, vector<16xi32>,
      %add3A_237 = arith.constant 2 : i32
      %add3A_238 = arith.addi %add3A_176, %add3A_237 : i32
      %min3A_239 = arith.constant 249 : i32
      %min3A_240 = arith.minsi %add3A_238, %min3A_239 : i32
      %mul3A_241 = arith.constant 250 : i32
      %mul3A_242 = arith.muli %add3A, %mul3A_241 : i32
      %add3A_243 = arith.addi %mul3A_242, %min3A_240 : i32
      %dma_start3A_244 = arith.constant 0 : i32
      %dma_start3A_245 = arith.constant 0 : i32
      %dma_start3A_246 = tpu.memref_slice %arg4[%add3A_243, %dma_start3A_244, %dma_start3A_245] : memref<8000x2x40xi32, #tpu.memory_space<hbm>> -> memref<1x2x40xi32, #tpu.memory_space<hbm>>
      %dma_start3A_247 = tpu.memref_squeeze %dma_start3A_246 : memref<1x2x40xi32, #tpu.memory_space<hbm>> -> memref<2x40xi32, #tpu.memory_space<hbm>>
      %dma_start3A_248 = arith.constant 0 : i32
      %dma_start3A_249 = arith.constant 0 : i32
      %dma_start3A_250 = tpu.memref_slice %arg4[%add3A_243, %dma_start3A_248, %dma_start3A_249] : memref<8000x2x40xi32, #tpu.memory_space<hbm>> -> memref<1x2x40xi32, #tpu.memory_space<hbm>>
      %dma_start3A_251 = tpu.memref_squeeze %dma_start3A_250 : memref<1x2x40xi32, #tpu.memory_space<hbm>> -> memref<2x40xi32, #tpu.memory_space<hbm>>
      tpu.enqueue_dma source(%dma_start3A_251 : memref<2x40xi32, #tpu.memory_space<hbm>>) target(%arg14 : memref<2x40xi32, #tpu.memory_space<vmem>>) target_semaphore(%arg21 : memref<!tpu.dma_semaphore, #tpu.memory_space<semaphore_mem>>)
      %parallel_loop3A_252 = arith.constant 0 : i32
      %parallel_loop3A_253 = arith.constant 40 : i32
      %parallel_loop3A_254 = arith.constant 1 : i32
      scf.for %parallel_loop3A_258 = %parallel_loop3A_252 to %parallel_loop3A_253 step %parallel_loop3A_254  : i32 {
        %parallel_loop3A_259 = arith.index_cast %parallel_loop3A_258 : i32 to index
        %parallel_loop3A_260 = arith.constant 0 : index
        %parallel_loop3A_261 = tpu.vector_load %arg16[%parallel_loop3A_259, %parallel_loop3A_260] {strides = array<i32>} : memref<40x128xf32, #tpu.memory_space<vmem>>, vector<16xf32>,
        %parallel_loop3A_262 = arith.index_cast %parallel_loop3A_258 : i32 to index
        %parallel_loop3A_263 = arith.constant 16 : index
        %parallel_loop3A_264 = tpu.vector_load %arg16[%parallel_loop3A_262, %parallel_loop3A_263] {strides = array<i32>} : memref<40x128xf32, #tpu.memory_space<vmem>>, vector<16xf32>,
        %parallel_loop3A_265 = arith.index_cast %parallel_loop3A_258 : i32 to index
        %parallel_loop3A_266 = arith.constant 32 : index
        %parallel_loop3A_267 = tpu.vector_load %arg16[%parallel_loop3A_265, %parallel_loop3A_266] {strides = array<i32>} : memref<40x128xf32, #tpu.memory_space<vmem>>, vector<16xf32>,
        %parallel_loop3A_268 = arith.index_cast %parallel_loop3A_258 : i32 to index
        %parallel_loop3A_269 = arith.constant 48 : index
        %parallel_loop3A_270 = tpu.vector_load %arg16[%parallel_loop3A_268, %parallel_loop3A_269] {strides = array<i32>} : memref<40x128xf32, #tpu.memory_space<vmem>>, vector<16xf32>,
        %parallel_loop3A_271 = arith.index_cast %parallel_loop3A_258 : i32 to index
        %parallel_loop3A_272 = arith.constant 64 : index
        %parallel_loop3A_273 = tpu.vector_load %arg16[%parallel_loop3A_271, %parallel_loop3A_272] {strides = array<i32>} : memref<40x128xf32, #tpu.memory_space<vmem>>, vector<16xf32>,
        %parallel_loop3A_274 = arith.index_cast %parallel_loop3A_258 : i32 to index
        %parallel_loop3A_275 = arith.constant 80 : index
        %parallel_loop3A_276 = tpu.vector_load %arg16[%parallel_loop3A_274, %parallel_loop3A_275] {strides = array<i32>} : memref<40x128xf32, #tpu.memory_space<vmem>>, vector<16xf32>,
        %parallel_loop3A_277 = arith.index_cast %parallel_loop3A_258 : i32 to index
        %parallel_loop3A_278 = arith.constant 96 : index
        %parallel_loop3A_279 = tpu.vector_load %arg16[%parallel_loop3A_277, %parallel_loop3A_278] {strides = array<i32>} : memref<40x128xf32, #tpu.memory_space<vmem>>, vector<16xf32>,
        %parallel_loop3A_280 = arith.index_cast %parallel_loop3A_258 : i32 to index
        %parallel_loop3A_281 = arith.constant 112 : index
        %parallel_loop3A_282 = tpu.vector_load %arg16[%parallel_loop3A_280, %parallel_loop3A_281] {strides = array<i32>} : memref<40x128xf32, #tpu.memory_space<vmem>>, vector<16xf32>,
        %parallel_loop3A_283 = arith.index_cast %parallel_loop3A_258 : i32 to index
        %parallel_loop3A_284 = arith.constant 0 : index
        %parallel_loop3A_285 = tpu.vector_load %arg17[%parallel_loop3A_283, %parallel_loop3A_284] {strides = array<i32>} : memref<40x128xf32, #tpu.memory_space<vmem>>, vector<16xf32>,
        %parallel_loop3A_286 = arith.index_cast %parallel_loop3A_258 : i32 to index
        %parallel_loop3A_287 = arith.constant 16 : index
        %parallel_loop3A_288 = tpu.vector_load %arg17[%parallel_loop3A_286, %parallel_loop3A_287] {strides = array<i32>} : memref<40x128xf32, #tpu.memory_space<vmem>>, vector<16xf32>,
        %parallel_loop3A_289 = arith.index_cast %parallel_loop3A_258 : i32 to index
        %parallel_loop3A_290 = arith.constant 32 : index
        %parallel_loop3A_291 = tpu.vector_load %arg17[%parallel_loop3A_289, %parallel_loop3A_290] {strides = array<i32>} : memref<40x128xf32, #tpu.memory_space<vmem>>, vector<16xf32>,
        %parallel_loop3A_292 = arith.index_cast %parallel_loop3A_258 : i32 to index
        %parallel_loop3A_293 = arith.constant 48 : index
        %parallel_loop3A_294 = tpu.vector_load %arg17[%parallel_loop3A_292, %parallel_loop3A_293] {strides = array<i32>} : memref<40x128xf32, #tpu.memory_space<vmem>>, vector<16xf32>,
        %parallel_loop3A_295 = arith.index_cast %parallel_loop3A_258 : i32 to index
        %parallel_loop3A_296 = arith.constant 64 : index
        %parallel_loop3A_297 = tpu.vector_load %arg17[%parallel_loop3A_295, %parallel_loop3A_296] {strides = array<i32>} : memref<40x128xf32, #tpu.memory_space<vmem>>, vector<16xf32>,
        %parallel_loop3A_298 = arith.index_cast %parallel_loop3A_258 : i32 to index
        %parallel_loop3A_299 = arith.constant 80 : index
        %parallel_loop3A_300 = tpu.vector_load %arg17[%parallel_loop3A_298, %parallel_loop3A_299] {strides = array<i32>} : memref<40x128xf32, #tpu.memory_space<vmem>>, vector<16xf32>,
        %parallel_loop3A_301 = arith.index_cast %parallel_loop3A_258 : i32 to index
        %parallel_loop3A_302 = arith.constant 96 : index
        %parallel_loop3A_303 = tpu.vector_load %arg17[%parallel_loop3A_301, %parallel_loop3A_302] {strides = array<i32>} : memref<40x128xf32, #tpu.memory_space<vmem>>, vector<16xf32>,
        %parallel_loop3A_304 = arith.index_cast %parallel_loop3A_258 : i32 to index
        %parallel_loop3A_305 = arith.constant 112 : index
        %parallel_loop3A_306 = tpu.vector_load %arg17[%parallel_loop3A_304, %parallel_loop3A_305] {strides = array<i32>} : memref<40x128xf32, #tpu.memory_space<vmem>>, vector<16xf32>,
        %parallel_loop3A_307 = arith.addf %parallel_loop3A_261, %parallel_loop3A_285 : vector<16xf32>
        %parallel_loop3A_308 = arith.addf %parallel_loop3A_264, %parallel_loop3A_288 : vector<16xf32>
        %parallel_loop3A_309 = arith.addf %parallel_loop3A_267, %parallel_loop3A_291 : vector<16xf32>
        %parallel_loop3A_310 = arith.addf %parallel_loop3A_270, %parallel_loop3A_294 : vector<16xf32>
        %parallel_loop3A_311 = arith.addf %parallel_loop3A_273, %parallel_loop3A_297 : vector<16xf32>
        %parallel_loop3A_312 = arith.addf %parallel_loop3A_276, %parallel_loop3A_300 : vector<16xf32>
        %parallel_loop3A_313 = arith.addf %parallel_loop3A_279, %parallel_loop3A_303 : vector<16xf32>
        %parallel_loop3A_314 = arith.addf %parallel_loop3A_282, %parallel_loop3A_306 : vector<16xf32>
        %parallel_loop3A_315 = arith.constant 2.000000e+01 : f32
        %parallel_loop3A_316 = vector.broadcast %parallel_loop3A_315 : f32 to vector<16xf32>
        %parallel_loop3A_317 = arith.minimumf %parallel_loop3A_307, %parallel_loop3A_316 : vector<16xf32>
        %parallel_loop3A_318 = math.exp %parallel_loop3A_317 : vector<16xf32>
        %parallel_loop3A_319 = arith.constant 2.000000e+01 : f32
        %parallel_loop3A_320 = vector.broadcast %parallel_loop3A_319 : f32 to vector<16xf32>
        %parallel_loop3A_321 = arith.minimumf %parallel_loop3A_308, %parallel_loop3A_320 : vector<16xf32>
        %parallel_loop3A_322 = math.exp %parallel_loop3A_321 : vector<16xf32>
        %parallel_loop3A_323 = arith.constant 2.000000e+01 : f32
        %parallel_loop3A_324 = vector.broadcast %parallel_loop3A_323 : f32 to vector<16xf32>
        %parallel_loop3A_325 = arith.minimumf %parallel_loop3A_309, %parallel_loop3A_324 : vector<16xf32>
        %parallel_loop3A_326 = math.exp %parallel_loop3A_325 : vector<16xf32>
        %parallel_loop3A_327 = arith.constant 2.000000e+01 : f32
        %parallel_loop3A_328 = vector.broadcast %parallel_loop3A_327 : f32 to vector<16xf32>
        %parallel_loop3A_329 = arith.minimumf %parallel_loop3A_310, %parallel_loop3A_328 : vector<16xf32>
        %parallel_loop3A_330 = math.exp %parallel_loop3A_329 : vector<16xf32>
        %parallel_loop3A_331 = arith.constant 2.000000e+01 : f32
        %parallel_loop3A_332 = vector.broadcast %parallel_loop3A_331 : f32 to vector<16xf32>
        %parallel_loop3A_333 = arith.minimumf %parallel_loop3A_311, %parallel_loop3A_332 : vector<16xf32>
        %parallel_loop3A_334 = math.exp %parallel_loop3A_333 : vector<16xf32>
        %parallel_loop3A_335 = arith.constant 2.000000e+01 : f32
        %parallel_loop3A_336 = vector.broadcast %parallel_loop3A_335 : f32 to vector<16xf32>
        %parallel_loop3A_337 = arith.minimumf %parallel_loop3A_312, %parallel_loop3A_336 : vector<16xf32>
        %parallel_loop3A_338 = math.exp %parallel_loop3A_337 : vector<16xf32>
        %parallel_loop3A_339 = arith.constant 2.000000e+01 : f32
        %parallel_loop3A_340 = vector.broadcast %parallel_loop3A_339 : f32 to vector<16xf32>
        %parallel_loop3A_341 = arith.minimumf %parallel_loop3A_313, %parallel_loop3A_340 : vector<16xf32>
        %parallel_loop3A_342 = math.exp %parallel_loop3A_341 : vector<16xf32>
        %parallel_loop3A_343 = arith.constant 2.000000e+01 : f32
        %parallel_loop3A_344 = vector.broadcast %parallel_loop3A_343 : f32 to vector<16xf32>
        %parallel_loop3A_345 = arith.minimumf %parallel_loop3A_314, %parallel_loop3A_344 : vector<16xf32>
        %parallel_loop3A_346 = math.exp %parallel_loop3A_345 : vector<16xf32>
        %parallel_loop3A_347 = arith.constant 2.000000e+00 : f32
        %parallel_loop3A_348 = vector.broadcast %parallel_loop3A_347 : f32 to vector<16xf32>
        %parallel_loop3A_349 = arith.addf %parallel_loop3A_318, %parallel_loop3A_348 : vector<16xf32>
        %parallel_loop3A_350 = arith.mulf %parallel_loop3A_318, %parallel_loop3A_349 : vector<16xf32>
        %parallel_loop3A_351 = arith.constant 2.000000e+00 : f32
        %parallel_loop3A_352 = vector.broadcast %parallel_loop3A_351 : f32 to vector<16xf32>
        %parallel_loop3A_353 = arith.addf %parallel_loop3A_322, %parallel_loop3A_352 : vector<16xf32>
        %parallel_loop3A_354 = arith.mulf %parallel_loop3A_322, %parallel_loop3A_353 : vector<16xf32>
        %parallel_loop3A_355 = arith.constant 2.000000e+00 : f32
        %parallel_loop3A_356 = vector.broadcast %parallel_loop3A_355 : f32 to vector<16xf32>
        %parallel_loop3A_357 = arith.addf %parallel_loop3A_326, %parallel_loop3A_356 : vector<16xf32>
        %parallel_loop3A_358 = arith.mulf %parallel_loop3A_326, %parallel_loop3A_357 : vector<16xf32>
        %parallel_loop3A_359 = arith.constant 2.000000e+00 : f32
        %parallel_loop3A_360 = vector.broadcast %parallel_loop3A_359 : f32 to vector<16xf32>
        %parallel_loop3A_361 = arith.addf %parallel_loop3A_330, %parallel_loop3A_360 : vector<16xf32>
        %parallel_loop3A_362 = arith.mulf %parallel_loop3A_330, %parallel_loop3A_361 : vector<16xf32>
        %parallel_loop3A_363 = arith.constant 2.000000e+00 : f32
        %parallel_loop3A_364 = vector.broadcast %parallel_loop3A_363 : f32 to vector<16xf32>
        %parallel_loop3A_365 = arith.addf %parallel_loop3A_334, %parallel_loop3A_364 : vector<16xf32>
        %parallel_loop3A_366 = arith.mulf %parallel_loop3A_334, %parallel_loop3A_365 : vector<16xf32>
        %parallel_loop3A_367 = arith.constant 2.000000e+00 : f32
        %parallel_loop3A_368 = vector.broadcast %parallel_loop3A_367 : f32 to vector<16xf32>
        %parallel_loop3A_369 = arith.addf %parallel_loop3A_338, %parallel_loop3A_368 : vector<16xf32>
        %parallel_loop3A_370 = arith.mulf %parallel_loop3A_338, %parallel_loop3A_369 : vector<16xf32>
        %parallel_loop3A_371 = arith.constant 2.000000e+00 : f32
        %parallel_loop3A_372 = vector.broadcast %parallel_loop3A_371 : f32 to vector<16xf32>
        %parallel_loop3A_373 = arith.addf %parallel_loop3A_342, %parallel_loop3A_372 : vector<16xf32>
        %parallel_loop3A_374 = arith.mulf %parallel_loop3A_342, %parallel_loop3A_373 : vector<16xf32>
        %parallel_loop3A_375 = arith.constant 2.000000e+00 : f32
        %parallel_loop3A_376 = vector.broadcast %parallel_loop3A_375 : f32 to vector<16xf32>
        %parallel_loop3A_377 = arith.addf %parallel_loop3A_346, %parallel_loop3A_376 : vector<16xf32>
        %parallel_loop3A_378 = arith.mulf %parallel_loop3A_346, %parallel_loop3A_377 : vector<16xf32>
        %parallel_loop3A_379 = arith.mulf %parallel_loop3A_307, %get3A_5 : vector<16xf32>
        %parallel_loop3A_380 = arith.mulf %parallel_loop3A_379, %parallel_loop3A_350 : vector<16xf32>
        %parallel_loop3A_381 = arith.constant 2.000000e+00 : f32
        %parallel_loop3A_382 = vector.broadcast %parallel_loop3A_381 : f32 to vector<16xf32>
        %parallel_loop3A_383 = arith.addf %parallel_loop3A_350, %parallel_loop3A_382 : vector<16xf32>
        %parallel_loop3A_384 = arith.divf %parallel_loop3A_380, %parallel_loop3A_383 : vector<16xf32>
        %parallel_loop3A_385 = arith.mulf %parallel_loop3A_308, %get3A_5 : vector<16xf32>
        %parallel_loop3A_386 = arith.mulf %parallel_loop3A_385, %parallel_loop3A_354 : vector<16xf32>
        %parallel_loop3A_387 = arith.constant 2.000000e+00 : f32
        %parallel_loop3A_388 = vector.broadcast %parallel_loop3A_387 : f32 to vector<16xf32>
        %parallel_loop3A_389 = arith.addf %parallel_loop3A_354, %parallel_loop3A_388 : vector<16xf32>
        %parallel_loop3A_390 = arith.divf %parallel_loop3A_386, %parallel_loop3A_389 : vector<16xf32>
        %parallel_loop3A_391 = arith.mulf %parallel_loop3A_309, %get3A_5 : vector<16xf32>
        %parallel_loop3A_392 = arith.mulf %parallel_loop3A_391, %parallel_loop3A_358 : vector<16xf32>
        %parallel_loop3A_393 = arith.constant 2.000000e+00 : f32
        %parallel_loop3A_394 = vector.broadcast %parallel_loop3A_393 : f32 to vector<16xf32>
        %parallel_loop3A_395 = arith.addf %parallel_loop3A_358, %parallel_loop3A_394 : vector<16xf32>
        %parallel_loop3A_396 = arith.divf %parallel_loop3A_392, %parallel_loop3A_395 : vector<16xf32>
        %parallel_loop3A_397 = arith.mulf %parallel_loop3A_310, %get3A_5 : vector<16xf32>
        %parallel_loop3A_398 = arith.mulf %parallel_loop3A_397, %parallel_loop3A_362 : vector<16xf32>
        %parallel_loop3A_399 = arith.constant 2.000000e+00 : f32
        %parallel_loop3A_400 = vector.broadcast %parallel_loop3A_399 : f32 to vector<16xf32>
        %parallel_loop3A_401 = arith.addf %parallel_loop3A_362, %parallel_loop3A_400 : vector<16xf32>
        %parallel_loop3A_402 = arith.divf %parallel_loop3A_398, %parallel_loop3A_401 : vector<16xf32>
        %parallel_loop3A_403 = arith.mulf %parallel_loop3A_311, %get3A_5 : vector<16xf32>
        %parallel_loop3A_404 = arith.mulf %parallel_loop3A_403, %parallel_loop3A_366 : vector<16xf32>
        %parallel_loop3A_405 = arith.constant 2.000000e+00 : f32
        %parallel_loop3A_406 = vector.broadcast %parallel_loop3A_405 : f32 to vector<16xf32>
        %parallel_loop3A_407 = arith.addf %parallel_loop3A_366, %parallel_loop3A_406 : vector<16xf32>
        %parallel_loop3A_408 = arith.divf %parallel_loop3A_404, %parallel_loop3A_407 : vector<16xf32>
        %parallel_loop3A_409 = arith.mulf %parallel_loop3A_312, %get3A_5 : vector<16xf32>
        %parallel_loop3A_410 = arith.mulf %parallel_loop3A_409, %parallel_loop3A_370 : vector<16xf32>
        %parallel_loop3A_411 = arith.constant 2.000000e+00 : f32
        %parallel_loop3A_412 = vector.broadcast %parallel_loop3A_411 : f32 to vector<16xf32>
        %parallel_loop3A_413 = arith.addf %parallel_loop3A_370, %parallel_loop3A_412 : vector<16xf32>
        %parallel_loop3A_414 = arith.divf %parallel_loop3A_410, %parallel_loop3A_413 : vector<16xf32>
        %parallel_loop3A_415 = arith.mulf %parallel_loop3A_313, %get3A_5 : vector<16xf32>
        %parallel_loop3A_416 = arith.mulf %parallel_loop3A_415, %parallel_loop3A_374 : vector<16xf32>
        %parallel_loop3A_417 = arith.constant 2.000000e+00 : f32
        %parallel_loop3A_418 = vector.broadcast %parallel_loop3A_417 : f32 to vector<16xf32>
        %parallel_loop3A_419 = arith.addf %parallel_loop3A_374, %parallel_loop3A_418 : vector<16xf32>
        %parallel_loop3A_420 = arith.divf %parallel_loop3A_416, %parallel_loop3A_419 : vector<16xf32>
        %parallel_loop3A_421 = arith.mulf %parallel_loop3A_314, %get3A_5 : vector<16xf32>
        %parallel_loop3A_422 = arith.mulf %parallel_loop3A_421, %parallel_loop3A_378 : vector<16xf32>
        %parallel_loop3A_423 = arith.constant 2.000000e+00 : f32
        %parallel_loop3A_424 = vector.broadcast %parallel_loop3A_423 : f32 to vector<16xf32>
        %parallel_loop3A_425 = arith.addf %parallel_loop3A_378, %parallel_loop3A_424 : vector<16xf32>
        %parallel_loop3A_426 = arith.divf %parallel_loop3A_422, %parallel_loop3A_425 : vector<16xf32>
        %parallel_loop3A_427 = arith.constant true
        %parallel_loop3A_428 = vector.broadcast %parallel_loop3A_427 : i1 to vector<16xi1>
        %parallel_loop3A_429 = tpu.scan <sum>, %parallel_loop3A_384 masked %parallel_loop3A_428 : vector<16xf32>, vector<16xi1> -> vector<16xf32>
        %parallel_loop3A_430 = vector.extract %parallel_loop3A_429[15] : f32 from vector<16xf32>
        %parallel_loop3A_431 = arith.constant true
        %parallel_loop3A_432 = vector.broadcast %parallel_loop3A_431 : i1 to vector<16xi1>
        %parallel_loop3A_433 = tpu.scan <sum>, %parallel_loop3A_390 masked %parallel_loop3A_432 : vector<16xf32>, vector<16xi1> -> vector<16xf32>
        %parallel_loop3A_434 = vector.extract %parallel_loop3A_433[15] : f32 from vector<16xf32>
        %parallel_loop3A_435 = arith.constant true
        %parallel_loop3A_436 = vector.broadcast %parallel_loop3A_435 : i1 to vector<16xi1>
        %parallel_loop3A_437 = tpu.scan <sum>, %parallel_loop3A_396 masked %parallel_loop3A_436 : vector<16xf32>, vector<16xi1> -> vector<16xf32>
        %parallel_loop3A_438 = vector.extract %parallel_loop3A_437[15] : f32 from vector<16xf32>
        %parallel_loop3A_439 = arith.constant true
        %parallel_loop3A_440 = vector.broadcast %parallel_loop3A_439 : i1 to vector<16xi1>
        %parallel_loop3A_441 = tpu.scan <sum>, %parallel_loop3A_402 masked %parallel_loop3A_440 : vector<16xf32>, vector<16xi1> -> vector<16xf32>
        %parallel_loop3A_442 = vector.extract %parallel_loop3A_441[15] : f32 from vector<16xf32>
        %parallel_loop3A_443 = arith.constant true
        %parallel_loop3A_444 = vector.broadcast %parallel_loop3A_443 : i1 to vector<16xi1>
        %parallel_loop3A_445 = tpu.scan <sum>, %parallel_loop3A_408 masked %parallel_loop3A_444 : vector<16xf32>, vector<16xi1> -> vector<16xf32>
        %parallel_loop3A_446 = vector.extract %parallel_loop3A_445[15] : f32 from vector<16xf32>
        %parallel_loop3A_447 = arith.constant true
        %parallel_loop3A_448 = vector.broadcast %parallel_loop3A_447 : i1 to vector<16xi1>
        %parallel_loop3A_449 = tpu.scan <sum>, %parallel_loop3A_414 masked %parallel_loop3A_448 : vector<16xf32>, vector<16xi1> -> vector<16xf32>
        %parallel_loop3A_450 = vector.extract %parallel_loop3A_449[15] : f32 from vector<16xf32>
        %parallel_loop3A_451 = arith.constant true
        %parallel_loop3A_452 = vector.broadcast %parallel_loop3A_451 : i1 to vector<16xi1>
        %parallel_loop3A_453 = tpu.scan <sum>, %parallel_loop3A_420 masked %parallel_loop3A_452 : vector<16xf32>, vector<16xi1> -> vector<16xf32>
        %parallel_loop3A_454 = vector.extract %parallel_loop3A_453[15] : f32 from vector<16xf32>
        %parallel_loop3A_455 = arith.constant true
        %parallel_loop3A_456 = vector.broadcast %parallel_loop3A_455 : i1 to vector<16xi1>
        %parallel_loop3A_457 = tpu.scan <sum>, %parallel_loop3A_426 masked %parallel_loop3A_456 : vector<16xf32>, vector<16xi1> -> vector<16xf32>
        %parallel_loop3A_458 = vector.extract %parallel_loop3A_457[15] : f32 from vector<16xf32>
        %parallel_loop3A_459 = vector.broadcast %parallel_loop3A_430 : f32 to vector<16xf32>
        %parallel_loop3A_460 = math.exp %parallel_loop3A_459 : vector<16xf32>
        %parallel_loop3A_461 = vector.broadcast %parallel_loop3A_434 : f32 to vector<16xf32>
        %parallel_loop3A_462 = math.exp %parallel_loop3A_461 : vector<16xf32>
        %parallel_loop3A_463 = vector.broadcast %parallel_loop3A_438 : f32 to vector<16xf32>
        %parallel_loop3A_464 = math.exp %parallel_loop3A_463 : vector<16xf32>
        %parallel_loop3A_465 = vector.broadcast %parallel_loop3A_442 : f32 to vector<16xf32>
        %parallel_loop3A_466 = math.exp %parallel_loop3A_465 : vector<16xf32>
        %parallel_loop3A_467 = vector.broadcast %parallel_loop3A_446 : f32 to vector<16xf32>
        %parallel_loop3A_468 = math.exp %parallel_loop3A_467 : vector<16xf32>
        %parallel_loop3A_469 = vector.broadcast %parallel_loop3A_450 : f32 to vector<16xf32>
        %parallel_loop3A_470 = math.exp %parallel_loop3A_469 : vector<16xf32>
        %parallel_loop3A_471 = vector.broadcast %parallel_loop3A_454 : f32 to vector<16xf32>
        %parallel_loop3A_472 = math.exp %parallel_loop3A_471 : vector<16xf32>
        %parallel_loop3A_473 = vector.broadcast %parallel_loop3A_458 : f32 to vector<16xf32>
        %parallel_loop3A_474 = math.exp %parallel_loop3A_473 : vector<16xf32>
        %parallel_loop3A_475 = arith.constant 0.000000e+00 : f32
        %parallel_loop3A_476 = vector.broadcast %parallel_loop3A_475 : f32 to vector<16xf32>
        %parallel_loop3A_477 = arith.mulf %parallel_loop3A_261, %parallel_loop3A_460 : vector<16xf32>
        %parallel_loop3A_478 = arith.index_cast %parallel_loop3A_258 : i32 to index
        %parallel_loop3A_479 = arith.constant 0 : index
        %parallel_loop3A_480 = tpu.vector_load %arg18[%parallel_loop3A_478, %parallel_loop3A_479] {strides = array<i32>} : memref<40x144xf32, #tpu.memory_space<vmem>>, vector<16xf32>,
        tpu.vector_store %arg18[%parallel_loop3A_478, %parallel_loop3A_479], %parallel_loop3A_477 {strides = array<i32>} : memref<40x144xf32, #tpu.memory_space<vmem>>, vector<16xf32>,
        %parallel_loop3A_481 = arith.constant 0.000000e+00 : f32
        %parallel_loop3A_482 = vector.broadcast %parallel_loop3A_481 : f32 to vector<16xf32>
        %parallel_loop3A_483 = arith.select %eq3A_7, %parallel_loop3A_460, %parallel_loop3A_482 : vector<16xi1>, vector<16xf32>
        %parallel_loop3A_484 = arith.addf %parallel_loop3A_476, %parallel_loop3A_483 : vector<16xf32>
        %parallel_loop3A_485 = arith.mulf %parallel_loop3A_264, %parallel_loop3A_462 : vector<16xf32>
        %parallel_loop3A_486 = arith.index_cast %parallel_loop3A_258 : i32 to index
        %parallel_loop3A_487 = arith.constant 16 : index
        %parallel_loop3A_488 = tpu.vector_load %arg18[%parallel_loop3A_486, %parallel_loop3A_487] {strides = array<i32>} : memref<40x144xf32, #tpu.memory_space<vmem>>, vector<16xf32>,
        tpu.vector_store %arg18[%parallel_loop3A_486, %parallel_loop3A_487], %parallel_loop3A_485 {strides = array<i32>} : memref<40x144xf32, #tpu.memory_space<vmem>>, vector<16xf32>,
        %parallel_loop3A_489 = arith.constant 0.000000e+00 : f32
        %parallel_loop3A_490 = vector.broadcast %parallel_loop3A_489 : f32 to vector<16xf32>
        %parallel_loop3A_491 = arith.select %eq3A_10, %parallel_loop3A_462, %parallel_loop3A_490 : vector<16xi1>, vector<16xf32>
        %parallel_loop3A_492 = arith.addf %parallel_loop3A_484, %parallel_loop3A_491 : vector<16xf32>
        %parallel_loop3A_493 = arith.mulf %parallel_loop3A_267, %parallel_loop3A_464 : vector<16xf32>
        %parallel_loop3A_494 = arith.index_cast %parallel_loop3A_258 : i32 to index
        %parallel_loop3A_495 = arith.constant 32 : index
        %parallel_loop3A_496 = tpu.vector_load %arg18[%parallel_loop3A_494, %parallel_loop3A_495] {strides = array<i32>} : memref<40x144xf32, #tpu.memory_space<vmem>>, vector<16xf32>,
        tpu.vector_store %arg18[%parallel_loop3A_494, %parallel_loop3A_495], %parallel_loop3A_493 {strides = array<i32>} : memref<40x144xf32, #tpu.memory_space<vmem>>, vector<16xf32>,
        %parallel_loop3A_497 = arith.constant 0.000000e+00 : f32
        %parallel_loop3A_498 = vector.broadcast %parallel_loop3A_497 : f32 to vector<16xf32>
        %parallel_loop3A_499 = arith.select %eq3A_13, %parallel_loop3A_464, %parallel_loop3A_498 : vector<16xi1>, vector<16xf32>
        %parallel_loop3A_500 = arith.addf %parallel_loop3A_492, %parallel_loop3A_499 : vector<16xf32>
        %parallel_loop3A_501 = arith.mulf %parallel_loop3A_270, %parallel_loop3A_466 : vector<16xf32>
        %parallel_loop3A_502 = arith.index_cast %parallel_loop3A_258 : i32 to index
        %parallel_loop3A_503 = arith.constant 48 : index
        %parallel_loop3A_504 = tpu.vector_load %arg18[%parallel_loop3A_502, %parallel_loop3A_503] {strides = array<i32>} : memref<40x144xf32, #tpu.memory_space<vmem>>, vector<16xf32>,
        tpu.vector_store %arg18[%parallel_loop3A_502, %parallel_loop3A_503], %parallel_loop3A_501 {strides = array<i32>} : memref<40x144xf32, #tpu.memory_space<vmem>>, vector<16xf32>,
        %parallel_loop3A_505 = arith.constant 0.000000e+00 : f32
        %parallel_loop3A_506 = vector.broadcast %parallel_loop3A_505 : f32 to vector<16xf32>
        %parallel_loop3A_507 = arith.select %eq3A_16, %parallel_loop3A_466, %parallel_loop3A_506 : vector<16xi1>, vector<16xf32>
        %parallel_loop3A_508 = arith.addf %parallel_loop3A_500, %parallel_loop3A_507 : vector<16xf32>
        %parallel_loop3A_509 = arith.mulf %parallel_loop3A_273, %parallel_loop3A_468 : vector<16xf32>
        %parallel_loop3A_510 = arith.index_cast %parallel_loop3A_258 : i32 to index
        %parallel_loop3A_511 = arith.constant 64 : index
        %parallel_loop3A_512 = tpu.vector_load %arg18[%parallel_loop3A_510, %parallel_loop3A_511] {strides = array<i32>} : memref<40x144xf32, #tpu.memory_space<vmem>>, vector<16xf32>,
        tpu.vector_store %arg18[%parallel_loop3A_510, %parallel_loop3A_511], %parallel_loop3A_509 {strides = array<i32>} : memref<40x144xf32, #tpu.memory_space<vmem>>, vector<16xf32>,
        %parallel_loop3A_513 = arith.constant 0.000000e+00 : f32
        %parallel_loop3A_514 = vector.broadcast %parallel_loop3A_513 : f32 to vector<16xf32>
        %parallel_loop3A_515 = arith.select %eq3A_19, %parallel_loop3A_468, %parallel_loop3A_514 : vector<16xi1>, vector<16xf32>
        %parallel_loop3A_516 = arith.addf %parallel_loop3A_508, %parallel_loop3A_515 : vector<16xf32>
        %parallel_loop3A_517 = arith.mulf %parallel_loop3A_276, %parallel_loop3A_470 : vector<16xf32>
        %parallel_loop3A_518 = arith.index_cast %parallel_loop3A_258 : i32 to index
        %parallel_loop3A_519 = arith.constant 80 : index
        %parallel_loop3A_520 = tpu.vector_load %arg18[%parallel_loop3A_518, %parallel_loop3A_519] {strides = array<i32>} : memref<40x144xf32, #tpu.memory_space<vmem>>, vector<16xf32>,
        tpu.vector_store %arg18[%parallel_loop3A_518, %parallel_loop3A_519], %parallel_loop3A_517 {strides = array<i32>} : memref<40x144xf32, #tpu.memory_space<vmem>>, vector<16xf32>,
        %parallel_loop3A_521 = arith.constant 0.000000e+00 : f32
        %parallel_loop3A_522 = vector.broadcast %parallel_loop3A_521 : f32 to vector<16xf32>
        %parallel_loop3A_523 = arith.select %eq3A_22, %parallel_loop3A_470, %parallel_loop3A_522 : vector<16xi1>, vector<16xf32>
        %parallel_loop3A_524 = arith.addf %parallel_loop3A_516, %parallel_loop3A_523 : vector<16xf32>
        %parallel_loop3A_525 = arith.mulf %parallel_loop3A_279, %parallel_loop3A_472 : vector<16xf32>
        %parallel_loop3A_526 = arith.index_cast %parallel_loop3A_258 : i32 to index
        %parallel_loop3A_527 = arith.constant 96 : index
        %parallel_loop3A_528 = tpu.vector_load %arg18[%parallel_loop3A_526, %parallel_loop3A_527] {strides = array<i32>} : memref<40x144xf32, #tpu.memory_space<vmem>>, vector<16xf32>,
        tpu.vector_store %arg18[%parallel_loop3A_526, %parallel_loop3A_527], %parallel_loop3A_525 {strides = array<i32>} : memref<40x144xf32, #tpu.memory_space<vmem>>, vector<16xf32>,
        %parallel_loop3A_529 = arith.constant 0.000000e+00 : f32
        %parallel_loop3A_530 = vector.broadcast %parallel_loop3A_529 : f32 to vector<16xf32>
        %parallel_loop3A_531 = arith.select %eq3A_25, %parallel_loop3A_472, %parallel_loop3A_530 : vector<16xi1>, vector<16xf32>
        %parallel_loop3A_532 = arith.addf %parallel_loop3A_524, %parallel_loop3A_531 : vector<16xf32>
        %parallel_loop3A_533 = arith.mulf %parallel_loop3A_282, %parallel_loop3A_474 : vector<16xf32>
        %parallel_loop3A_534 = arith.index_cast %parallel_loop3A_258 : i32 to index
        %parallel_loop3A_535 = arith.constant 112 : index
        %parallel_loop3A_536 = tpu.vector_load %arg18[%parallel_loop3A_534, %parallel_loop3A_535] {strides = array<i32>} : memref<40x144xf32, #tpu.memory_space<vmem>>, vector<16xf32>,
        tpu.vector_store %arg18[%parallel_loop3A_534, %parallel_loop3A_535], %parallel_loop3A_533 {strides = array<i32>} : memref<40x144xf32, #tpu.memory_space<vmem>>, vector<16xf32>,
        %parallel_loop3A_537 = arith.constant 0.000000e+00 : f32
        %parallel_loop3A_538 = vector.broadcast %parallel_loop3A_537 : f32 to vector<16xf32>
        %parallel_loop3A_539 = arith.select %eq3A_28, %parallel_loop3A_474, %parallel_loop3A_538 : vector<16xi1>, vector<16xf32>
        %parallel_loop3A_540 = arith.addf %parallel_loop3A_532, %parallel_loop3A_539 : vector<16xf32>
        %parallel_loop3A_541 = arith.index_cast %parallel_loop3A_258 : i32 to index
        %parallel_loop3A_542 = arith.constant 128 : index
        %parallel_loop3A_543 = tpu.vector_load %arg18[%parallel_loop3A_541, %parallel_loop3A_542] {strides = array<i32>} : memref<40x144xf32, #tpu.memory_space<vmem>>, vector<16xf32>,
        tpu.vector_store %arg18[%parallel_loop3A_541, %parallel_loop3A_542], %parallel_loop3A_540 {strides = array<i32>} : memref<40x144xf32, #tpu.memory_space<vmem>>, vector<16xf32>,
      } {sc.loop_unroll_factor = 2 : i64, sc.parallel_access}
      %dma_start3A_255 = arith.constant 0 : i32
      %dma_start3A_256 = arith.constant 0 : i32
      %dma_start3A_257 = tpu.memref_slice %arg8[%dma_start3A_255, %dma_start3A_256] : memref<10000x144xf32, #tpu.memory_space<vmem_shared>> -> memref<10000x144xf32, #tpu.memory_space<vmem_shared>>
      tpu.enqueue_indirect_dma source(%arg18 : memref<40x144xf32, #tpu.memory_space<vmem>>) target(%dma_start3A_257 : memref<10000x144xf32, #tpu.memory_space<vmem_shared>>) offsets(%arg15 : memref<40xi32, #tpu.memory_space<vmem>>) semaphore(%arg27 : memref<!tpu.dma_semaphore, #tpu.memory_space<semaphore_mem>>) {add = true}
    }
    %scan3A_59 = arith.constant 125 : i32
    %dma_wait3A = arith.constant 0 : i32
    %dma_wait3A_60 = arith.constant 0 : i32
    %dma_wait3A_61 = tpu.memref_slice %arg8[%dma_wait3A, %dma_wait3A_60] : memref<10000x144xf32, #tpu.memory_space<vmem_shared>> -> memref<10000x144xf32, #tpu.memory_space<vmem_shared>>
    tpu.wait_indirect_dma semaphore(%arg26 : memref<!tpu.dma_semaphore, #tpu.memory_space<semaphore_mem>>) src(%arg13 : memref<40x144xf32, #tpu.memory_space<vmem>>) dst(%dma_wait3A_61 : memref<10000x144xf32, #tpu.memory_space<vmem_shared>>)
    %dma_wait3A_62 = arith.constant 0 : i32
    %dma_wait3A_63 = arith.constant 0 : i32
    %dma_wait3A_64 = tpu.memref_slice %arg8[%dma_wait3A_62, %dma_wait3A_63] : memref<10000x144xf32, #tpu.memory_space<vmem_shared>> -> memref<10000x144xf32, #tpu.memory_space<vmem_shared>>
    tpu.wait_indirect_dma semaphore(%arg27 : memref<!tpu.dma_semaphore, #tpu.memory_space<semaphore_mem>>) src(%arg18 : memref<40x144xf32, #tpu.memory_space<vmem>>) dst(%dma_wait3A_64 : memref<10000x144xf32, #tpu.memory_space<vmem_shared>>)
    %dma_wait3A_65 = arith.constant 0 : i32
    %dma_wait3A_66 = arith.constant 0 : i32
    %dma_wait3A_67 = tpu.memref_slice %arg9[%dma_wait3A_65, %dma_wait3A_66] : memref<2x40xi32, #tpu.memory_space<vmem>> -> memref<1x40xi32, #tpu.memory_space<vmem>>
    %dma_wait3A_68 = tpu.memref_squeeze %dma_wait3A_67 : memref<1x40xi32, #tpu.memory_space<vmem>> -> memref<40xi32, #tpu.memory_space<vmem>>
    %dma_wait3A_69 = arith.constant 0 : i32
    %dma_wait3A_70 = arith.constant 0 : i32
    %dma_wait3A_71 = tpu.memref_slice %arg2[%dma_wait3A_69, %dma_wait3A_70] : memref<10000x128xf32, #tpu.memory_space<hbm>> -> memref<10000x128xf32, #tpu.memory_space<hbm>>
    tpu.wait_indirect_dma semaphore(%arg22 : memref<!tpu.dma_semaphore, #tpu.memory_space<semaphore_mem>>) src(%dma_wait3A_71 : memref<10000x128xf32, #tpu.memory_space<hbm>>) dst(%arg11 : memref<40x128xf32, #tpu.memory_space<vmem>>)
    %dma_wait3A_72 = arith.constant 1 : i32
    %dma_wait3A_73 = arith.constant 0 : i32
    %dma_wait3A_74 = tpu.memref_slice %arg9[%dma_wait3A_72, %dma_wait3A_73] : memref<2x40xi32, #tpu.memory_space<vmem>> -> memref<1x40xi32, #tpu.memory_space<vmem>>
    %dma_wait3A_75 = tpu.memref_squeeze %dma_wait3A_74 : memref<1x40xi32, #tpu.memory_space<vmem>> -> memref<40xi32, #tpu.memory_space<vmem>>
    %dma_wait3A_76 = arith.constant 0 : i32
    %dma_wait3A_77 = arith.constant 0 : i32
    %dma_wait3A_78 = tpu.memref_slice %arg3[%dma_wait3A_76, %dma_wait3A_77] : memref<10000x128xf32, #tpu.memory_space<hbm>> -> memref<10000x128xf32, #tpu.memory_space<hbm>>
    tpu.wait_indirect_dma semaphore(%arg23 : memref<!tpu.dma_semaphore, #tpu.memory_space<semaphore_mem>>) src(%dma_wait3A_78 : memref<10000x128xf32, #tpu.memory_space<hbm>>) dst(%arg12 : memref<40x128xf32, #tpu.memory_space<vmem>>)
    %dma_wait3A_79 = arith.constant 0 : i32
    %dma_wait3A_80 = arith.constant 0 : i32
    %dma_wait3A_81 = arith.constant 0 : i32
    %dma_wait3A_82 = tpu.memref_slice %arg4[%dma_wait3A_79, %dma_wait3A_80, %dma_wait3A_81] : memref<8000x2x40xi32, #tpu.memory_space<hbm>> -> memref<1x2x40xi32, #tpu.memory_space<hbm>>
    %dma_wait3A_83 = tpu.memref_squeeze %dma_wait3A_82 : memref<1x2x40xi32, #tpu.memory_space<hbm>> -> memref<2x40xi32, #tpu.memory_space<hbm>>
    %dma_wait3A_84 = arith.constant 0 : i32
    %dma_wait3A_85 = arith.constant 0 : i32
    %dma_wait3A_86 = tpu.memref_slice %arg4[%dma_wait3A_79, %dma_wait3A_84, %dma_wait3A_85] : memref<8000x2x40xi32, #tpu.memory_space<hbm>> -> memref<1x2x40xi32, #tpu.memory_space<hbm>>
    %dma_wait3A_87 = tpu.memref_squeeze %dma_wait3A_86 : memref<1x2x40xi32, #tpu.memory_space<hbm>> -> memref<2x40xi32, #tpu.memory_space<hbm>>
    tpu.wait_dma2 semaphore(%arg21 : memref<!tpu.dma_semaphore, #tpu.memory_space<semaphore_mem>>) src(%dma_wait3A_87 : memref<2x40xi32, #tpu.memory_space<hbm>>) dst(%arg14 : memref<2x40xi32, #tpu.memory_space<vmem>>)
    %barrier3A_88 = arith.constant 0 : index
    tpu.barrier barrier_id(%barrier3A_88)
    %mul3A_89 = arith.constant 625 : i32
    %mul3A_90 = arith.muli %arg1, %mul3A_89 : i32
    %mul3A_91 = arith.constant 625 : i32
    %mul3A_92 = arith.muli %arg1, %mul3A_91 : i32
    "tpu.region"() ({
      %run_scoped3A = tpu.sem_alloc : memref<!tpu.dma_semaphore, #tpu.memory_space<semaphore_mem>>
      %dma_start3A_93 = arith.constant 0 : i32
      %dma_start3A_94 = tpu.memref_slice %arg7[%arg0, %mul3A_92, %dma_start3A_93] : memref<2x10000x144xf32, #tpu.memory_space<hbm>> -> memref<1x625x144xf32, #tpu.memory_space<hbm>>
      %dma_start3A_95 = tpu.memref_squeeze %dma_start3A_94 : memref<1x625x144xf32, #tpu.memory_space<hbm>> -> memref<625x144xf32, #tpu.memory_space<hbm>>
      %dma_start3A_96 = arith.constant 0 : i32
      %dma_start3A_97 = tpu.memref_slice %arg8[%mul3A_90, %dma_start3A_96] : memref<10000x144xf32, #tpu.memory_space<vmem_shared>> -> memref<625x144xf32, #tpu.memory_space<vmem_shared>>
      tpu.enqueue_dma source(%dma_start3A_97 : memref<625x144xf32, #tpu.memory_space<vmem_shared>>) target(%dma_start3A_95 : memref<625x144xf32, #tpu.memory_space<hbm>>) target_semaphore(%run_scoped3A : memref<!tpu.dma_semaphore, #tpu.memory_space<semaphore_mem>>)
      %dma_wait3A_98 = arith.constant 0 : i32
      %dma_wait3A_99 = tpu.memref_slice %arg7[%arg0, %mul3A_92, %dma_wait3A_98] : memref<2x10000x144xf32, #tpu.memory_space<hbm>> -> memref<1x625x144xf32, #tpu.memory_space<hbm>>
      %dma_wait3A_100 = tpu.memref_squeeze %dma_wait3A_99 : memref<1x625x144xf32, #tpu.memory_space<hbm>> -> memref<625x144xf32, #tpu.memory_space<hbm>>
      %dma_wait3A_101 = arith.constant 0 : i32
      %dma_wait3A_102 = tpu.memref_slice %arg8[%mul3A_90, %dma_wait3A_101] : memref<10000x144xf32, #tpu.memory_space<vmem_shared>> -> memref<625x144xf32, #tpu.memory_space<vmem_shared>>
      tpu.wait_dma2 semaphore(%run_scoped3A : memref<!tpu.dma_semaphore, #tpu.memory_space<semaphore_mem>>) src(%dma_wait3A_102 : memref<625x144xf32, #tpu.memory_space<vmem_shared>>) dst(%dma_wait3A_100 : memref<625x144xf32, #tpu.memory_space<hbm>>)
      tpu.yield
    }) : () -> ()
    return
  }
}

module attributes {stable_mosaic.version = 14 : i64} {
  func.func @_proj_body(%arg0: i32, %arg1: memref<1000x128xf32, #tpu.memory_space<vmem>>, %arg2: memref<128x128xf32, #tpu.memory_space<vmem>>, %arg3: memref<128x128xf32, #tpu.memory_space<vmem>>, %arg4: memref<1x128xf32, #tpu.memory_space<vmem>>, %arg5: memref<1x128xf32, #tpu.memory_space<vmem>>, %arg6: memref<1000x128xf32, #tpu.memory_space<vmem>>, %arg7: memref<1000x128xf32, #tpu.memory_space<vmem>>) attributes {dimension_semantics = [#tpu.dimension_semantics<arbitrary>], iteration_bounds = array<i64: 10>, scalar_prefetch = 0 : i64, scratch_operands = 0 : i64, tpu.core_type = #tpu.core_type<tc>, window_params = [{transform_indices = @transform_0, window_bounds = array<i64: 1000, 128>}, {pipeline_mode = #tpu.pipeline_mode<synchronous>, transform_indices = @transform_1, window_bounds = array<i64: 128, 128>}, {pipeline_mode = #tpu.pipeline_mode<synchronous>, transform_indices = @transform_2, window_bounds = array<i64: 128, 128>}, {pipeline_mode = #tpu.pipeline_mode<synchronous>, transform_indices = @transform_3, window_bounds = array<i64: 1, 128>}, {pipeline_mode = #tpu.pipeline_mode<synchronous>, transform_indices = @transform_4, window_bounds = array<i64: 1, 128>}, {transform_indices = @transform_5, window_bounds = array<i64: 1000, 128>}, {transform_indices = @transform_6, window_bounds = array<i64: 1000, 128>}]} {
    %get3A = arith.constant 0 : index
    %get3A_0 = arith.constant 0 : index
    %get3A_1 = vector.load %arg1[%get3A, %get3A_0] : memref<1000x128xf32, #tpu.memory_space<vmem>>, vector<1000x128xf32>
    %get3A_2 = arith.constant 0 : index
    %get3A_3 = arith.constant 0 : index
    %get3A_4 = vector.load %arg2[%get3A_2, %get3A_3] : memref<128x128xf32, #tpu.memory_space<vmem>>, vector<128x128xf32>
    %dot_general3A = arith.constant dense<0.000000e+00> : vector<1000x128xf32>
    %dot_general3A_5 = tpu.matmul %get3A_1, %get3A_4, %dot_general3A {dimension_numbers = #tpu.dot_dimension_numbers<[1], [0], [0], [1], [0, 0, 1, 1], [], []>, precision = #tpu.contract_precision<fp32>, transpose_lhs_hint = false} : vector<1000x128xf32>, vector<128x128xf32>, vector<1000x128xf32> -> vector<1000x128xf32>
    %get3A_6 = arith.constant 0 : index
    %get3A_7 = arith.constant 0 : index
    %get3A_8 = vector.load %arg4[%get3A_6, %get3A_7] : memref<1x128xf32, #tpu.memory_space<vmem>>, vector<1x128xf32>
    %add3A = vector.broadcast %get3A_8 : vector<1x128xf32> to vector<1000x128xf32>
    %add3A_9 = arith.addf %dot_general3A_5, %add3A : vector<1000x128xf32>
    %swap3A = arith.constant 0 : index
    %swap3A_10 = arith.constant 0 : index
    %swap3A_11 = vector.load %arg6[%swap3A, %swap3A_10] : memref<1000x128xf32, #tpu.memory_space<vmem>>, vector<1000x128xf32>
    tpu.vector_store %arg6[%swap3A, %swap3A_10], %add3A_9 {strides = array<i32>} : memref<1000x128xf32, #tpu.memory_space<vmem>>, vector<1000x128xf32>,
    %get3A_12 = arith.constant 0 : index
    %get3A_13 = arith.constant 0 : index
    %get3A_14 = vector.load %arg3[%get3A_12, %get3A_13] : memref<128x128xf32, #tpu.memory_space<vmem>>, vector<128x128xf32>
    %dot_general3A_15 = arith.constant dense<0.000000e+00> : vector<1000x128xf32>
    %dot_general3A_16 = tpu.matmul %get3A_1, %get3A_14, %dot_general3A_15 {dimension_numbers = #tpu.dot_dimension_numbers<[1], [0], [0], [1], [0, 0, 1, 1], [], []>, precision = #tpu.contract_precision<fp32>, transpose_lhs_hint = false} : vector<1000x128xf32>, vector<128x128xf32>, vector<1000x128xf32> -> vector<1000x128xf32>
    %get3A_17 = arith.constant 0 : index
    %get3A_18 = arith.constant 0 : index
    %get3A_19 = vector.load %arg5[%get3A_17, %get3A_18] : memref<1x128xf32, #tpu.memory_space<vmem>>, vector<1x128xf32>
    %add3A_20 = vector.broadcast %get3A_19 : vector<1x128xf32> to vector<1000x128xf32>
    %add3A_21 = arith.addf %dot_general3A_16, %add3A_20 : vector<1000x128xf32>
    %swap3A_22 = arith.constant 0 : index
    %swap3A_23 = arith.constant 0 : index
    %swap3A_24 = vector.load %arg7[%swap3A_22, %swap3A_23] : memref<1000x128xf32, #tpu.memory_space<vmem>>, vector<1000x128xf32>
    tpu.vector_store %arg7[%swap3A_22, %swap3A_23], %add3A_21 {strides = array<i32>} : memref<1000x128xf32, #tpu.memory_space<vmem>>, vector<1000x128xf32>,
    return
  }
  func.func @transform_0(%arg0: i32) -> (i32, i32) {
    %c0_i32 = arith.constant 0 : i32
    %c0_i32_0 = arith.constant 0 : i32
    return %arg0, %c0_i32 : i32, i32
  }
  func.func @transform_1(%arg0: i32) -> (i32, i32) {
    %c0_i32 = arith.constant 0 : i32
    %c0_i32_0 = arith.constant 0 : i32
    %c0_i32_1 = arith.constant 0 : i32
    return %c0_i32, %c0_i32_0 : i32, i32
  }
  func.func @transform_2(%arg0: i32) -> (i32, i32) {
    %c0_i32 = arith.constant 0 : i32
    %c0_i32_0 = arith.constant 0 : i32
    %c0_i32_1 = arith.constant 0 : i32
    return %c0_i32, %c0_i32_0 : i32, i32
  }
  func.func @transform_3(%arg0: i32) -> (i32, i32) {
    %c0_i32 = arith.constant 0 : i32
    %c0_i32_0 = arith.constant 0 : i32
    %c0_i32_1 = arith.constant 0 : i32
    return %c0_i32, %c0_i32_0 : i32, i32
  }
  func.func @transform_4(%arg0: i32) -> (i32, i32) {
    %c0_i32 = arith.constant 0 : i32
    %c0_i32_0 = arith.constant 0 : i32
    %c0_i32_1 = arith.constant 0 : i32
    return %c0_i32, %c0_i32_0 : i32, i32
  }
  func.func @transform_5(%arg0: i32) -> (i32, i32) {
    %c0_i32 = arith.constant 0 : i32
    %c0_i32_0 = arith.constant 0 : i32
    return %arg0, %c0_i32 : i32, i32
  }
  func.func @transform_6(%arg0: i32) -> (i32, i32) {
    %c0_i32 = arith.constant 0 : i32
    %c0_i32_0 = arith.constant 0 : i32
    return %arg0, %c0_i32 : i32, i32
  }
}

module attributes {stable_mosaic.version = 14 : i64} {
  func.func @_comb_body(%arg0: i32, %arg1: memref<1000x144xf32, #tpu.memory_space<vmem>>, %arg2: memref<1000x144xf32, #tpu.memory_space<vmem>>, %arg3: memref<1000x128xf32, #tpu.memory_space<vmem>>) attributes {dimension_semantics = [#tpu.dimension_semantics<arbitrary>], iteration_bounds = array<i64: 10>, scalar_prefetch = 0 : i64, scratch_operands = 0 : i64, tpu.core_type = #tpu.core_type<tc>, window_params = [{transform_indices = @transform_0, window_bounds = array<i64: 1000, 144>}, {transform_indices = @transform_1, window_bounds = array<i64: 1000, 144>}, {transform_indices = @transform_2, window_bounds = array<i64: 1000, 128>}]} {
    %get3A = arith.constant 0 : index
    %get3A_0 = arith.constant 0 : index
    %get3A_1 = vector.load %arg1[%get3A, %get3A_0] : memref<1000x144xf32, #tpu.memory_space<vmem>>, vector<1000x128xf32>
    %get3A_2 = arith.constant 0 : index
    %get3A_3 = arith.constant 0 : index
    %get3A_4 = vector.load %arg2[%get3A_2, %get3A_3] : memref<1000x144xf32, #tpu.memory_space<vmem>>, vector<1000x128xf32>
    %add3A = arith.addf %get3A_1, %get3A_4 : vector<1000x128xf32>
    %get3A_5 = arith.constant 0 : index
    %get3A_6 = arith.constant 128 : index
    %get3A_7 = vector.load %arg1[%get3A_5, %get3A_6] : memref<1000x144xf32, #tpu.memory_space<vmem>>, vector<1000x8xf32>
    %get3A_8 = arith.constant 0 : index
    %get3A_9 = arith.constant 128 : index
    %get3A_10 = vector.load %arg2[%get3A_8, %get3A_9] : memref<1000x144xf32, #tpu.memory_space<vmem>>, vector<1000x8xf32>
    %add3A_11 = arith.addf %get3A_7, %get3A_10 : vector<1000x8xf32>
    %slice3A = vector.extract_strided_slice %add3A_11 {offsets = [0, 0], sizes = [1000, 1], strides = [1, 1]} : vector<1000x8xf32> to vector<1000x1xf32>
    %broadcast_in_dim3A = vector.shape_cast %slice3A : vector<1000x1xf32> to vector<1000x1xf32>
    %broadcast_in_dim3A_12 = vector.broadcast %broadcast_in_dim3A : vector<1000x1xf32> to vector<1000x16xf32>
    %slice3A_13 = vector.extract_strided_slice %add3A_11 {offsets = [0, 1], sizes = [1000, 1], strides = [1, 1]} : vector<1000x8xf32> to vector<1000x1xf32>
    %broadcast_in_dim3A_14 = vector.shape_cast %slice3A_13 : vector<1000x1xf32> to vector<1000x1xf32>
    %broadcast_in_dim3A_15 = vector.broadcast %broadcast_in_dim3A_14 : vector<1000x1xf32> to vector<1000x16xf32>
    %slice3A_16 = vector.extract_strided_slice %add3A_11 {offsets = [0, 2], sizes = [1000, 1], strides = [1, 1]} : vector<1000x8xf32> to vector<1000x1xf32>
    %broadcast_in_dim3A_17 = vector.shape_cast %slice3A_16 : vector<1000x1xf32> to vector<1000x1xf32>
    %broadcast_in_dim3A_18 = vector.broadcast %broadcast_in_dim3A_17 : vector<1000x1xf32> to vector<1000x16xf32>
    %slice3A_19 = vector.extract_strided_slice %add3A_11 {offsets = [0, 3], sizes = [1000, 1], strides = [1, 1]} : vector<1000x8xf32> to vector<1000x1xf32>
    %broadcast_in_dim3A_20 = vector.shape_cast %slice3A_19 : vector<1000x1xf32> to vector<1000x1xf32>
    %broadcast_in_dim3A_21 = vector.broadcast %broadcast_in_dim3A_20 : vector<1000x1xf32> to vector<1000x16xf32>
    %slice3A_22 = vector.extract_strided_slice %add3A_11 {offsets = [0, 4], sizes = [1000, 1], strides = [1, 1]} : vector<1000x8xf32> to vector<1000x1xf32>
    %broadcast_in_dim3A_23 = vector.shape_cast %slice3A_22 : vector<1000x1xf32> to vector<1000x1xf32>
    %broadcast_in_dim3A_24 = vector.broadcast %broadcast_in_dim3A_23 : vector<1000x1xf32> to vector<1000x16xf32>
    %slice3A_25 = vector.extract_strided_slice %add3A_11 {offsets = [0, 5], sizes = [1000, 1], strides = [1, 1]} : vector<1000x8xf32> to vector<1000x1xf32>
    %broadcast_in_dim3A_26 = vector.shape_cast %slice3A_25 : vector<1000x1xf32> to vector<1000x1xf32>
    %broadcast_in_dim3A_27 = vector.broadcast %broadcast_in_dim3A_26 : vector<1000x1xf32> to vector<1000x16xf32>
    %slice3A_28 = vector.extract_strided_slice %add3A_11 {offsets = [0, 6], sizes = [1000, 1], strides = [1, 1]} : vector<1000x8xf32> to vector<1000x1xf32>
    %broadcast_in_dim3A_29 = vector.shape_cast %slice3A_28 : vector<1000x1xf32> to vector<1000x1xf32>
    %broadcast_in_dim3A_30 = vector.broadcast %broadcast_in_dim3A_29 : vector<1000x1xf32> to vector<1000x16xf32>
    %slice3A_31 = vector.extract_strided_slice %add3A_11 {offsets = [0, 7], sizes = [1000, 1], strides = [1, 1]} : vector<1000x8xf32> to vector<1000x1xf32>
    %broadcast_in_dim3A_32 = vector.shape_cast %slice3A_31 : vector<1000x1xf32> to vector<1000x1xf32>
    %broadcast_in_dim3A_33 = vector.broadcast %broadcast_in_dim3A_32 : vector<1000x1xf32> to vector<1000x16xf32>
    %concatenate3A = tpu.concatenate %broadcast_in_dim3A_12, %broadcast_in_dim3A_15, %broadcast_in_dim3A_18, %broadcast_in_dim3A_21, %broadcast_in_dim3A_24, %broadcast_in_dim3A_27, %broadcast_in_dim3A_30, %broadcast_in_dim3A_33 in 1 : vector<1000x16xf32>, vector<1000x16xf32>, vector<1000x16xf32>, vector<1000x16xf32>, vector<1000x16xf32>, vector<1000x16xf32>, vector<1000x16xf32>, vector<1000x16xf32> -> vector<1000x128xf32>
    %gt3A = arith.constant 0.000000e+00 : f32
    %gt3A_34 = vector.broadcast %gt3A : f32 to vector<1000x128xf32>
    %gt3A_35 = arith.cmpf ogt, %concatenate3A, %gt3A_34 : vector<1000x128xf32>
    %div3A = arith.divf %add3A, %concatenate3A : vector<1000x128xf32>
    %jit3A = arith.constant 0.000000e+00 : f32
    %broadcast_in_dim3A_36 = vector.broadcast %jit3A : f32 to vector<1000x128xf32>
    %select_n3A = arith.select %gt3A_35, %div3A, %broadcast_in_dim3A_36 : vector<1000x128xi1>, vector<1000x128xf32>
    %swap3A = arith.constant 0 : index
    %swap3A_37 = arith.constant 0 : index
    %swap3A_38 = vector.load %arg3[%swap3A, %swap3A_37] : memref<1000x128xf32, #tpu.memory_space<vmem>>, vector<1000x128xf32>
    tpu.vector_store %arg3[%swap3A, %swap3A_37], %select_n3A {strides = array<i32>} : memref<1000x128xf32, #tpu.memory_space<vmem>>, vector<1000x128xf32>,
    return
  }
  func.func @transform_0(%arg0: i32) -> (i32, i32) {
    %c0_i32 = arith.constant 0 : i32
    %c0_i32_0 = arith.constant 0 : i32
    return %arg0, %c0_i32 : i32, i32
  }
  func.func @transform_1(%arg0: i32) -> (i32, i32) {
    %c0_i32 = arith.constant 0 : i32
    %c0_i32_0 = arith.constant 0 : i32
    return %arg0, %c0_i32 : i32, i32
  }
  func.func @transform_2(%arg0: i32) -> (i32, i32) {
    %c0_i32 = arith.constant 0 : i32
    %c0_i32_0 = arith.constant 0 : i32
    return %arg0, %c0_i32 : i32, i32
  }
}

</mosaic_0001>

<sc_bundles>
// kernel: kernel.5.cloned.1.call-start
scs
__scs_entry_jumppad:
0x0: {  	(pc) =	sbr.rel $0x88, $3  }
0x1: {  	(tag) =	ssettag $0x0;
	lr =	simm.s32 $0x1  }
0x2: {  	[smem:$0x3F9A] =	sst lr;
	_ =	strace $0xD0000000  }
0x3: {  	_ = 	snop  }
0x4: {  	_ = 	snop  }
0x5: {  	_ = 	snop  }
0x6: {  	_ = 	snop  }
0x7: {  	_ = 	snop  }
__scs_overlays_trampoline_lowered:
0x8: {  	[smem:$0x3FA9] =	sst s0  }
0x9: {  	[smem:$0x3FAA] =	sst s1  }
0xa: {  	[smem:$0x3FAB] =	sst s2  }
0xb: {  	[smem:$0x3FAC] =	sst s3  }
0xc: {  	[smem:$0x3FAD] =	sst s4  }
0xd: {  	[smem:$0x3FAE] =	sst s5  }
0xe: {  	[smem:$0x3FAF] =	sst s6  }
0xf: {  	[smem:$0x3FB0] =	sst s7  }
0x10: {  	[smem:$0x3FB1] =	sst s8  }
0x11: {  	[smem:$0x3FB2] =	sst s9;
	s0 =	simm.s32 @!p0 $0x0  }
0x12: {  	s1 =	sld [smem:$0x3F98];
	s0 =	simm.s32 @p0 $0x1  }
0x13: {  	[smem:$0x3FB3] =	sst s0;
	s0 =	simm.s32 @!p1 $0x0  }
0x14: {  	s2 =	sld [smem:$0x3F97];
	s0 =	simm.s32 @p1 $0x1  }
0x15: {  	[smem:$0x3FB4] =	sst s0;
	s0 =	simm.s32 @!p2 $0x0  }
0x16: {  	s3 =	sld [smem:$0x3FDB];
	s0 =	simm.s32 @p2 $0x1  }
0x17: {  	s4 =	simm.s32 $0x1BF5;
	[smem:$0x3FB6] =	sst s0  }
0x18: {  	s0 =	sld [smem:$0x3F99];
	_ =	swait.ge [sflag:s4], $0x0  }
0x19: {  	s7 =	sld [smem:$0x3F9A]  }
0x1a: {  	s8 =	sadd.s32 $0xFFFFE003, lr  }
0x1b: {  	s9 =	sadd.s32 $0xFFFFFEF7, lr;
	s5 =	simm.s32 $0xFFFFFFFF;
	p2 =	slt.u32 s8, $0xFFFFF086  }
0x1c: {  	p1 =	slt.u32 s9, $0xF7A;
	s5 =	simm.s32 @!p2 $0x0  }
0x1d: {  	s5 =	simm.s32 @p1 $0x1;
	p0 =	seq.s32 s7, s2  }
0x1e: {  	s7 =	smul.u32 @!p0 $0xF7A, s2;
	p2 =	seq.s32 @!p0 s5, $0x0  }
0x1f: {  	s9 =	smul.u32 $0xF7A, s1;
	s8 =	simm.s32 @!p0 $0x1BF5;
	p2 =	por !p2, p0  }
0x20: {  	[sflag:s8] =	ssyncset.s32 @!p0 $0xFFFFF086;
	s6 =	sadd.s32 @!p0 s3, s7;
	s7 =	simm.s32 @!p0 $0x108  }
0x21: {  	s3 =	sadd.s32 s3, s9;
	s6 =	sadd.s32 @!p0 $0x88, s6;
	s7 =	simm.s32 @p2 $0x1082  }
0x22: {  	[simem:s7], [sflag:s8] =	dma.local @!p0 [hbm:s6], $0xF7A  }
0x23: {  	s9 =	sor.u32 $0xD0000000, s2;
	s6 =	simm.s32 $0x108;
	_ =	swait.ge @!p0 [sflag:s8], $0x0  }
0x24: {  	s3 =	sadd.s32 $0x88, s3;
	s6 =	simm.s32 @!p1 $0x1082;
	[sflag:s4] =	ssyncset.s32 $0xFFFFF086  }
0x25: {  	[simem:s6], [sflag:s4] =	dma.local [hbm:s3], $0xF7A  }
0x26: {  	[smem:$0x3F9A] =	sst s1;
	(tag) =	ssettag s2;
	_ =	strace s9  }
0x27: {  	s1 =	sld [smem:$0x3FAA]  }
0x28: {  	s2 =	sld [smem:$0x3FAB]  }
0x29: {  	s4 =	sld [smem:$0x3FAD]  }
0x2a: {  	p0 =	seq.s32 s5, $0x0;
	s5 =	sld [smem:$0x3FAE]  }
0x2b: {  	s6 =	sld [smem:$0x3FAF]  }
0x2c: {  	s7 =	sld [smem:$0x3FB0]  }
0x2d: {  	s3 =	simm.s32 $0x108;
	s8 =	sld [smem:$0x3FB1]  }
0x2e: {  	s3 =	simm.s32 @!p0 $0x1082;
	s9 =	sld [smem:$0x3FB2]  }
0x2f: {  	lr =	sadd.s32 s0, s3;
	s0 =	sld [smem:$0x3FA9]  }
0x30: {  	s3 =	sld [smem:$0x3FAC]  }
0x31: {  	[smem:$0x3FB5] =	sst s10  }
0x32: {  	s10 =	sld [smem:$0x3FB3];
	_ =	sdelay $0x3  }
0x33: {  	p0 =	seq.s32 s10, $0x1;
	s10 =	sld [smem:$0x3FB5];
	_ =	sdelay $0x3  }
0x34: {  	[smem:$0x3FB5] =	sst s10  }
0x35: {  	s10 =	sld [smem:$0x3FB4];
	_ =	sdelay $0x3  }
0x36: {  	p1 =	seq.s32 s10, $0x1;
	s10 =	sld [smem:$0x3FB5];
	_ =	sdelay $0x3  }
0x37: {  	[smem:$0x3FB5] =	sst s10  }
0x38: {  	s10 =	sld [smem:$0x3FB6]  }
0x39: {  	_ = 	snop;
	(pc) =	sbr.ind lr, $3  }
0x3a: {  	_ = 	snop  }
0x3b: {  	_ = 	snop  }
0x3c: {  	p2 =	seq.s32 s10, $0x1;
	s10 =	sld [smem:$0x3FB5]  }
0x3d: {  	_ =	shalt  }
0x3e: {  	_ =	shalt  }
0x3f: {  	_ =	shalt  }
0x40: {  	_ =	shalt  }
0x41: {  	_ =	shalt  }
0x42: {  	_ =	shalt  }
0x43: {  	_ =	shalt  }
0x44: {  	_ =	shalt  }
0x45: {  	_ =	shalt  }
0x46: {  	_ =	shalt  }
0x47: {  	_ =	shalt  }
0x48: {  	_ =	shalt  }
0x49: {  	_ =	shalt  }
0x4a: {  	_ =	shalt  }
0x4b: {  	_ =	shalt  }
0x4c: {  	_ =	shalt  }
0x4d: {  	_ =	shalt  }
0x4e: {  	_ =	shalt  }
0x4f: {  	_ =	shalt  }
0x50: {  	_ =	shalt  }
0x51: {  	_ =	shalt  }
0x52: {  	_ =	shalt  }
0x53: {  	_ =	shalt  }
0x54: {  	_ =	shalt  }
0x55: {  	_ =	shalt  }
0x56: {  	_ =	shalt  }
0x57: {  	_ =	shalt  }
0x58: {  	_ =	shalt  }
0x59: {  	_ =	shalt  }
0x5a: {  	_ =	shalt  }
0x5b: {  	_ =	shalt  }
0x5c: {  	_ =	shalt  }
0x5d: {  	_ =	shalt  }
0x5e: {  	_ =	shalt  }
0x5f: {  	_ =	shalt  }
0x60: {  	_ =	shalt  }
0x61: {  	_ =	shalt  }
0x62: {  	_ =	shalt  }
0x63: {  	_ =	shalt  }
0x64: {  	_ =	shalt  }
0x65: {  	_ =	shalt  }
0x66: {  	_ =	shalt  }
0x67: {  	_ =	shalt  }
0x68: {  	_ =	shalt  }
0x69: {  	_ =	shalt  }
0x6a: {  	_ =	shalt  }
0x6b: {  	_ =	shalt  }
0x6c: {  	_ =	shalt  }
0x6d: {  	_ =	shalt  }
0x6e: {  	_ =	shalt  }
0x6f: {  	_ =	shalt  }
0x70: {  	_ =	shalt  }
0x71: {  	_ =	shalt  }
0x72: {  	_ =	shalt  }
0x73: {  	_ =	shalt  }
0x74: {  	_ =	shalt  }
0x75: {  	_ =	shalt  }
0x76: {  	_ =	shalt  }
0x77: {  	_ =	shalt  }
0x78: {  	_ =	shalt  }
0x79: {  	_ =	shalt  }
0x7a: {  	_ =	shalt  }
0x7b: {  	_ =	shalt  }
0x7c: {  	_ =	shalt  }
0x7d: {  	_ =	shalt  }
0x7e: {  	_ =	shalt  }
0x7f: {  	_ =	shalt  }
0x80: {  	_ =	shalt  }
0x81: {  	_ =	shalt  }
0x82: {  	_ =	shalt  }
0x83: {  	_ =	shalt  }
0x84: {  	_ =	shalt  }
0x85: {  	_ =	shalt  }
0x86: {  	_ =	shalt  }
0x87: {  	_ =	shalt  }
.Lfunc_end0:
.L_simem_size_0:
called_computation_lowered:
.L_overlay_start_0:
0x88: {  	s2 =	sld [smem:$0x3FD9]  }
0x89: {  	s3 =	sld [smem:$0x3FFE];
	_ =	sdelay $0x1  }
0x8a: {  	s1 =	srdreg.scid  }
0x8b: {  	s0 =	sand.u32 $0x1, s1  }
0x8c: {  	s17 =	sshll.u32 s0, $0xA;
	s2 =	sadd.s32 s3, s2  }
0x8d: {  	s2 =	sadd.s32 s2, s17  }
0x8e: {  	[smem:$0x3FC1] =	sst s2  }
0x8f: {  	_ = 	snop  }
0x90: {  	s2 =	sld [smem:$0x3FC3]  }
0x91: {  	s18 =	sld [smem:$0x3FD0];
	(tm) =	ssettm $0x1  }
0x92: {  	s4 =	sld [smem:$0x3FFB];
	_ =	sdelay $0x3  }
0x93: {  	_ =	strace s4  }
0x94: {  	s4 =	sld [smem:$0x3FFC];
	_ =	sdelay $0x3  }
0x95: {  	_ =	strace s4  }
0x96: {  	s4 =	sld [smem:$0x3FFD];
	_ =	sdelay $0x3  }
0x97: {  	_ =	strace s4  }
0x98: {  	_ =	strace $0x8FFFFFFF  }
0x99: {  	s19 =	sld [smem:$0x3FDB];
	_ =	sdelay $0x1  }
0x9a: {  	s5 =	simm.s32 $_scs_section_size  }
0x9b: {  	s6 =	simm.s32 $_size__tile_overlayer_lowered;
	s7 =	simm.s32 $_tile_overlayer_lowered  }
0x9c: {  	s22 =	simm.s32 $0x1BFF;
	s21 =	sshll.u32 s7, $0x1;
	s4 =	sadd.s32 s5, s19  }
0x9d: {  	s8 =	simm.s32 $0x0;
	s20 =	sshll.u32 s6, $0x1;
	s6 =	sadd.s32 s21, s4  }
0x9e: {  	[timem:s8], [sflag:s22] =	dma.local [hbm:s6], s20  }
0x9f: {  	_ =	swait.ge [sflag:s22], s20  }
0xa0: {  	s5 =	ssub.s32 $0x0, s20;
	[sflag:s22] =	ssyncset.done $0x0  }
0xa1: {  	[sflag:s22] =	ssyncadd.s32 s5;
	_ =	sdelay $0x1  }
0xa2: {  	s23 =	simm.s32 $0x1B8B  }
0xa3: {  	_ =	swait.ge [sflag:s23], $0x1  }
0xa4: {  	[sflag:s23] =	ssyncset.done $0x0  }
0xa5: {  	s25 =	simm.s32 $0x1B8E;
	s24 =	sld [smem:$0x3FFE];
	[sflag:s23] =	ssyncadd.s32 $0xFFFFFFFF  }
0xa6: {  	s26 =	simm.s32 $execute0_lowered;
	[smem:$0x3FD2] =	sst s25  }
0xa7: {  	s6 =	sshll.u32 s26, $0x1;
	_ =	strace $0x80000046;
	[dreg:$0x1] =	wrdreg $0xFFFFFFFF  }
0xa8: {  	s28 =	simm.s32 $_size_execute0_lowered;
	s4 =	sadd.s32 s4, s6;
	[dreg:$0x0] =	wrdreg $0x0  }
0xa9: {  	s6 =	sshll.u32 s28, $0x1;
	[dreg:$0x2] =	wrdreg s4  }
0xaa: {  	[dreg:$0x3] =	wrdreg s6  }
0xab: {  	[dreg:$0x4] =	wrdreg $0xC0  }
0xac: {  	_ =	task [dreg:s8], $0x5FFFF  }
0xad: {  	[dreg:$0x1] =	wrdreg $0xFFFFFFFF  }
0xae: {  	[dreg:$0x0] =	wrdreg $0x60  }
0xaf: {  	[dreg:$0x2] =	wrdreg s18  }
0xb0: {  	[dreg:$0x3] =	wrdreg s24  }
0xb1: {  	[dreg:$0x4] =	wrdreg s2  }
0xb2: {  	[dreg:$0x5] =	wrdreg $0x0  }
0xb3: {  	[dreg:$0x6] =	wrdreg $0x9  }
0xb4: {  	_ =	task.clear_ibuf [dreg:s8], $0x7FFFF;
	_ =	strace $0x90000046  }
0xb5: {  	s29 =	simm.s32 $0x9;
	_ =	strace $0x80000048  }
0xb6: {  	_ =	swait.ge [sflag:s29], $0x1  }
0xb7: {  	[sflag:s29] =	ssyncadd.s32 $0xFFFFFFFF  }
0xb8: {  	_ =	strace $0x90000048  }
0xb9: {  	_ =	sfence  }
0xba: {  	s30 =	sld [smem:$0x0];
	_ =	sdelay $0x2  }
0xbb: {  	s31 =	sshll.u32 s1, $0xD;
	s1 =	sshrl.u32 s1, $0x2  }
0xbc: {  	s3 =	sand.u32 $0x4000, s31;
	s1 =	sadd.s32 s1, s30  }
0xbd: {  	s0 =	sor.u32 s3, s0;
	s1 =	sshll.u32 s1, $0x11  }
0xbe: {  	s0 =	sor.u32 s1, s0  }
0xbf: {  	s0 =	sadd.s32 $0x8F2B, s0  }
0xc0: {  	[sflag:s0] =	ssyncadd.remote.s32 $0x1  }
0xc1: {  	_ =	sfence.sel $0xFFFF  }
0xc2: {  	[dreg:$0x0] =	wrdreg $0xFFFFFFFF;
	(pc) =	sbr.abs _section_cstart, $3  }
0xc3: {  	[dreg:$0x1] =	wrdreg $0xFFFFFFFF  }
0xc4: {  	_ =	task.clear_ibuf [dreg:s8], $0x2FFFF;
	_ =	strace $0x9FFFFFFF  }
0xc5: {  	(tm) =	ssettm $0x7FFFFFFF  }
tec
execute0_lowered:
.L_overlay_start_1:
0x0: {  	(tag) =	ssettag $0x1  }
0x1: {  	s1 =	rddreg [dreg:$0x0]  }
0x2: {  	s0 =	rddreg [dreg:$0x1]  }
0x3: {  	s4 =	rddreg [dreg:$0x3];
	s13 =	stileid.u32;
	s5 =	simm.s32 $0x0  }
0x4: {  	s3 =	srdreg.scid;
	s16 =	simm.s32 $0x9;
	s19 =	simm.s32 $0x15F90  }
0x5: {  	s20 =	simm.s32 $0x28;
	s21 =	simm.s32 $0x16008;
	s29 =	simm.s32 $0x1B300  }
0x6: {  	s30 =	simm.s32 $0x3;
	s31 =	simm.s32 $0x4;
	s18 =	simm.s32 $0x5  }
0x7: {  	s17 =	simm.s32 $0x0;
	s2 =	smul.u32 $0x15F90, s13;
	[smem:$0x7FF] =	sst s5  }
0x8: {  	s3 =	sand.u32 $0x1, s3;
	s6 =	sadd.s32 $0x14E00, s0;
	s7 =	sadd.s32 $0x1400, s0  }
0x9: {  	s11 =	sshll.u32 s13, $0x1;
	s25 =	sshll.u32 s13, $0x6;
	_ =	strace $0x80000047  }
0xa: {  	s9 =	smul.u32 $0x15F900, s3;
	s10 =	ssub.s32 $0x2, s3;
	s3 =	sor.u32 s3, s11  }
0xb: {  	s14 =	sor.u32 $0x1C09, s25;
	s25 =	simm.s32 $0x2;
	s23 =	smul.u32 $0x4E20, s3  }
0xc: {  	s11 =	simm.s32 $0x1C700;
	s8 =	sshrl.u32 s2, $0x3;
	s24 =	smul.u32 $0x9C4, s3  }
0xd: {  	s12 =	sshrl.u32 s10, $0x1;
	s3 =	smul.u32 $0xFA, s3;
	[dreg:$0x6] =	wrdreg s14  }
0xe: {  	s8 =	sadd.s32 s8, s0;
	s9 =	sadd.s32 s2, s9;
	s22 =	ssub.s32 s10, s12  }
0xf: {  	s2 =	sadd.s32 s2, s4;
	s9 =	sshrl.u32 s9, $0x3;
	s8 =	sadd.s32 $0x3C000, s8  }
0x10: {  	s10 =	sshrl.u32 s23, $0x3;
	s12 =	sadd.s32 $0x2, s3;
	s13 =	sadd.s32 $0x3, s3  }
0x11: {  	s28 =	smax.u32 s22, $0x1;
	s15 =	sshrl.u32 s2, $0x3;
	s22 =	simm.s32 $0x15FB8  }
0x12: {  	s23 =	simm.s32 $0x17408;
	s2 =	simm.s32 $0x18808;
	[dreg:$0x5] =	wrdreg s8  }
0x13: {  	s3 =	simm.s32 $0x1;
	s0 =	sadd.s32 s9, s0;
	[dreg:$0xa] =	wrdreg s28  }
0x14: {  	s8 =	sadd.s32 s7, s24;
	s26 =	sadd.s32 s7, s10;
	[dreg:$0xb] =	wrdreg s15  }
0x15: {  	vm0 =	vmmov $0x1;
	vm1 =	vcmask $0x308;
	s24 =	simm.s32 $0x19E88;
	[dreg:$0x7] =	wrdreg s8;
	s8 =	sadd.s32 $0xA, s26  }
0x16: {  	vm2 =	vcmask $0x70C;
	vm3 =	vcmask $0xB10;
	vm4 =	vcmask $0xF14;
	s10 =	simm.s32 $0x19ED8;
	s0 =	sadd.s32 $0x68000, s0;
	[dreg:$0x8] =	wrdreg s8  }
0x17: {  	vm5 =	vcmask $0x1318;
	vm6 =	vcmask $0x171C;
	vm7 =	vcmask $0x1B20;
	[dreg:$0x9] =	wrdreg s0;
	s0 =	simm.s32 $0x15FE0;
	s8 =	simm.s32 $0x6  }
.LBB2_1:
0x18: {  	[dreg:$0xc] =	wrdreg s17  }
0x19: {  	s9 =	rddreg [dreg:$0x5]  }
0x1a: {  	[spmem:s15], [sflag:s14] =	dma.local [hbm:s9], $0x2BF2  }
0x1b: {  	_ =	swait.ge [sflag:s16], $0x2BF2  }
0x1c: {  	[sflag:s16] =	ssyncset.done $0x0  }
0x1d: {  	[sflag:s16] =	ssyncadd.s32 $0xFFFFD40E  }
0x1e: {  	s17 =	simm.s32 $0x1DD80;
	s15 =	rddreg [dreg:$0x2]  }
0x1f: {  	[tilespmem:s17], [sflag:$0x9] =	stream.linear.gather [hbm4b:s15+s5], $0x10, $0x38;
	[tilespmem:$0x1DD90] =	vst v63  }
0x20: {  	_ =	swait.ge [sflag:s16], $0x10  }
0x21: {  	[sflag:s16] =	ssyncset.done $0x0  }
0x22: {  	[sflag:s16] =	ssyncadd.s32 $0xFFFFFFF0  }
0x23: {  	[bflag:$0x0] =	sbarrier.arrive $0xFFFF  }
0x24: {  	s26 =	rddreg [dreg:$0x7]  }
0x25: {  	v0 =	vld [tilespmem:$0x1DD80];
	[tilespmem:s19], [sflag:$0x9] =	stream.linear.gather [hbm4b:s26+s5], $0x50, $0x38  }
0x26: {  	_ =	swait.ge [sflag:s16], $0x50  }
0x27: {  	[sflag:s16] =	ssyncset.done $0x0  }
0x28: {  	[sflag:s16] =	ssyncadd.s32 $0xFFFFFFB0  }
0x29: {  	[tilespmem:s21], [sflag:$0x3] =	stream.indirect.gather [hbm4b:s1+s20], $0x80, s19, s20, $0xb8;
	[tilespmem:$0x1DD90] =	vst v63  }
0x2a: {  	_ = 	snop  }
0x2b: {  	[tilespmem:s23], [sflag:$0x4] =	stream.indirect.gather [hbm4b:s6+s20], $0x80, s22, s20, $0xb8;
	[tilespmem:$0x1DD90] =	vst v63  }
0x2c: {  	s15 =	simm.s32 $0x0;
	s28 =	rddreg [dreg:$0x8]  }
0x2d: {  	[tilespmem:s24], [sflag:$0x2] =	stream.linear.gather [hbm4b:s28+s5], $0x50, $0x38;
	[tilespmem:$0x1DD90] =	vst v63  }
.LBB2_2:
0x2e: {  	_ =	swait.ge [sflag:s25], $0x50  }
0x2f: {  	[sflag:s25] =	ssyncset.done $0x0  }
0x30: {  	s9 =	simm.s32 $0x19F00;
	[sflag:s25] =	ssyncadd.s32 $0xFFFFFFB0  }
0x31: {  	[tilespmem:s9], [sflag:$0x5] =	stream.indirect.gather [hbm4b:s1+s20], $0x80, s24, s20, $0xb8;
	[tilespmem:$0x1DD90] =	vst v63  }
0x32: {  	s16 =	simm.s32 $0x19EB0  }
0x33: {  	[tilespmem:s29], [sflag:$0x6] =	stream.indirect.gather [hbm4b:s6+s20], $0x80, s16, s20, $0xb8;
	[tilespmem:$0x1DD90] =	vst v63  }
0x34: {  	_ =	swait.ge [sflag:s30], $0x1400  }
0x35: {  	[sflag:s30] =	ssyncset.done $0x0  }
0x36: {  	[sflag:s30] =	ssyncadd.s32 $0xFFFFEC00  }
0x37: {  	_ =	swait.ge [sflag:s31], $0x1400  }
0x38: {  	p0 =	seq.s32 s15, $0x0;
	[sflag:s31] =	ssyncset.done $0x0  }
0x39: {  	s9 =	simm.s32 @!p0 $0x7;
	[sflag:s31] =	ssyncadd.s32 $0xFFFFEC00  }
0x3a: {  	_ =	swait.ge @!p0 [sflag:s9], $0x1680  }
0x3b: {  	[sflag:s9] =	ssyncset.done @!p0 $0x0  }
0x3c: {  	[sflag:s9] =	ssyncadd.s32 @!p0 $0xFFFFE980  }
0x3d: {  	v1 =	vld [tilespmem:$0x15FB8]  }
0x3e: {  	v2 =	vld [tilespmem:$0x15FC8]  }
0x3f: {  	s9 =	sshll.u32 s15, $0x1;
	v3 =	vld [tilespmem:$0x15FD0]  }
0x40: {  	s14 =	smin.u32 s9, $0xF7  }
0x41: {  	s14 =	sadd.s32 s14, s12  }
0x42: {  	s14 =	smul.u32 $0xA, s14;
	[tilespmem:$0x15FE0] =	vst v1  }
0x43: {  	[tilespmem:$0x15FF0] =	vst v2  }
0x44: {  	s16 =	simm.s32 $0x16088;
	s14 =	sadd.s32 s7, s14;
	[tilespmem:$0x15FF8] =	vst v3  }
0x45: {  	[tilespmem:s19], [sflag:$0x1] =	stream.linear.gather [hbm4b:s14+s5], $0x50, $0x38;
	[tilespmem:$0x1DD90] =	vst v63  }
0x46: {  	s17 =	simm.s32 $0x17488;
	v9 =	vld [tilespmem:s16+$0x70]  }
0x47: {  	v1 =	vld [tilespmem:s17+$0x70]  }
0x48: {  	v2 =	vld [tilespmem:s17+$0xFFFFFF80]  }
0x49: {  	v7 =	vld [tilespmem:s16+$0x50]  }
0x4a: {  	v3 =	vld [tilespmem:s17+$0x50]  }
0x4b: {  	v11 =	vld [tilespmem:s16+$0x30]  }
0x4c: {  	v5 =	vld [tilespmem:s17+$0x30];
	v1 =	vadd.f32 v1, v9  }
0x4d: {  	v10 =	vld [tilespmem:s16+$0xFFFFFF80]  }
0x4e: {  	v4 =	vld [tilespmem:s16+$0x10];
	v6 =	vmin.f32 v1, $2.000000000e+01  }
0x4f: {  	v19 =	vadd.f32 v3, v7;
	v3 =	vmul.f32 $1.442695020e+00, v6;
	v6 =	vld [tilespmem:s17+$0x10];
	_ =	sdelay $0x1  }
0x50: {  	v21 =	vadd.f32 v5, v11  }
0x51: {  	v8 =	vld [tilespmem:s16+$0xFFFFFF90]  }
0x52: {  	v12 =	vld [tilespmem:s17+$0xFFFFFF90];
	v2 =	vadd.f32 v2, v10;
	v13 =	vmin.f32 v19, $2.000000000e+01;
	v14 =	vmin.f32 v21, $2.000000000e+01  }
0x53: {  	(erf) = vpow2.f32 v3;
	v23 =	vadd.f32 v6, v4;
	v6 =	vmul.f32 $1.442695020e+00, v14;
	v14 =	vld [tilespmem:s16+$0xFFFFFFA0]  }
0x54: {  	v5 =	vmul.f32 $1.442695020e+00, v13;
	v13 =	vmin.f32 v2, $2.000000000e+01  }
0x55: {  	v15 =	vld [tilespmem:s17+$0x0];
	v13 =	vmul.f32 $1.442695020e+00, v13  }
0x56: {  	v3 =	vld [tilespmem:s16+$0x0];
	(erf) = vpow2.f32 v5  }
0x57: {  	v17 =	vadd.f32 v12, v8;
	v5 =	vld [tilespmem:s16+$0x20];
	(erf) = vpow2.f32 v13;
	v16 =	vmin.f32 v23, $2.000000000e+01  }
0x58: {  	v13 =	vld [tilespmem:s17+$0x20];
	(erf) = vpow2.f32 v6;
	v6 =	vmul.f32 $1.442695020e+00, v16;
	[tilespmem:$0x1FFE0] =	vst v14  }
0x59: {  	v30 =	vmul.f32 v17, v0;
	v1 =	vmul.f32 v1, v0;
	v16 =	vld [tilespmem:s16+$0xFFFFFFB0]  }
0x5a: {  	v19 =	vmul.f32 v19, v0;
	v21 =	vmul.f32 v21, v0  }
0x5b: {  	v24 =	vadd.f32 v15, v3;
	v15 =	vmin.f32 v17, $2.000000000e+01;
	v23 =	vmul.f32 v23, v0;
	v12 =	vld [tilespmem:s16+$0x40]  }
0x5c: {  	v15 =	vmul.f32 $1.442695020e+00, v15;
	(erf) = vpow2.f32 v6;
	v18 =	vld [tilespmem:s17+$0x40];
	v6 =	vpop (erf)  }
0x5d: {  	v22 =	vmin.f32 v24, $2.000000000e+01;
	v24 =	vmul.f32 v24, v0;
	v20 =	vld [tilespmem:s17+$0xFFFFFFA0];
	v27 =	vadd.f32 $2.000000000e+00, v6  }
0x5e: {  	v25 =	vadd.f32 v13, v5;
	v26 =	vmul.f32 $1.442695020e+00, v22;
	v22 =	vmul.f32 v2, v0;
	[tilespmem:$0x1FFF0] =	vst v16  }
0x5f: {  	(erf) = vpow2.f32 v15;
	v27 =	vmul.f32 v27, v6;
	v6 =	vpop (erf);
	v13 =	vld [tilespmem:s16+$0x60]  }
0x60: {  	v15 =	vmin.f32 v25, $2.000000000e+01;
	(erf) = vpow2.f32 v26;
	v29 =	vadd.f32 $2.000000000e+00, v6;
	v26 =	vld [tilespmem:s17+$0x60]  }
0x61: {  	v25 =	vmul.f32 v25, v0;
	v28 =	vadd.f32 v18, v12;
	v18 =	vmul.f32 $1.442695020e+00, v15;
	v31 =	vpop (erf);
	v2 =	vld [tilespmem:s17+$0xFFFFFFB0]  }
0x62: {  	v15 =	vadd.f32 v20, v14;
	v20 =	vadd.f32 $2.000000000e+00, v27;
	v29 =	vmul.f32 v29, v6;
	v6 =	vpop (erf)  }
0x63: {  	v32 =	vmin.f32 v28, $2.000000000e+01;
	(erf) = vpow2.f32 v18;
	v34 =	vadd.f32 $2.000000000e+00, v6  }
0x64: {  	v1 =	vmul.f32 v27, v1;
	v32 =	vmul.f32 $1.442695020e+00, v32  }
0x65: {  	(erf) = vrcp.f32 v20;
	v34 =	vmul.f32 v34, v6;
	v26 =	vadd.f32 v26, v13  }
0x66: {  	v17 =	vld [tilespmem:s16+$0xFFFFFFC0];
	v6 =	vpop (erf);
	(erf) = vpow2.f32 v32;
	v20 =	vadd.f32 v2, v16;
	v2 =	vadd.f32 $2.000000000e+00, v29  }
0x67: {  	v33 =	vld [tilespmem:s17+$0xFFFFFFC0];
	v28 =	vmul.f32 v28, v0;
	v39 =	vadd.f32 $2.000000000e+00, v34;
	v38 =	vmin.f32 v26, $2.000000000e+01  }
0x68: {  	v46 =	vld [tilespmem:s17+$0xFFFFFFD0];
	v36 =	vadd.f32 $2.000000000e+00, v6;
	(erf) = vrcp.f32 v2;
	v47 =	vmul.f32 $1.442695020e+00, v38  }
0x69: {  	v35 =	vmin.f32 v15, $2.000000000e+01;
	v18 =	vld [tilespmem:s16+$0xFFFFFFD0];
	v15 =	vmul.f32 v15, v0;
	v40 =	vpop (erf);
	(erf) = vrcp.f32 v39  }
0x6a: {  	v48 =	vpop (erf);
	v36 =	vmul.f32 v36, v6;
	(erf) = vpow2.f32 v47  }
0x6b: {  	v35 =	vmul.f32 $1.442695020e+00, v35;
	v29 =	vmul.f32 v29, v19;
	v41 =	vadd.f32 $2.000000000e+00, v48  }
0x6c: {  	v21 =	vmul.f32 v34, v21;
	v37 =	vmin.f32 v20, $2.000000000e+01;
	v49 =	vadd.f32 $2.000000000e+00, v36;
	v27 =	vpop (erf)  }
0x6d: {  	v2 =	vadd.f32 v33, v17;
	v32 =	vmul.f32 v41, v48;
	v50 =	vadd.f32 $2.000000000e+00, v27  }
0x6e: {  	v6 =	vadd.f32 v46, v18;
	v26 =	vmul.f32 v26, v0;
	(erf) = vrcp.f32 v49;
	v51 =	vpop (erf)  }
0x6f: {  	v52 =	vadd.f32 $2.000000000e+00, v32;
	v1 =	vmul.f32 v51, v1;
	v27 =	vmul.f32 v50, v27;
	v54 =	vpop (erf)  }
0x70: {  	v20 =	vmul.f32 v20, v0;
	(erf) = vpow2.f32 v35;
	v55 =	vadd.f32 $2.000000000e+00, v54  }
0x71: {  	v37 =	vmul.f32 $1.442695020e+00, v37;
	(erf) = vrcp.f32 v52;
	(xrf2) =	vadd.scan.msk.f32 $0xffff, v1;
	v42 =	vadd.f32 $2.000000000e+00, v27;
	v56 =	vpop (erf)  }
0x72: {  	v53 =	vmin.f32 v2, $2.000000000e+01;
	v33 =	vmul.f32 v55, v54;
	v29 =	vmul.f32 v56, v29;
	v59 =	vpop (erf)  }
0x73: {  	v58 =	vmin.f32 v6, $2.000000000e+01;
	v35 =	vmul.f32 $1.442695020e+00, v53;
	(erf) = vrcp.f32 v42;
	v62 =	vpop (erf)  }
0x74: {  	v57 =	vld [tilespmem:s17+$0xFFFFFFE0];
	v61 =	vadd.f32 $2.000000000e+00, v33;
	(erf) = vpow2.f32 v37;
	(xrf2) =	vadd.scan.msk.f32 $0xffff, v29;
	v43 =	vadd.f32 $2.000000000e+00, v62  }
0x75: {  	v63 =	vld [tilespmem:s17+$0xFFFFFFF0];
	v60 =	vmul.f32 v59, v21;
	v29 =	vmul.f32 $1.442695020e+00, v58  }
0x76: {  	v19 =	vld [tilespmem:s16+$0xFFFFFFE0];
	v46 =	vadd.f32 $2.000000000e+00, v31;
	(erf) = vrcp.f32 v61;
	v47 =	vmul.f32 v43, v62  }
0x77: {  	v23 =	vmul.f32 v36, v23;
	v1 =	vld [tilespmem:s16+$0xFFFFFFF0];
	v45 =	vpop (erf);
	(xrf2) =	vadd.scan.msk.f32 $0xffff, v60;
	(erf) = vpow2.f32 v35  }
0x78: {  	v31 =	vmul.f32 v46, v31;
	v2 =	vmul.f32 v2, v0;
	v50 =	vadd.f32 $2.000000000e+00, v47  }
0x79: {  	v24 =	vmul.f32 v32, v24;
	v49 =	vpop (erf);
	(erf) = vpow2.f32 v29  }
0x7a: {  	v36 =	vmul.f32 v45, v23;
	v29 =	vpop (erf);
	(erf) = vrcp.f32 v50  }
0x7b: {  	v6 =	vmul.f32 v6, v0;
	v21 =	vadd.f32 v57, v19;
	v24 =	vmul.f32 v29, v24;
	v53, _, _ =	vpop (xrf2)  }
0x7c: {  	v22 =	vmul.f32 v31, v22;
	v25 =	vmul.f32 v27, v25;
	v23 =	vadd.f32 v63, v1;
	(xrf2) =	vadd.scan.msk.f32 $0xffff, v36;
	v52 =	vpop (erf)  }
0x7d: {  	v31 =	vadd.f32 $2.000000000e+00, v31;
	v28 =	vmul.f32 v33, v28;
	v48 =	vmin.f32 v21, $2.000000000e+01;
	(xrf2) =	vadd.scan.msk.f32 $0xffff, v24;
	v55 =	vpop (erf)  }
0x7e: {  	v51 =	vmul.f32 $1.442695020e+00, v48;
	v27 =	vmin.f32 v23, $2.000000000e+01;
	v25 =	vmul.f32 v52, v25;
	v54, _, _ =	vpop (xrf2)  }
0x7f: {  	v29 =	vadd.f32 $2.000000000e+00, v40;
	v27 =	vmul.f32 $1.442695020e+00, v27;
	v26 =	vmul.f32 v47, v26;
	v56 =	vpop (erf)  }
0x80: {  	v24 =	vadd.f32 $2.000000000e+00, v49;
	(erf) = vpow2.f32 v51;
	(xrf2) =	vadd.scan.msk.f32 $0xffff, v25;
	v57 =	vpop (erf);
	v28 =	vmul.f32 v56, v28  }
0x81: {  	v47 =	vmul.f32 $1.442695020e+00, v53;
	v29 =	vmul.f32 v29, v40;
	v58, _, _ =	vpop (xrf2)  }
0x82: {  	v24 =	vmul.f32 v24, v49;
	v25 =	vadd.f32 $2.000000000e+00, v55;
	(erf) = vpow2.f32 v27;
	v60 =	vpop (erf);
	(xrf2) =	vadd.scan.msk.f32 $0xffff, v28  }
0x83: {  	v30 =	vmul.f32 v29, v30;
	v29 =	vadd.f32 $2.000000000e+00, v29;
	(erf) = vrcp.f32 v31;
	v31 =	vpop (erf)  }
0x84: {  	v25 =	vmul.f32 v25, v55;
	v59 =	vadd.f32 $2.000000000e+00, v57;
	v26 =	vmul.f32 v31, v26  }
0x85: {  	v61 =	vadd.f32 $2.000000000e+00, v24;
	v15 =	vmul.f32 v24, v15;
	v39 =	vmul.f32 $1.442695020e+00, v58  }
0x86: {  	(erf) = vrcp.f32 v29;
	v28 =	vmul.f32 v59, v57;
	v62, _, _ =	vpop (xrf2);
	v31 =	vadd.f32 $2.000000000e+00, v25;
	(xrf2) =	vadd.scan.msk.f32 $0xffff, v26  }
0x87: {  	v27 =	vadd.f32 $2.000000000e+00, v60;
	v33 =	vbroadcast v39, $0xF;
	v29, _, _ =	vpop (xrf2);
	v26 =	vmul.f32 $1.442695020e+00, v62  }
0x88: {  	(erf) = vrcp.f32 v61;
	v24 =	vadd.f32 $2.000000000e+00, v28;
	v29 =	vmul.f32 $1.442695020e+00, v29  }
0x89: {  	v27 =	vmul.f32 v27, v60;
	v63 =	vpop (erf);
	(erf) = vrcp.f32 v31  }
0x8a: {  	v38 =	vadd.f32 $2.000000000e+00, v63;
	v29 =	vbroadcast v29, $0xF;
	(erf) = vrcp.f32 v24;
	v31, _, _ =	vpop (xrf2)  }
0x8b: {  	v24 =	vbroadcast v26, $0xF;
	v31 =	vmul.f32 $1.442695020e+00, v31;
	v26 =	vpop (erf)  }
0x8c: {  	(erf) = vpow2.f32 v29;
	v29 =	vmul.f32 v38, v63;
	v41, _, _ =	vpop (xrf2)  }
0x8d: {  	(erf) = vpow2.f32 v24;
	v40 =	vpop (erf);
	v31 =	vbroadcast v31, $0xF  }
0x8e: {  	v24 =	vadd.f32 $2.000000000e+00, v27;
	v42 =	vmul.f32 $1.442695020e+00, v41;
	v22 =	vmul.f32 v40, v22  }
0x8f: {  	(erf) = vpow2.f32 v31;
	v31 =	vmul.f32 $1.442695020e+00, v54  }
0x90: {  	(erf) = vrcp.f32 v24;
	v24 =	vbroadcast v42, $0xF;
	v44, _, _ =	vpop (xrf2)  }
0x91: {  	(xrf2) =	vadd.scan.msk.f32 $0xffff, v22;
	(erf) = vpow2.f32 v33;
	v22 =	vmul.f32 $1.442695020e+00, v44  }
0x92: {  	v43 =	vadd.f32 $2.000000000e+00, v26;
	v45 =	vpop (erf);
	v31 =	vbroadcast v31, $0xF;
	(erf) = vpow2.f32 v24  }
0x93: {  	v24 =	vmul.f32 v45, v30;
	v30 =	vpop (erf);
	v22 =	vbroadcast v22, $0xF  }
0x94: {  	v20 =	vmul.f32 v25, v20;
	v46 =	vadd.f32 $2.000000000e+00, v29;
	v26 =	vmul.f32 v43, v26;
	v48 =	vpop (erf)  }
0x95: {  	(erf) = vpow2.f32 v31;
	v15 =	vmul.f32 v30, v15;
	v30 =	vpop (erf)  }
0x96: {  	v2 =	vmul.f32 v28, v2;
	(erf) = vrcp.f32 v46;
	v49 =	vpop (erf)  }
0x97: {  	v6 =	vmul.f32 v27, v6;
	(xrf2) =	vadd.scan.msk.f32 $0xffff, v24;
	v24 =	vadd.f32 $2.000000000e+00, v26;
	(erf) = vpow2.f32 v22;
	v22 =	vpop (erf)  }
0x98: {  	v31 =	vbroadcast v47, $0xF;
	v20 =	vmul.f32 v48, v20;
	(xrf2) =	vadd.scan.msk.f32 $0xffff, v15;
	v50 =	vpop (erf)  }
0x99: {  	v2 =	vmul.f32 v30, v2;
	v15 =	vpop (erf)  }
0x9a: {  	(xrf2) =	vadd.scan.msk.f32 $0xffff, v20;
	(erf) = vpow2.f32 v31;
	v6 =	vmul.f32 v15, v6  }
0x9b: {  	(xrf2) =	vadd.scan.msk.f32 $0xffff, v2;
	(erf) = vrcp.f32 v24;
	v24, _, _ =	vpop (xrf2);
	v15 =	vmul.f32 v21, v0  }
0x9c: {  	v27 =	vpop (erf);
	(xrf2) =	vadd.scan.msk.f32 $0xffff, v6;
	v6 =	vmul.f32 $1.442695020e+00, v24  }
0x9d: {  	v28 =	vpop (erf)  }
0x9e: {  	v30 =	vpop (erf);
	v6 =	vbroadcast v6, $0xF  }
0x9f: {  	v20 =	vmul.f32 v23, v0;
	v2 =	vmul.f32 v29, v15;
	v15 =	vpop (erf)  }
0xa0: {  	v38 =	vpop (erf)  }
0xa1: {  	s16 =	simm.s32 $0x17588;
	v20 =	vmul.f32 v26, v20;
	v2 =	vmul.f32 v15, v2;
	v15, _, _ =	vpop (xrf2)  }
0xa2: {  	s26 =	simm.s32 $0x16188;
	v26 =	vld [tilespmem:s16+$0x70];
	v21 =	vnsel vm0, $0x0, v49;
	v23 =	vmul.f32 $1.442695020e+00, v15;
	(erf) = vpow2.f32 v6;
	v6, _, _ =	vpop (xrf2)  }
0xa3: {  	v21 =	vadd.f32 $0.0e+00, v21;
	v24 =	vsel vm1, $0x0, v22;
	(xrf2) =	vadd.scan.msk.f32 $0xffff, v2;
	v2 =	vld [tilespmem:s26+$0x70];
	v6 =	vmul.f32 $1.442695020e+00, v6  }
0xa4: {  	v23 =	vbroadcast v23, $0xF  }
0xa5: {  	v25 =	vmul.f32 v49, v3;
	v3 =	vld [tilespmem:s26+$0x50];
	v21 =	vadd.f32 v24, v21;
	v32 =	vmul.f32 v30, v7;
	v15 =	vpop (erf)  }
0xa6: {  	v29 =	vsel vm2, $0x0, v50;
	v24 =	vpop (erf);
	(erf) = vpow2.f32 v23;
	v23 =	vmul.f32 v22, v4;
	v22 =	vld [tilespmem:s16+$0x50]  }
0xa7: {  	v51 =	vld [tilespmem:s16+$0xFFFFFF80];
	v31 =	vmul.f32 v24, v20;
	v20 =	vadd.f32 v29, v21;
	v21 =	vbroadcast v6, $0xF;
	v6, _, _ =	vpop (xrf2)  }
0xa8: {  	v55 =	vld [tilespmem:s16+$0xFFFFFF90];
	v24 =	vsel vm3, $0x0, v27;
	v39 =	vadd.f32 v26, v2;
	v4 =	vmul.f32 $1.442695020e+00, v6  }
0xa9: {  	v29 =	vadd.f32 v24, v20;
	v24 =	vmul.f32 v50, v5;
	v5 =	vld [tilespmem:s26+$0xFFFFFF80];
	(erf) = vpow2.f32 v21;
	v6, _, _ =	vpop (xrf2)  }
0xaa: {  	v54 =	vld [tilespmem:s16+$0x30];
	v20 =	vmul.f32 $1.442695020e+00, v6;
	v6, _, _ =	vpop (xrf2);
	v26 =	vmin.f32 v39, $2.000000000e+01;
	v4 =	vbroadcast v4, $0xF  }
0xab: {  	v42 =	vadd.f32 v22, v3;
	v52 =	vmul.f32 $1.442695020e+00, v6;
	v6 =	vld [tilespmem:s26+$0x30];
	v22 =	vmul.f32 $1.442695020e+00, v26  }
0xac: {  	v58 =	vld [tilespmem:s16+$0x0];
	v53 =	vsel vm4, $0x0, v28;
	v20 =	vbroadcast v20, $0xF;
	(erf) = vpow2.f32 v4  }
0xad: {  	v26 =	vmul.f32 v27, v11;
	v27 =	vld [tilespmem:s16+$0x10];
	v56 =	vmin.f32 v42, $2.000000000e+01;
	v21 =	vbroadcast v52, $0xF  }
0xae: {  	v43 =	vadd.f32 v51, v5;
	(xrf2) =	vadd.scan.msk.f32 $0xffff, v31;
	v11, _, _ =	vpop (xrf2);
	v31 =	vmul.f32 $1.442695020e+00, v56;
	(erf) = vpow2.f32 v20;
	v20 =	vld [tilespmem:s26+$0x10]  }
0xaf: {  	v59 =	vsel vm5, $0x0, v30;
	v4 =	vld [tilespmem:s26+$0xFFFFFF90];
	v11 =	vmul.f32 $1.442695020e+00, v11;
	(erf) = vpow2.f32 v21  }
0xb0: {  	v44 =	vld [tilespmem:s16+$0x20];
	(erf) = vpow2.f32 v22;
	v22 =	vmin.f32 v43, $2.000000000e+01;
	v46 =	vadd.f32 v54, v6  }
0xb1: {  	v57 =	vadd.f32 v53, v29;
	v29 =	vmul.f32 v28, v12;
	v21 =	vld [tilespmem:s26+$0x0];
	v12 =	vmul.f32 $1.442695020e+00, v22  }
0xb2: {  	v47 =	vpop (erf);
	v11 =	vbroadcast v11, $0xF;
	(erf) = vpow2.f32 v31;
	v22 =	vld [tilespmem:s26+$0x20];
	v28 =	vmin.f32 v46, $2.000000000e+01  }
0xb3: {  	v40 =	vpop (erf);
	v48 =	vadd.f32 v27, v20;
	v28 =	vmul.f32 $1.442695020e+00, v28;
	(erf) = vpow2.f32 v12  }
0xb4: {  	v33 =	vmul.f32 v15, v9;
	v30 =	vpop (erf);
	v41 =	vadd.f32 v55, v4;
	(erf) = vpow2.f32 v11  }
0xb5: {  	v36 =	vmul.f32 v47, v10;
	v11 =	vmin.f32 v48, $2.000000000e+01;
	v27 =	vpop (erf);
	(erf) = vpow2.f32 v28  }
0xb6: {  	v12 =	vld [tilespmem:s26+$0x40];
	v49 =	vadd.f32 v58, v21;
	v9 =	vmin.f32 v41, $2.000000000e+01;
	v10 =	vmul.f32 $1.442695020e+00, v11  }
0xb7: {  	v9 =	vmul.f32 $1.442695020e+00, v9;
	v11 =	vld [tilespmem:s16+$0x40];
	v50 =	vadd.f32 v44, v22  }
0xb8: {  	v34 =	vmul.f32 v38, v13;
	v13 =	vmin.f32 v49, $2.000000000e+01;
	v28 =	vpop (erf);
	(erf) = vpow2.f32 v10  }
0xb9: {  	v45 =	vld [tilespmem:s16+$0xFFFFFFA0];
	v60 =	vmul.f32 $1.442695020e+00, v13;
	v31 =	vpop (erf);
	(erf) = vpow2.f32 v9;
	v9 =	vmin.f32 v50, $2.000000000e+01  }
0xba: {  	v7 =	vld [tilespmem:s26+$0xFFFFFFA0];
	v10 =	vpop (erf);
	v9 =	vmul.f32 $1.442695020e+00, v9  }
0xbb: {  	v53 =	vld [tilespmem:s16+$0x60];
	(erf) = vpow2.f32 v60;
	v51 =	vadd.f32 $2.000000000e+00, v10;
	v62 =	vpop (erf)  }
0xbc: {  	v39 =	vmul.f32 v39, v0;
	v13 =	vld [tilespmem:s26+$0x60];
	v54 =	vadd.f32 v11, v12;
	v55 =	vpop (erf)  }
0xbd: {  	v52 =	vadd.f32 v59, v57;
	v57 =	vld [tilespmem:s16+$0xFFFFFFB0];
	v37 =	vmul.f32 v40, v8;
	v10 =	vmul.f32 v51, v10;
	v35 =	vpop (erf)  }
0xbe: {  	v8 =	vld [tilespmem:s26+$0xFFFFFFB0];
	v11 =	vadd.f32 $2.000000000e+00, v62;
	(erf) = vpow2.f32 v9;
	v58 =	vmin.f32 v54, $2.000000000e+01;
	v9 =	vpop (erf)  }
0xbf: {  	v61, _, _ =	vpop (xrf2);
	v51 =	vmul.f32 $1.442695020e+00, v58;
	v63 =	vadd.f32 $2.000000000e+00, v10;
	v58 =	vadd.f32 $2.000000000e+00, v9  }
0xc0: {  	v56 =	vmul.f32 $1.442695020e+00, v61;
	v14 =	vmul.f32 v11, v62  }
0xc1: {  	v53 =	vadd.f32 v53, v13;
	(erf) = vrcp.f32 v63;
	v58 =	vmul.f32 v58, v9;
	v9 =	vpop (erf)  }
0xc2: {  	v60 =	vadd.f32 $2.000000000e+00, v14;
	(erf) = vpow2.f32 v51;
	v51 =	vadd.f32 $2.000000000e+00, v9  }
0xc3: {  	v44 =	vadd.f32 v45, v7;
	v45 =	vadd.f32 v57, v8;
	v57 =	vmin.f32 v53, $2.000000000e+01;
	v61 =	vpop (erf)  }
0xc4: {  	(erf) = vrcp.f32 v60;
	v60 =	vadd.f32 $2.000000000e+00, v58;
	v51 =	vmul.f32 v51, v9;
	v9 =	vpop (erf)  }
0xc5: {  	v62 =	vmin.f32 v45, $2.000000000e+01;
	v57 =	vmul.f32 $1.442695020e+00, v57;
	v63 =	vadd.f32 $2.000000000e+00, v9  }
0xc6: {  	(erf) = vrcp.f32 v60;
	v60 =	vmul.f32 $1.442695020e+00, v62  }
0xc7: {  	v62 =	vadd.f32 $2.000000000e+00, v51;
	(erf) = vpow2.f32 v57;
	v57 =	vmul.f32 v63, v9  }
0xc8: {  	v38 =	vsel vm6, $0x0, v38;
	v42 =	vmul.f32 v42, v0;
	v59 =	vmul.f32 v43, v0  }
0xc9: {  	v43 =	vmin.f32 v44, $2.000000000e+01;
	v10 =	vmul.f32 v10, v39;
	v39 =	vpop (erf);
	v11 =	vadd.f32 $2.000000000e+00, v57  }
0xca: {  	v43 =	vmul.f32 $1.442695020e+00, v43;
	v14 =	vmul.f32 v14, v42;
	v63 =	vadd.f32 $2.000000000e+00, v39  }
0xcb: {  	v38 =	vadd.f32 v38, v52;
	v42 =	vmul.f32 v46, v0;
	v46 =	vld [tilespmem:s16+$0xFFFFFFD0];
	(erf) = vrcp.f32 v62;
	v62 =	vpop (erf)  }
0xcc: {  	v15 =	vsel vm7, $0x0, v15;
	v9 =	vld [tilespmem:s26+$0xFFFFFFC0];
	(erf) = vpow2.f32 v43;
	v52 =	vmul.f32 v63, v39;
	v39 =	vpop (erf)  }
0xcd: {  	v38 =	vadd.f32 v15, v38;
	v43 =	vld [tilespmem:s16+$0xFFFFFFC0];
	(erf) = vrcp.f32 v11;
	v63 =	vadd.f32 $2.000000000e+00, v39;
	v11 =	vpop (erf)  }
0xce: {  	v62 =	vmul.f32 v62, v10;
	v10 =	vld [tilespmem:s26+$0xFFFFFFD0];
	v16 =	vmul.f32 v11, v14;
	v14 =	vadd.f32 $2.000000000e+00, v52  }
0xcf: {  	v15 =	vnsel vm0, $0x0, v47;
	v47 =	vld [tilespmem:s16+$0xFFFFFFE0];
	v42 =	vmul.f32 v58, v42;
	v58 =	vmul.f32 v63, v39  }
0xd0: {  	v48 =	vmul.f32 v48, v0;
	v11 =	vld [tilespmem:s26+$0xFFFFFFE0];
	(erf) = vrcp.f32 v14  }
0xd1: {  	(erf) = vpow2.f32 v60;
	v60 =	vadd.f32 $2.000000000e+00, v58  }
0xd2: {  	v51 =	vmul.f32 v51, v48;
	v48 =	vld [tilespmem:s16+$0xFFFFFFF0];
	v63 =	vadd.f32 $0.0e+00, v15  }
0xd3: {  	v44 =	vmul.f32 v44, v0;
	(xrf2) =	vadd.scan.msk.f32 $0xffff, v62;
	v15 =	vld [tilespmem:s26+$0xFFFFFFF0];
	v43 =	vadd.f32 v43, v9;
	v46 =	vadd.f32 v46, v10;
	v14 =	vpop (erf)  }
0xd4: {  	(xrf2) =	vadd.scan.msk.f32 $0xffff, v16;
	v16 =	vsel vm1, $0x0, v40;
	v14 =	vmul.f32 v14, v42;
	v39 =	vpop (erf);
	(erf) = vrcp.f32 v60  }
0xd5: {  	v40 =	vadd.f32 v47, v11;
	v47 =	vmul.f32 v49, v0;
	v42 =	vadd.f32 $2.000000000e+00, v39;
	v60 =	vpop (erf)  }
0xd6: {  	v49 =	vmul.f32 v41, v0;
	v51 =	vmul.f32 v60, v51;
	v60 =	vmin.f32 v46, $2.000000000e+01  }
0xd7: {  	v39 =	vmul.f32 v42, v39;
	v42 =	vmin.f32 v43, $2.000000000e+01;
	v62 =	vmul.f32 $1.442695020e+00, v60  }
0xd8: {  	v41 =	vadd.f32 v48, v15;
	(xrf2) =	vadd.scan.msk.f32 $0xffff, v14;
	v14 =	vmin.f32 v40, $2.000000000e+01;
	v42 =	vmul.f32 $1.442695020e+00, v42  }
0xd9: {  	v48 =	vadd.f32 $2.000000000e+00, v55;
	v47 =	vmul.f32 v57, v47;
	v14 =	vmul.f32 $1.442695020e+00, v14  }
0xda: {  	v57 =	vpop (erf);
	v60 =	vmul.f32 v50, v0;
	(erf) = vpow2.f32 v42  }
0xdb: {  	v48 =	vmul.f32 v48, v55;
	v50 =	vadd.f32 $2.000000000e+00, v39;
	(erf) = vpow2.f32 v62;
	v62 =	vpop (erf)  }
0xdc: {  	v42 =	vmul.f32 v52, v60;
	v60 =	vmin.f32 v41, $2.000000000e+01;
	v47 =	vmul.f32 v62, v47  }
0xdd: {  	v53 =	vmul.f32 v53, v0;
	(xrf2) =	vadd.scan.msk.f32 $0xffff, v51;
	(erf) = vrcp.f32 v50  }
0xde: {  	v55 =	vadd.f32 $2.000000000e+00, v48;
	v48 =	vmul.f32 v48, v59;
	(erf) = vpow2.f32 v14;
	v14 =	vpop (erf);
	(xrf2) =	vadd.scan.msk.f32 $0xffff, v47  }
0xdf: {  	v52 =	vadd.f32 $2.000000000e+00, v57;
	v51 =	vmul.f32 $1.442695020e+00, v60;
	v62 =	vadd.f32 $2.000000000e+00, v61;
	v60 =	vpop (erf)  }
0xe0: {  	v16 =	vadd.f32 v16, v63;
	v14 =	vmul.f32 v14, v42;
	v42 =	vmul.f32 v54, v0;
	v63 =	vpop (erf)  }
0xe1: {  	v52 =	vmul.f32 v52, v57;
	v50 =	vmul.f32 v62, v61;
	v47, _, _ =	vpop (xrf2)  }
0xe2: {  	v39 =	vmul.f32 v39, v53;
	v42 =	vmul.f32 v58, v42;
	v54, _, _ =	vpop (xrf2);
	(xrf2) =	vadd.scan.msk.f32 $0xffff, v14  }
0xe3: {  	v44 =	vmul.f32 v52, v44;
	v49 =	vmul.f32 v50, v49;
	v14 =	vadd.f32 $2.000000000e+00, v60;
	v57 =	vpop (erf)  }
0xe4: {  	v50 =	vadd.f32 $2.000000000e+00, v50;
	v42 =	vmul.f32 v63, v42;
	v58, _, _ =	vpop (xrf2);
	(erf) = vpow2.f32 v51  }
0xe5: {  	v14 =	vmul.f32 v14, v60;
	v59 =	vadd.f32 $2.000000000e+00, v57;
	v60 =	vpop (erf);
	(erf) = vrcp.f32 v55  }
0xe6: {  	v51 =	vadd.f32 $2.000000000e+00, v52;
	(xrf2) =	vadd.scan.msk.f32 $0xffff, v42;
	v61 =	vadd.f32 $2.000000000e+00, v60;
	v62 =	vpop (erf);
	(erf) = vrcp.f32 v50  }
0xe7: {  	v55 =	vsel vm2, $0x0, v30;
	v53 =	vmul.f32 v59, v57;
	v57, _, _ =	vpop (xrf2);
	v39 =	vmul.f32 v62, v39  }
0xe8: {  	v16 =	vadd.f32 v55, v16;
	v63 =	vadd.f32 $2.000000000e+00, v14;
	v42 =	vmul.f32 v61, v60;
	v60, _, _ =	vpop (xrf2)  }
0xe9: {  	(erf) = vrcp.f32 v51;
	v62 =	vsel vm3, $0x0, v27;
	v61 =	vmul.f32 $1.442695020e+00, v60  }
0xea: {  	(erf) = vrcp.f32 v63;
	(xrf2) =	vadd.scan.msk.f32 $0xffff, v39;
	v51 =	vadd.f32 $2.000000000e+00, v53;
	v63 =	vmul.f32 $1.442695020e+00, v57  }
0xeb: {  	v54 =	vmul.f32 $1.442695020e+00, v54;
	v16 =	vadd.f32 v62, v16;
	v39 =	vpop (erf);
	v50 =	vbroadcast v61, $0xF  }
0xec: {  	(erf) = vrcp.f32 v51;
	v51 =	vbroadcast v63, $0xF;
	v60, _, _ =	vpop (xrf2);
	v61 =	vadd.f32 $2.000000000e+00, v39  }
0xed: {  	v62 =	vsel vm4, $0x0, v28;
	v52 =	vpop (erf);
	v57 =	vmul.f32 $1.442695020e+00, v60;
	(erf) = vpow2.f32 v50  }
0xee: {  	v63 =	vmul.f32 $1.442695020e+00, v58;
	v39 =	vmul.f32 v61, v39  }
0xef: {  	v16 =	vadd.f32 v62, v16;
	v60 =	vpop (erf);
	v61 =	vbroadcast v57, $0xF;
	(erf) = vpow2.f32 v51  }
0xf0: {  	v58 =	vsel vm5, $0x0, v31;
	v55 =	vbroadcast v63, $0xF;
	v62, _, _ =	vpop (xrf2);
	v51 =	vadd.f32 $2.000000000e+00, v42  }
0xf1: {  	v59 =	vpop (erf);
	v57 =	vmul.f32 $1.442695020e+00, v62;
	(erf) = vpow2.f32 v61  }
0xf2: {  	v48 =	vmul.f32 v60, v48;
	v60 =	vpop (erf);
	(erf) = vrcp.f32 v51  }
0xf3: {  	v16 =	vadd.f32 v58, v16;
	v58 =	vpop (erf);
	v51 =	vbroadcast v57, $0xF;
	(erf) = vpow2.f32 v55  }
0xf4: {  	v63, _, _ =	vpop (xrf2)  }
0xf5: {  	s17 =	simm.s32 $0x18898;
	v50 =	vadd.f32 $2.000000000e+00, v52;
	v62 =	vbroadcast v54, $0xF;
	(xrf2) =	vadd.scan.msk.f32 $0xffff, v48;
	v54 =	vpop (erf);
	(erf) = vpow2.f32 v51  }
0xf6: {  	[tilespmem:s17+$0x0] =	vst v25;
	v49 =	vmul.f32 v59, v49;
	v57 =	vadd.f32 $2.000000000e+00, v39;
	v61 =	vmul.f32 $1.442695020e+00, v63;
	v59 =	vpop (erf)  }
0xf7: {  	[tilespmem:s17+$0x50] =	vst v32;
	v50 =	vmul.f32 v50, v52;
	(erf) = vpow2.f32 v62;
	v52 =	vnsel vm0, $0x0, v59  }
0xf8: {  	[tilespmem:s17+$0x10] =	vst v23;
	v63 =	vbroadcast v61, $0xF;
	(erf) = vrcp.f32 v57;
	v48 =	vpop (erf);
	v61 =	vadd.f32 $0.0e+00, v52  }
0xf9: {  	[tilespmem:s17+$0x20] =	vst v24;
	v45 =	vmul.f32 v45, v0;
	v62 =	vsel vm1, $0x0, v48  }
0xfa: {  	[tilespmem:s17+$0x30] =	vst v26;
	v23 =	vmul.f32 v43, v0;
	(erf) = vpow2.f32 v63;
	v43 =	vpop (erf);
	v63 =	vadd.f32 v62, v61  }
0xfb: {  	v24 =	vmul.f32 v46, v0;
	v25 =	vmul.f32 v60, v44;
	(xrf2) =	vadd.scan.msk.f32 $0xffff, v49;
	v49 =	vsel vm2, $0x0, v43;
	v52 =	vpop (erf)  }
0xfc: {  	[tilespmem:s17+$0x80] =	vst v38;
	v47 =	vmul.f32 $1.442695020e+00, v47;
	v14 =	vmul.f32 v14, v45;
	v38 =	vpop (erf);
	v44 =	vadd.f32 v49, v63  }
0xfd: {  	v26 =	vmul.f32 v40, v0;
	v23 =	vmul.f32 v53, v23;
	(xrf2) =	vadd.scan.msk.f32 $0xffff, v25;
	v25 =	vsel vm3, $0x0, v38  }
0xfe: {  	[tilespmem:s17+$0xFFFFFF70] =	vst v36;
	v47 =	vbroadcast v47, $0xF;
	v14 =	vmul.f32 v58, v14;
	v36 =	vpop (erf);
	v25 =	vadd.f32 v25, v44  }
0xff: {  	[tilespmem:s17+$0x40] =	vst v29;
	v24 =	vmul.f32 v42, v24;
	v60 =	vmul.f32 v54, v23;
	v58, _, _ =	vpop (xrf2);
	v23 =	vsel vm4, $0x0, v36  }
0x100: {  	v51 =	vadd.f32 $2.000000000e+00, v50;
	(xrf2) =	vadd.scan.msk.f32 $0xffff, v14;
	v14 =	vmul.f32 v39, v26;
	v40 =	vpop (erf);
	v23 =	vadd.f32 v23, v25  }
0x101: {  	[tilespmem:s17+$0xFFFFFF80] =	vst v37;
	(erf) = vpow2.f32 v47;
	v61 =	vmul.f32 v52, v24;
	v24 =	vsel vm5, $0x0, v40;
	v29 =	vpop (erf)  }
0x102: {  	(erf) = vrcp.f32 v51;
	v62 =	vmul.f32 v29, v14;
	v14 =	vadd.f32 v24, v23;
	v23 =	vld [tilespmem:$0x1FFE0];
	_ =	sdelay $0x1  }
0x103: {  	v25 =	vmul.f32 $1.442695020e+00, v58  }
0x104: {  	v56 =	vbroadcast v56, $0xF;
	v17 =	vmul.f32 v28, v17  }
0x105: {  	v57 =	vmul.f32 v41, v0;
	v25 =	vbroadcast v25, $0xF;
	v24 =	vpop (erf)  }
0x106: {  	(erf) = vpow2.f32 v56;
	[tilespmem:s17+$0x60] =	vst v34;
	v23 =	vmul.f32 v30, v23;
	v30, _, _ =	vpop (xrf2)  }
0x107: {  	v34 =	vld [tilespmem:$0x1FFF0];
	(erf) = vpow2.f32 v25;
	v25 =	vmul.f32 v31, v18;
	v18, _, _ =	vpop (xrf2);
	(xrf2) =	vadd.scan.msk.f32 $0xffff, v60  }
0x108: {  	v55 =	vsel vm6, $0x0, v35;
	v26 =	vmul.f32 v50, v57;
	v29 =	vsel vm6, $0x0, v24  }
0x109: {  	[tilespmem:s17+$0xFFFFFFB0] =	vst v17;
	v17 =	vmul.f32 v35, v19;
	v14 =	vadd.f32 v29, v14;
	v63 =	vmul.f32 $1.442695020e+00, v30;
	v30 =	vpop (erf)  }
0x10a: {  	v29 =	vadd.f32 v55, v16;
	[tilespmem:s17+$0xFFFFFF90] =	vst v23;
	v16 =	vmul.f32 $1.442695020e+00, v18;
	(xrf2) =	vadd.scan.msk.f32 $0xffff, v61;
	v23 =	vpop (erf)  }
0x10b: {  	[tilespmem:s17+$0x70] =	vst v33;
	v28 =	vsel vm7, $0x0, v30;
	v23 =	vmul.f32 v23, v26;
	v26 =	vbroadcast v63, $0xF  }
0x10c: {  	[tilespmem:s17+$0xFFFFFFD0] =	vst v17;
	v27 =	vmul.f32 v27, v34;
	v14 =	vadd.f32 v28, v14  }
0x10d: {  	s14 =	simm.s32 $0x189B8;
	[tilespmem:s17+$0xFFFFFFC0] =	vst v25;
	v18 =	vmul.f32 v59, v21;
	(xrf2) =	vadd.scan.msk.f32 $0xffff, v62;
	(erf) = vpow2.f32 v26  }
0x10e: {  	v19 =	vbroadcast v16, $0xF;
	[tilespmem:s14+$0x80] =	vst v14;
	v14 =	vmul.f32 v48, v20;
	v16, _, _ =	vpop (xrf2)  }
0x10f: {  	s28 =	simm.s32 $0x16288;
	s26 =	simm.s32 $0x2;
	[tilespmem:s17+$0xFFFFFFA0] =	vst v27;
	v17 =	vpop (erf);
	v20 =	vmul.f32 $1.442695020e+00, v16;
	v16 =	vmul.f32 v43, v22  }
.LBB2_3:
0x110: {  	v21 =	vld [tilespmem:s28+$0x70];
	s16 =	sadd.s32 $0x100, s16;
	(xrf2) =	vadd.scan.msk.f32 $0xffff, v23;
	(erf) = vpow2.f32 v19;
	v25 =	vmul.f32 v17, v1;
	v17 =	vsel vm7, $0x0, v17;
	v1 =	vmovc v15  }
0x111: {  	v15 =	vld [tilespmem:s16+$0x70];
	v20 =	vbroadcast v20, $0xF;
	[tilespmem:s14+$0x0] =	vst v18;
	v18 =	vmul.f32 v38, v6;
	v6, _, _ =	vpop (xrf2);
	v17 =	vadd.f32 v17, v29  }
0x112: {  	v12 =	vmul.f32 v36, v12;
	v22 =	vld [tilespmem:s16+$0xFFFFFF80];
	v6 =	vmul.f32 $1.442695020e+00, v6;
	[tilespmem:s17+$0xFFFFFFE0] =	vst v25  }
0x113: {  	v23 =	vmul.f32 v40, v3;
	v3 =	vld [tilespmem:s28+$0x50];
	v19 =	vpop (erf);
	(erf) = vpow2.f32 v20;
	[tilespmem:s17+$0xFFFFFFF0] =	vst v17;
	s17 =	smov.u32 s14  }
0x114: {  	v17 =	vld [tilespmem:s16+$0x50];
	v20 =	vbroadcast v6, $0xF;
	v25 =	vmul.f32 v19, v5;
	v6 =	vnsel vm0, $0x0, v19;
	[tilespmem:s14+$0x10] =	vst v14;
	v14, _, _ =	vpop (xrf2)  }
0x115: {  	v13 =	vmul.f32 v24, v13;
	v5 =	vld [tilespmem:s28+$0xFFFFFF80];
	v26 =	vmul.f32 $1.442695020e+00, v14;
	v19 =	vadd.f32 $0.0e+00, v6;
	[tilespmem:s14+$0x20] =	vst v16  }
0x116: {  	v6 =	vld [tilespmem:s28+$0x30];
	v29 =	vadd.f32 v15, v21;
	[tilespmem:s14+$0xFFFFFF70] =	vst v25;
	v15 =	vmul.f32 v30, v2;
	v2 =	vpop (erf);
	(erf) = vpow2.f32 v20  }
0x117: {  	v20 =	vld [tilespmem:s16+$0x30];
	v28 =	vbroadcast v26, $0xF;
	v24 =	vmul.f32 v2, v4;
	v27 =	vsel vm1, $0x0, v2;
	[tilespmem:s14+$0x30] =	vst v18;
	v14, _, _ =	vpop (xrf2)  }
0x118: {  	v2 =	vmovc v21;
	v4 =	vld [tilespmem:s28+$0xFFFFFF90];
	v18 =	vmin.f32 v29, $2.000000000e+01;
	v25 =	vmul.f32 $1.442695020e+00, v14;
	v26 =	vadd.f32 v27, v19;
	[tilespmem:s14+$0x40] =	vst v12  }
0x119: {  	v14 =	vld [tilespmem:s28+$0x10];
	v33 =	vadd.f32 v17, v3;
	v12 =	vmul.f32 $1.442695020e+00, v18;
	[tilespmem:s14+$0xFFFFFF80] =	vst v24;
	v19 =	vpop (erf);
	(erf) = vpow2.f32 v28  }
0x11a: {  	v17 =	vadd.f32 v22, v5;
	v21 =	vld [tilespmem:s16+$0x10];
	v22 =	vbroadcast v25, $0xF;
	v18 =	vsel vm2, $0x0, v19;
	[tilespmem:s14+$0x50] =	vst v23;
	v16, _, _ =	vpop (xrf2)  }
0x11b: {  	v23 =	vld [tilespmem:s16+$0xFFFFFF90];
	v24 =	vmin.f32 v33, $2.000000000e+01;
	(erf) = vpow2.f32 v12;
	v12 =	vmul.f32 $1.442695020e+00, v16;
	[tilespmem:s14+$0x60] =	vst v13  }
0x11c: {  	v13 =	vmin.f32 v17, $2.000000000e+01;
	v16 =	vld [tilespmem:s28+$0x0];
	v34 =	vadd.f32 v20, v6;
	v24 =	vmul.f32 $1.442695020e+00, v24;
	[tilespmem:s14+$0x70] =	vst v15;
	v20 =	vpop (erf)  }
0x11d: {  	s26 =	sadd.s32 $0x2, s26;
	v25 =	vadd.f32 v18, v26;
	v32 =	vmul.f32 v17, v0;
	v13 =	vmul.f32 $1.442695020e+00, v13;
	v15 =	vld [tilespmem:s16+$0x0]  }
0x11e: {  	p1 =	slt.u32 s26, $0x26;
	v18 =	vld [tilespmem:s28+$0xFFFFFFA0];
	v26 =	vmin.f32 v34, $2.000000000e+01;
	(erf) = vpow2.f32 v24;
	v24 =	vbroadcast v12, $0xF  }
0x11f: {  	v17 =	vld [tilespmem:s28+$0x20];
	v41 =	vadd.f32 v21, v14;
	v12 =	vmul.f32 $1.442695020e+00, v26;
	(erf) = vpow2.f32 v13;
	v21 =	vpop (erf)  }
0x120: {  	v30 =	vsel vm3, $0x0, v20;
	v13 =	vadd.f32 v23, v4;
	v26 =	vld [tilespmem:s16+$0x20];
	(erf) = vpow2.f32 v22  }
0x121: {  	v25 =	vadd.f32 v30, v25;
	v27 =	vld [tilespmem:s16+$0xFFFFFFA0];
	v22 =	vmin.f32 v41, $2.000000000e+01;
	(erf) = vpow2.f32 v12  }
0x122: {  	v28 =	vmin.f32 v13, $2.000000000e+01;
	v12 =	vld [tilespmem:s28+$0x40];
	v42 =	vadd.f32 v15, v16;
	v35 =	vmul.f32 $1.442695020e+00, v22;
	v23 =	vpop (erf)  }
0x123: {  	v36 =	vmul.f32 v13, v0;
	v13 =	vsel vm4, $0x0, v21;
	v28 =	vmul.f32 $1.442695020e+00, v28;
	v30 =	vld [tilespmem:s16+$0x40]  }
0x124: {  	v38 =	vadd.f32 v13, v25;
	v22 =	vld [tilespmem:s28+$0xFFFFFFB0];
	v31 =	vmin.f32 v42, $2.000000000e+01;
	(erf) = vpow2.f32 v35;
	v15 =	vpop (erf)  }
0x125: {  	v37 =	vld [tilespmem:s16+$0xFFFFFFB0];
	v43 =	vadd.f32 v26, v17;
	v26 =	vmul.f32 $1.442695020e+00, v31;
	v31 =	vadd.f32 $2.000000000e+00, v15  }
0x126: {  	v39 =	vsel vm5, $0x0, v23;
	v25 =	vld [tilespmem:s28+$0xFFFFFFC0];
	v35 =	vadd.f32 v27, v18;
	(erf) = vpow2.f32 v28  }
0x127: {  	v13 =	vld [tilespmem:s28+$0x60];
	v27 =	vmin.f32 v43, $2.000000000e+01;
	v46 =	vmul.f32 v31, v15;
	(erf) = vpow2.f32 v26;
	v15 =	vpop (erf)  }
0x128: {  	v31 =	vld [tilespmem:s16+$0x60];
	v40 =	vadd.f32 v30, v12;
	v27 =	vmul.f32 $1.442695020e+00, v27;
	v30 =	vadd.f32 $2.000000000e+00, v15;
	v45 =	vpop (erf)  }
0x129: {  	v44 =	vmin.f32 v35, $2.000000000e+01;
	v47 =	vld [tilespmem:s16+$0xFFFFFFC0];
	v48 =	vadd.f32 $2.000000000e+00, v45;
	v49 =	vadd.f32 $2.000000000e+00, v46;
	v28 =	vpop (erf)  }
0x12a: {  	v26 =	vld [tilespmem:s28+$0xFFFFFFD0];
	v50 =	vmin.f32 v40, $2.000000000e+01;
	v51 =	vmul.f32 v30, v15;
	(erf) = vpow2.f32 v27;
	v15 =	vpop (erf)  }
0x12b: {  	v52 =	vld [tilespmem:s16+$0xFFFFFFD0];
	v30 =	vmul.f32 $1.442695020e+00, v50;
	v50 =	vadd.f32 $2.000000000e+00, v15;
	(erf) = vrcp.f32 v49  }
0x12c: {  	v37 =	vadd.f32 v37, v22;
	v49 =	vmul.f32 $1.442695020e+00, v44;
	v27 =	vld [tilespmem:s28+$0xFFFFFFE0];
	v53 =	vadd.f32 $2.000000000e+00, v51  }
0x12d: {  	v54 =	vld [tilespmem:s16+$0xFFFFFFE0];
	v44 =	vadd.f32 v31, v13;
	v50 =	vmul.f32 v50, v15;
	v55 =	vpop (erf);
	(erf) = vpow2.f32 v30  }
0x12e: {  	v56 =	vmin.f32 v37, $2.000000000e+01;
	v15 =	vld [tilespmem:s28+$0xFFFFFFF0];
	v57 =	vadd.f32 $2.000000000e+00, v55;
	(erf) = vrcp.f32 v53  }
0x12f: {  	v30 =	vadd.f32 v47, v25;
	v53 =	vld [tilespmem:s16+$0xFFFFFFF0];
	v47 =	vmin.f32 v44, $2.000000000e+01;
	v58 =	vadd.f32 $2.000000000e+00, v50;
	v59 =	vpop (erf)  }
0x130: {  	v31 =	vadd.f32 v52, v26;
	v47 =	vmul.f32 $1.442695020e+00, v47;
	v52 =	vmul.f32 v57, v55;
	v55 =	vpop (erf)  }
0x131: {  	v29 =	vmul.f32 v29, v0;
	v57 =	vadd.f32 $2.000000000e+00, v55;
	(erf) = vrcp.f32 v58  }
0x132: {  	v56 =	vmul.f32 $1.442695020e+00, v56;
	v60 =	vadd.f32 $2.000000000e+00, v52;
	(erf) = vpow2.f32 v47  }
0x133: {  	v29 =	vmul.f32 v46, v29;
	v47 =	vmin.f32 v30, $2.000000000e+01;
	v55 =	vmul.f32 v57, v55;
	v46 =	vpop (erf)  }
0x134: {  	v33 =	vmul.f32 v33, v0;
	v57 =	vadd.f32 $2.000000000e+00, v46;
	(erf) = vrcp.f32 v60;
	v58 =	vpop (erf)  }
0x135: {  	v60 =	vadd.f32 $2.000000000e+00, v55;
	v29 =	vmul.f32 v58, v29;
	(erf) = vpow2.f32 v49  }
0x136: {  	v33 =	vmul.f32 v51, v33;
	v49 =	vmin.f32 v31, $2.000000000e+01;
	v46 =	vmul.f32 v57, v46;
	v51 =	vpop (erf)  }
0x137: {  	v34 =	vmul.f32 v34, v0;
	v57 =	vadd.f32 $2.000000000e+00, v51;
	(erf) = vrcp.f32 v60;
	v58 =	vpop (erf);
	(xrf2) =	vadd.scan.msk.f32 $0xffff, v29  }
0x138: {  	v29 =	vmul.f32 $1.442695020e+00, v47;
	v60 =	vadd.f32 $2.000000000e+00, v46;
	v58 =	vmul.f32 v58, v33  }
0x139: {  	v50 =	vmul.f32 v50, v34;
	v33 =	vadd.f32 v54, v27;
	v51 =	vmul.f32 v57, v51  }
0x13a: {  	v41 =	vmul.f32 v41, v0;
	v34 =	vadd.f32 v53, v15;
	(erf) = vrcp.f32 v60;
	v47 =	vpop (erf);
	(xrf2) =	vadd.scan.msk.f32 $0xffff, v58  }
0x13b: {  	v49 =	vmul.f32 $1.442695020e+00, v49;
	v47 =	vmul.f32 v47, v50;
	v50 =	vadd.f32 $2.000000000e+00, v51;
	v53 =	vpop (erf)  }
0x13c: {  	v41 =	vmul.f32 v52, v41;
	v54 =	vadd.f32 $2.000000000e+00, v53;
	(erf) = vpow2.f32 v56  }
0x13d: {  	v42 =	vmul.f32 v42, v0;
	v52 =	vmin.f32 v33, $2.000000000e+01;
	v56 =	vpop (erf);
	(erf) = vrcp.f32 v50;
	(xrf2) =	vadd.scan.msk.f32 $0xffff, v47  }
0x13e: {  	v47 =	vmin.f32 v34, $2.000000000e+01;
	v50 =	vmul.f32 v54, v53;
	v41 =	vmul.f32 v56, v41;
	v53 =	vpop (erf)  }
0x13f: {  	v42 =	vmul.f32 v55, v42;
	v54 =	vadd.f32 $2.000000000e+00, v59;
	(erf) = vpow2.f32 v29  }
0x140: {  	v29 =	vmul.f32 v43, v0;
	v43 =	vadd.f32 $2.000000000e+00, v50;
	(erf) = vpow2.f32 v49;
	v49 =	vpop (erf);
	(xrf2) =	vadd.scan.msk.f32 $0xffff, v41  }
0x141: {  	v55 =	vmul.f32 $1.442695020e+00, v52;
	v52 =	vadd.f32 $2.000000000e+00, v53;
	v42 =	vmul.f32 v49, v42;
	v49, _, _ =	vpop (xrf2)  }
0x142: {  	v38 =	vadd.f32 v39, v38;
	v29 =	vmul.f32 v46, v29;
	(erf) = vrcp.f32 v43  }
0x143: {  	v39 =	vmul.f32 v48, v45;
	(erf) = vpow2.f32 v55;
	v41 =	vpop (erf);
	(xrf2) =	vadd.scan.msk.f32 $0xffff, v42;
	v42 =	vsel vm6, $0x0, v28  }
0x144: {  	v40 =	vmul.f32 v40, v0;
	v55 =	vmul.f32 v41, v29;
	v43, _, _ =	vpop (xrf2);
	v29 =	vadd.f32 v42, v38  }
0x145: {  	v45 =	vadd.f32 $2.000000000e+00, v39;
	v38 =	vmul.f32 $1.442695020e+00, v47;
	v42 =	vmul.f32 v54, v59;
	v46 =	vpop (erf)  }
0x146: {  	v40 =	vmul.f32 v51, v40;
	v47 =	vmul.f32 v52, v53;
	v48 =	vadd.f32 $2.000000000e+00, v46;
	v51 =	vpop (erf);
	(xrf2) =	vadd.scan.msk.f32 $0xffff, v55  }
0x147: {  	v32 =	vmul.f32 v39, v32;
	v36 =	vmul.f32 v42, v36;
	v39 =	vadd.f32 $2.000000000e+00, v42;
	v41, _, _ =	vpop (xrf2)  }
0x148: {  	v44 =	vmul.f32 v44, v0;
	v42 =	vadd.f32 $2.000000000e+00, v47;
	v40 =	vmul.f32 v51, v40;
	v51 =	vpop (erf)  }
0x149: {  	v46 =	vmul.f32 v48, v46;
	v48 =	vadd.f32 $2.000000000e+00, v51;
	v52 =	vpop (erf);
	(erf) = vpow2.f32 v38  }
0x14a: {  	v44 =	vmul.f32 v50, v44;
	v38 =	vadd.f32 $2.000000000e+00, v52;
	(erf) = vrcp.f32 v45;
	v45, _, _ =	vpop (xrf2);
	(xrf2) =	vadd.scan.msk.f32 $0xffff, v40  }
0x14b: {  	v35 =	vmul.f32 v35, v0;
	v40 =	vmul.f32 v48, v51;
	v48 =	vadd.f32 $2.000000000e+00, v46;
	v50 =	vpop (erf)  }
0x14c: {  	v44 =	vmul.f32 v50, v44;
	v50 =	vpop (erf);
	(erf) = vrcp.f32 v39  }
0x14d: {  	v39 =	vmul.f32 v38, v52;
	v38 =	vadd.f32 $2.000000000e+00, v40;
	(erf) = vrcp.f32 v42;
	v42, _, _ =	vpop (xrf2)  }
0x14e: {  	v51 =	vadd.f32 $2.000000000e+00, v50;
	v42 =	vmul.f32 $1.442695020e+00, v42;
	(erf) = vrcp.f32 v48;
	(xrf2) =	vadd.scan.msk.f32 $0xffff, v44  }
0x14f: {  	v37 =	vmul.f32 v37, v0;
	v35 =	vmul.f32 v47, v35;
	v44 =	vadd.f32 $2.000000000e+00, v39  }
0x150: {  	v48 =	vmul.f32 $1.442695020e+00, v45;
	v42 =	vbroadcast v42, $0xF;
	v47, _, _ =	vpop (xrf2)  }
0x151: {  	v47 =	vmul.f32 $1.442695020e+00, v47;
	(erf) = vrcp.f32 v38  }
0x152: {  	v38 =	vbroadcast v48, $0xF;
	v45 =	vpop (erf);
	(erf) = vpow2.f32 v42  }
0x153: {  	v41 =	vmul.f32 $1.442695020e+00, v41;
	v42 =	vmul.f32 v51, v50;
	v48 =	vadd.f32 $2.000000000e+00, v45;
	v50 =	vpop (erf)  }
0x154: {  	v53 =	vbroadcast v47, $0xF;
	v51, _, _ =	vpop (xrf2);
	(erf) = vpow2.f32 v38  }
0x155: {  	v54 =	vmul.f32 v50, v32;
	v38 =	vadd.f32 $2.000000000e+00, v42;
	v50 =	vmul.f32 $1.442695020e+00, v51;
	v51 =	vpop (erf)  }
0x156: {  	v41 =	vbroadcast v41, $0xF;
	v52 =	vpop (erf);
	(erf) = vpow2.f32 v53  }
0x157: {  	v43 =	vmul.f32 $1.442695020e+00, v43;
	v47 =	vpop (erf);
	(erf) = vrcp.f32 v44  }
0x158: {  	v44 =	vbroadcast v50, $0xF;
	(xrf2) =	vadd.scan.msk.f32 $0xffff, v54;
	v32, _, _ =	vpop (xrf2);
	(erf) = vpow2.f32 v41  }
0x159: {  	v41 =	vmul.f32 v48, v45;
	v32 =	vmul.f32 $1.442695020e+00, v32  }
0x15a: {  	v43 =	vbroadcast v43, $0xF;
	v45 =	vpop (erf);
	(erf) = vpow2.f32 v44  }
0x15b: {  	v36 =	vmul.f32 v51, v36;
	v48 =	vmul.f32 $1.442695020e+00, v49;
	v44 =	vadd.f32 $2.000000000e+00, v41;
	v49 =	vpop (erf)  }
0x15c: {  	v32 =	vbroadcast v32, $0xF;
	v51 =	vnsel vm0, $0x0, v49;
	(erf) = vpow2.f32 v43  }
0x15d: {  	v35 =	vmul.f32 v52, v35;
	v43 =	vadd.f32 $0.0e+00, v51;
	(erf) = vrcp.f32 v38;
	v50 =	vpop (erf)  }
0x15e: {  	v51 =	vbroadcast v48, $0xF;
	v48 =	vsel vm1, $0x0, v50;
	(xrf2) =	vadd.scan.msk.f32 $0xffff, v36;
	(erf) = vpow2.f32 v32  }
0x15f: {  	v30 =	vmul.f32 v30, v0;
	v32 =	vmul.f32 v46, v37;
	v36 =	vadd.f32 v48, v43;
	v37 =	vpop (erf)  }
0x160: {  	v31 =	vmul.f32 v31, v0;
	v43 =	vsel vm2, $0x0, v37;
	v46 =	vpop (erf);
	(erf) = vpow2.f32 v51  }
0x161: {  	v32 =	vmul.f32 v47, v32;
	v43 =	vadd.f32 v43, v36;
	(erf) = vrcp.f32 v44;
	(xrf2) =	vadd.scan.msk.f32 $0xffff, v35;
	v38 =	vpop (erf)  }
0x162: {  	v30 =	vmul.f32 v40, v30;
	v31 =	vmul.f32 v39, v31;
	v35 =	vsel vm3, $0x0, v38;
	v39, _, _ =	vpop (xrf2)  }
0x163: {  	v33 =	vmul.f32 v33, v0;
	v34 =	vmul.f32 v34, v0;
	v35 =	vadd.f32 v35, v43;
	v36 =	vpop (erf)  }
0x164: {  	v30 =	vmul.f32 v45, v30;
	v31 =	vmul.f32 v46, v31;
	v43 =	vsel vm4, $0x0, v36;
	(xrf2) =	vadd.scan.msk.f32 $0xffff, v32  }
0x165: {  	v32 =	vmul.f32 v42, v33;
	v33 =	vmul.f32 v41, v34;
	v34 =	vadd.f32 v43, v35;
	v40 =	vpop (erf)  }
0x166: {  	v42 =	vmul.f32 $1.442695020e+00, v39;
	v39 =	vsel vm5, $0x0, v40;
	v41 =	vpop (erf);
	(erf) = vpow2.f32 v24  }
0x167: {  	v7 =	vmul.f32 v19, v7;
	v32 =	vmul.f32 v41, v32;
	v34 =	vadd.f32 v39, v34;
	(xrf2) =	vadd.scan.msk.f32 $0xffff, v30;
	v24 =	vpop (erf)  }
0x168: {  	v8 =	vmul.f32 v20, v8;
	v19 =	vbroadcast v42, $0xF;
	v39 =	vsel vm6, $0x0, v24;
	v35, _, _ =	vpop (xrf2)  }
0x169: {  	v20 =	vmul.f32 $1.442695020e+00, v35;
	v34 =	vadd.f32 v39, v34;
	v30 =	vpop (erf);
	[tilespmem:s14+$0xFFFFFF90] =	vst v7;
	v39 =	vmul.f32 v21, v9  }
0x16a: {  	v35 =	vsel vm7, $0x0, v30;
	v21 =	vpop (erf);
	(xrf2) =	vadd.scan.msk.f32 $0xffff, v31;
	(erf) = vpow2.f32 v19;
	v31 =	vmul.f32 v23, v10  }
.Ltmp0:
0x16b: {  	v23 =	vmul.f32 v21, v33;
	v33 =	vbroadcast v20, $0xF;
	v19 =	vadd.f32 v35, v34;
	v9, _, _ =	vpop (xrf2);
	[tilespmem:s14+$0xFFFFFFA0] =	vst v8;
	(pc) =	sbr.rel @p1 .LBB2_3-.Ltmp0, $4  }
0x16c: {  	v7 =	vmovc v18;
	v21 =	vmul.f32 v28, v11;
	s14 =	sadd.s32 $0x120, s14;
	v8 =	vmovc v22;
	v20 =	vmul.f32 $1.442695020e+00, v9;
	[tilespmem:s17+$0xFFFFFFB0] =	vst v39;
	v9 =	vmov v25  }
0x16d: {  	v18 =	vmul.f32 v49, v16;
	v10 =	vmovc v26;
	[tilespmem:s14+$0x80] =	vst v19;
	(xrf2) =	vadd.scan.msk.f32 $0xffff, v32;
	(erf) = vpow2.f32 v33  }
0x16e: {  	v14 =	vmul.f32 v50, v14;
	v11 =	vmov v27;
	v19 =	vbroadcast v20, $0xF;
	v16, _, _ =	vpop (xrf2);
	[tilespmem:s17+$0xFFFFFFC0] =	vst v31  }
0x16f: {  	s28 =	sadd.s32 $0x100, s28;
	v20 =	vmul.f32 $1.442695020e+00, v16;
	v16 =	vmul.f32 v37, v17;
	[tilespmem:s17+$0xFFFFFFD0] =	vst v21;
	v17 =	vpop (erf)  }
0x170: {  	_ =	sdelay $0x2  }
0x171: {  	(xrf2) =	vadd.scan.msk.f32 $0xffff, v23;
	(erf) = vpow2.f32 v19;
	v19, _, _ =	vpop (xrf2)  }
0x172: {  	v21, _, _ =	vpop (xrf2)  }
0x173: {  	v21 =	vmul.f32 $1.442695020e+00, v21  }
0x174: {  	v19 =	vmul.f32 $1.442695020e+00, v19  }
0x175: {  	v1 =	vmul.f32 v17, v1;
	v17 =	vsel vm7, $0x0, v17;
	v20 =	vbroadcast v20, $0xF  }
0x176: {  	v17 =	vadd.f32 v17, v29;
	v19 =	vbroadcast v19, $0xF  }
0x177: {  	(erf) = vpow2.f32 v20;
	v20 =	vbroadcast v21, $0xF;
	v21, _, _ =	vpop (xrf2)  }
0x178: {  	[tilespmem:s14+$0x0] =	vst v18;
	(erf) = vpow2.f32 v19;
	v19 =	vmul.f32 $1.442695020e+00, v21  }
0x179: {  	[tilespmem:s14+$0x10] =	vst v14;
	v22 =	vpop (erf)  }
0x17a: {  	v6 =	vmul.f32 v38, v6;
	[tilespmem:s17+$0xFFFFFFF0] =	vst v17;
	v17 =	vpop (erf);
	v19 =	vbroadcast v19, $0xF  }
0x17b: {  	[tilespmem:s17+$0xFFFFFFE0] =	vst v1;
	v1 =	vnsel vm0, $0x0, v22;
	v14 =	vsel vm1, $0x0, v17;
	(erf) = vpow2.f32 v20;
	v18, _, _ =	vpop (xrf2)  }
0x17c: {  	v1 =	vadd.f32 $0.0e+00, v1;
	v18 =	vmul.f32 $1.442695020e+00, v18;
	(erf) = vpow2.f32 v19  }
0x17d: {  	v5 =	vmul.f32 v22, v5  }
0x17e: {  	v4 =	vmul.f32 v17, v4;
	v1 =	vadd.f32 v14, v1;
	v14 =	vpop (erf);
	v18 =	vbroadcast v18, $0xF  }
0x17f: {  	[tilespmem:s14+$0xFFFFFF70] =	vst v5;
	v5 =	vsel vm2, $0x0, v14  }
0x180: {  	[tilespmem:s14+$0x30] =	vst v6;
	v6 =	vpop (erf);
	v1 =	vadd.f32 v5, v1;
	(erf) = vpow2.f32 v18  }
0x181: {  	v3 =	vmul.f32 v40, v3;
	[tilespmem:s14+$0x20] =	vst v16;
	v5 =	vsel vm3, $0x0, v6  }
0x182: {  	v12 =	vmul.f32 v36, v12;
	[tilespmem:s14+$0xFFFFFF80] =	vst v4;
	v1 =	vadd.f32 v5, v1;
	v4 =	vpop (erf)  }
0x183: {  	v2 =	vmul.f32 v30, v2;
	[tilespmem:s14+$0x50] =	vst v3;
	v3 =	vsel vm4, $0x0, v4  }
0x184: {  	[tilespmem:s14+$0x40] =	vst v12;
	v1 =	vadd.f32 v3, v1;
	v3 =	vmul.f32 v14, v7;
	v5 =	vpop (erf)  }
0x185: {  	v12 =	vmul.f32 v24, v13;
	[tilespmem:s14+$0x70] =	vst v2;
	v7 =	vpop (erf)  }
0x186: {  	v6 =	vmul.f32 v6, v8;
	v2 =	vsel vm5, $0x0, v5;
	[tilespmem:s14+$0xFFFFFF90] =	vst v3;
	v3 =	vsel vm6, $0x0, v7  }
0x187: {  	[tilespmem:s14+$0x60] =	vst v12;
	v1 =	vadd.f32 v2, v1;
	v2 =	vmul.f32 v4, v9  }
0x188: {  	[tilespmem:s14+$0xFFFFFFA0] =	vst v6;
	v4 =	vmul.f32 v5, v10  }
0x189: {  	[tilespmem:s14+$0xFFFFFFB0] =	vst v2;
	v2 =	vmul.f32 v7, v11;
	v1 =	vadd.f32 v3, v1;
	v3 =	vpop (erf)  }
0x18a: {  	[tilespmem:s14+$0xFFFFFFC0] =	vst v4;
	v4 =	vmul.f32 v3, v15;
	v3 =	vsel vm7, $0x0, v3  }
0x18b: {  	[tilespmem:s14+$0xFFFFFFD0] =	vst v2;
	v1 =	vadd.f32 v3, v1  }
0x18c: {  	[tilespmem:s14+$0xFFFFFFE0] =	vst v4  }
0x18d: {  	[tilespmem:s14+$0xFFFFFFF0] =	vst v1  }
0x18e: {  	[spmem:s4] =	stream.indirect.scatter.add.f32 [tilespmem:s2], [sflag:$0x7], $0x90, s0, s20, $0xb8;
	[tilespmem:$0x1DD90] =	vst v63  }
0x18f: {  	_ =	swait.ge [sflag:s3], $0x50  }
0x190: {  	[sflag:s3] =	ssyncset.done $0x0  }
0x191: {  	[sflag:s3] =	ssyncadd.s32 $0xFFFFFFB0  }
0x192: {  	[tilespmem:s21], [sflag:$0x3] =	stream.indirect.gather [hbm4b:s1+s20], $0x80, s19, s20, $0xb8;
	[tilespmem:$0x1DD90] =	vst v63  }
0x193: {  	_ = 	snop  }
0x194: {  	[tilespmem:s23], [sflag:$0x4] =	stream.indirect.gather [hbm4b:s6+s20], $0x80, s22, s20, $0xb8;
	[tilespmem:$0x1DD90] =	vst v63  }
0x195: {  	_ =	swait.ge [sflag:s18], $0x1400  }
0x196: {  	[sflag:s18] =	ssyncset.done $0x0  }
0x197: {  	[sflag:s18] =	ssyncadd.s32 $0xFFFFEC00  }
0x198: {  	_ =	swait.ge [sflag:s8], $0x1400  }
0x199: {  	[sflag:s8] =	ssyncset.done $0x0  }
0x19a: {  	s14 =	simm.s32 @!p0 $0x8;
	[sflag:s8] =	ssyncadd.s32 $0xFFFFEC00  }
0x19b: {  	_ =	swait.ge @!p0 [sflag:s14], $0x1680  }
0x19c: {  	[sflag:s14] =	ssyncset.done @!p0 $0x0  }
0x19d: {  	[sflag:s14] =	ssyncadd.s32 @!p0 $0xFFFFE980  }
0x19e: {  	v1 =	vld [tilespmem:$0x19EB0]  }
0x19f: {  	v2 =	vld [tilespmem:$0x19EC0]  }
0x1a0: {  	v3 =	vld [tilespmem:$0x19EC8]  }
0x1a1: {  	s9 =	smin.u32 s9, $0xF6  }
0x1a2: {  	s9 =	sadd.s32 s9, s13  }
0x1a3: {  	s9 =	smul.u32 $0xA, s9;
	[tilespmem:$0x19ED8] =	vst v1  }
0x1a4: {  	[tilespmem:$0x19EE8] =	vst v2  }
0x1a5: {  	s17 =	simm.s32 $0x19F80;
	s9 =	sadd.s32 s7, s9;
	[tilespmem:$0x19EF0] =	vst v3  }
0x1a6: {  	[tilespmem:s24], [sflag:$0x2] =	stream.linear.gather [hbm4b:s9+s5], $0x50, $0x38;
	[tilespmem:$0x1DD90] =	vst v63  }
0x1a7: {  	s26 =	simm.s32 $0x1B380;
	v9 =	vld [tilespmem:s17+$0x70]  }
0x1a8: {  	v1 =	vld [tilespmem:s26+$0x70]  }
0x1a9: {  	v2 =	vld [tilespmem:s26+$0xFFFFFF80]  }
0x1aa: {  	v7 =	vld [tilespmem:s17+$0x50]  }
0x1ab: {  	v3 =	vld [tilespmem:s26+$0x50]  }
0x1ac: {  	v11 =	vld [tilespmem:s17+$0x30]  }
0x1ad: {  	v5 =	vld [tilespmem:s26+$0x30];
	v1 =	vadd.f32 v1, v9  }
0x1ae: {  	v10 =	vld [tilespmem:s17+$0xFFFFFF80]  }
0x1af: {  	v4 =	vld [tilespmem:s17+$0x10];
	v6 =	vmin.f32 v1, $2.000000000e+01  }
0x1b0: {  	v19 =	vadd.f32 v3, v7;
	v3 =	vmul.f32 $1.442695020e+00, v6;
	v6 =	vld [tilespmem:s26+$0x10];
	_ =	sdelay $0x1  }
0x1b1: {  	v21 =	vadd.f32 v5, v11  }
0x1b2: {  	v8 =	vld [tilespmem:s17+$0xFFFFFF90]  }
0x1b3: {  	v12 =	vld [tilespmem:s26+$0xFFFFFF90];
	v2 =	vadd.f32 v2, v10;
	v13 =	vmin.f32 v19, $2.000000000e+01;
	v14 =	vmin.f32 v21, $2.000000000e+01  }
0x1b4: {  	(erf) = vpow2.f32 v3;
	v23 =	vadd.f32 v6, v4;
	v6 =	vmul.f32 $1.442695020e+00, v14;
	v14 =	vld [tilespmem:s17+$0xFFFFFFA0]  }
0x1b5: {  	v5 =	vmul.f32 $1.442695020e+00, v13;
	v13 =	vmin.f32 v2, $2.000000000e+01  }
0x1b6: {  	v15 =	vld [tilespmem:s26+$0x0];
	v13 =	vmul.f32 $1.442695020e+00, v13  }
0x1b7: {  	v3 =	vld [tilespmem:s17+$0x0];
	(erf) = vpow2.f32 v5  }
0x1b8: {  	v17 =	vadd.f32 v12, v8;
	v5 =	vld [tilespmem:s17+$0x20];
	(erf) = vpow2.f32 v13;
	v16 =	vmin.f32 v23, $2.000000000e+01  }
0x1b9: {  	v13 =	vld [tilespmem:s26+$0x20];
	(erf) = vpow2.f32 v6;
	v6 =	vmul.f32 $1.442695020e+00, v16;
	[tilespmem:$0x1FFC0] =	vst v14  }
0x1ba: {  	v30 =	vmul.f32 v17, v0;
	v1 =	vmul.f32 v1, v0;
	v16 =	vld [tilespmem:s17+$0xFFFFFFB0]  }
0x1bb: {  	v19 =	vmul.f32 v19, v0;
	v21 =	vmul.f32 v21, v0  }
0x1bc: {  	v24 =	vadd.f32 v15, v3;
	v15 =	vmin.f32 v17, $2.000000000e+01;
	v23 =	vmul.f32 v23, v0;
	v12 =	vld [tilespmem:s17+$0x40]  }
0x1bd: {  	v15 =	vmul.f32 $1.442695020e+00, v15;
	(erf) = vpow2.f32 v6;
	v18 =	vld [tilespmem:s26+$0x40];
	v6 =	vpop (erf)  }
0x1be: {  	v22 =	vmin.f32 v24, $2.000000000e+01;
	v24 =	vmul.f32 v24, v0;
	v20 =	vld [tilespmem:s26+$0xFFFFFFA0];
	v27 =	vadd.f32 $2.000000000e+00, v6  }
0x1bf: {  	v25 =	vadd.f32 v13, v5;
	v26 =	vmul.f32 $1.442695020e+00, v22;
	v22 =	vmul.f32 v2, v0;
	[tilespmem:$0x1FFD0] =	vst v16  }
0x1c0: {  	(erf) = vpow2.f32 v15;
	v27 =	vmul.f32 v27, v6;
	v6 =	vpop (erf);
	v13 =	vld [tilespmem:s17+$0x60]  }
0x1c1: {  	v15 =	vmin.f32 v25, $2.000000000e+01;
	(erf) = vpow2.f32 v26;
	v29 =	vadd.f32 $2.000000000e+00, v6;
	v26 =	vld [tilespmem:s26+$0x60]  }
0x1c2: {  	v25 =	vmul.f32 v25, v0;
	v28 =	vadd.f32 v18, v12;
	v18 =	vmul.f32 $1.442695020e+00, v15;
	v31 =	vpop (erf);
	v2 =	vld [tilespmem:s26+$0xFFFFFFB0]  }
0x1c3: {  	v15 =	vadd.f32 v20, v14;
	v20 =	vadd.f32 $2.000000000e+00, v27;
	v29 =	vmul.f32 v29, v6;
	v6 =	vpop (erf)  }
0x1c4: {  	v32 =	vmin.f32 v28, $2.000000000e+01;
	(erf) = vpow2.f32 v18;
	v34 =	vadd.f32 $2.000000000e+00, v6  }
0x1c5: {  	v1 =	vmul.f32 v27, v1;
	v32 =	vmul.f32 $1.442695020e+00, v32  }
0x1c6: {  	(erf) = vrcp.f32 v20;
	v34 =	vmul.f32 v34, v6;
	v26 =	vadd.f32 v26, v13  }
0x1c7: {  	v17 =	vld [tilespmem:s17+$0xFFFFFFC0];
	(erf) = vpow2.f32 v32;
	v20 =	vadd.f32 v2, v16;
	v2 =	vadd.f32 $2.000000000e+00, v29  }
0x1c8: {  	v33 =	vld [tilespmem:s26+$0xFFFFFFC0];
	v28 =	vmul.f32 v28, v0;
	v6 =	vpop (erf);
	v39 =	vadd.f32 $2.000000000e+00, v34;
	v46 =	vmin.f32 v26, $2.000000000e+01  }
0x1c9: {  	v44 =	vld [tilespmem:s26+$0xFFFFFFD0];
	v45 =	vadd.f32 $2.000000000e+00, v6;
	(erf) = vrcp.f32 v2;
	v47 =	vmul.f32 $1.442695020e+00, v46  }
0x1ca: {  	v35 =	vmin.f32 v15, $2.000000000e+01;
	v18 =	vld [tilespmem:s17+$0xFFFFFFD0];
	v15 =	vmul.f32 v15, v0;
	v40 =	vpop (erf);
	(erf) = vrcp.f32 v39  }
0x1cb: {  	v48 =	vpop (erf);
	v36 =	vmul.f32 v45, v6;
	(erf) = vpow2.f32 v47  }
0x1cc: {  	v35 =	vmul.f32 $1.442695020e+00, v35;
	v29 =	vmul.f32 v29, v19;
	v41 =	vadd.f32 $2.000000000e+00, v48  }
0x1cd: {  	v21 =	vmul.f32 v34, v21;
	v37 =	vmin.f32 v20, $2.000000000e+01;
	v49 =	vadd.f32 $2.000000000e+00, v36;
	v27 =	vpop (erf)  }
0x1ce: {  	v2 =	vadd.f32 v33, v17;
	v32 =	vmul.f32 v41, v48;
	v50 =	vadd.f32 $2.000000000e+00, v27  }
0x1cf: {  	v6 =	vadd.f32 v44, v18;
	v26 =	vmul.f32 v26, v0;
	(erf) = vrcp.f32 v49;
	v51 =	vpop (erf)  }
0x1d0: {  	v52 =	vadd.f32 $2.000000000e+00, v32;
	v1 =	vmul.f32 v51, v1;
	v27 =	vmul.f32 v50, v27;
	v54 =	vpop (erf)  }
0x1d1: {  	v20 =	vmul.f32 v20, v0;
	(erf) = vpow2.f32 v35;
	v55 =	vadd.f32 $2.000000000e+00, v54  }
0x1d2: {  	v37 =	vmul.f32 $1.442695020e+00, v37;
	(erf) = vrcp.f32 v52;
	(xrf2) =	vadd.scan.msk.f32 $0xffff, v1;
	v42 =	vadd.f32 $2.000000000e+00, v27;
	v56 =	vpop (erf)  }
0x1d3: {  	v53 =	vmin.f32 v2, $2.000000000e+01;
	v33 =	vmul.f32 v55, v54;
	v29 =	vmul.f32 v56, v29;
	v59 =	vpop (erf)  }
0x1d4: {  	v58 =	vmin.f32 v6, $2.000000000e+01;
	v35 =	vmul.f32 $1.442695020e+00, v53;
	(erf) = vrcp.f32 v42;
	v62 =	vpop (erf)  }
0x1d5: {  	v57 =	vld [tilespmem:s26+$0xFFFFFFE0];
	v61 =	vadd.f32 $2.000000000e+00, v33;
	(erf) = vpow2.f32 v37;
	(xrf2) =	vadd.scan.msk.f32 $0xffff, v29;
	v43 =	vadd.f32 $2.000000000e+00, v62  }
0x1d6: {  	v63 =	vld [tilespmem:s26+$0xFFFFFFF0];
	v60 =	vmul.f32 v59, v21;
	v29 =	vmul.f32 $1.442695020e+00, v58  }
0x1d7: {  	v19 =	vld [tilespmem:s17+$0xFFFFFFE0];
	v46 =	vadd.f32 $2.000000000e+00, v31;
	(erf) = vrcp.f32 v61;
	v47 =	vmul.f32 v43, v62  }
0x1d8: {  	v23 =	vmul.f32 v36, v23;
	v1 =	vld [tilespmem:s17+$0xFFFFFFF0];
	v45 =	vpop (erf);
	(xrf2) =	vadd.scan.msk.f32 $0xffff, v60;
	(erf) = vpow2.f32 v35  }
0x1d9: {  	v2 =	vmul.f32 v2, v0;
	v31 =	vmul.f32 v46, v31;
	v50 =	vadd.f32 $2.000000000e+00, v47  }
0x1da: {  	v24 =	vmul.f32 v32, v24;
	v49 =	vpop (erf);
	(erf) = vpow2.f32 v29  }
0x1db: {  	v36 =	vmul.f32 v45, v23;
	v29 =	vpop (erf);
	(erf) = vrcp.f32 v50  }
0x1dc: {  	v6 =	vmul.f32 v6, v0;
	v21 =	vadd.f32 v57, v19;
	v24 =	vmul.f32 v29, v24;
	v53, _, _ =	vpop (xrf2)  }
0x1dd: {  	v22 =	vmul.f32 v31, v22;
	v25 =	vmul.f32 v27, v25;
	v23 =	vadd.f32 v63, v1;
	(xrf2) =	vadd.scan.msk.f32 $0xffff, v36;
	v52 =	vpop (erf)  }
0x1de: {  	v31 =	vadd.f32 $2.000000000e+00, v31;
	v28 =	vmul.f32 v33, v28;
	v48 =	vmin.f32 v21, $2.000000000e+01;
	(xrf2) =	vadd.scan.msk.f32 $0xffff, v24;
	v55 =	vpop (erf)  }
0x1df: {  	v51 =	vmul.f32 $1.442695020e+00, v48;
	v27 =	vmin.f32 v23, $2.000000000e+01;
	v25 =	vmul.f32 v52, v25;
	v54, _, _ =	vpop (xrf2)  }
0x1e0: {  	v29 =	vadd.f32 $2.000000000e+00, v40;
	v27 =	vmul.f32 $1.442695020e+00, v27;
	v26 =	vmul.f32 v47, v26;
	v56 =	vpop (erf)  }
0x1e1: {  	v24 =	vadd.f32 $2.000000000e+00, v49;
	(erf) = vpow2.f32 v51;
	(xrf2) =	vadd.scan.msk.f32 $0xffff, v25;
	v57 =	vpop (erf);
	v28 =	vmul.f32 v56, v28  }
0x1e2: {  	v47 =	vmul.f32 $1.442695020e+00, v53;
	v29 =	vmul.f32 v29, v40;
	v58, _, _ =	vpop (xrf2)  }
0x1e3: {  	v24 =	vmul.f32 v24, v49;
	v25 =	vadd.f32 $2.000000000e+00, v55;
	(erf) = vpow2.f32 v27;
	v60 =	vpop (erf);
	(xrf2) =	vadd.scan.msk.f32 $0xffff, v28  }
0x1e4: {  	v30 =	vmul.f32 v29, v30;
	v29 =	vadd.f32 $2.000000000e+00, v29;
	(erf) = vrcp.f32 v31;
	v31 =	vpop (erf)  }
0x1e5: {  	v25 =	vmul.f32 v25, v55;
	v59 =	vadd.f32 $2.000000000e+00, v57;
	v26 =	vmul.f32 v31, v26  }
0x1e6: {  	v61 =	vadd.f32 $2.000000000e+00, v24;
	v15 =	vmul.f32 v24, v15;
	v39 =	vmul.f32 $1.442695020e+00, v58  }
0x1e7: {  	(erf) = vrcp.f32 v29;
	v28 =	vmul.f32 v59, v57;
	v62, _, _ =	vpop (xrf2);
	v31 =	vadd.f32 $2.000000000e+00, v25;
	(xrf2) =	vadd.scan.msk.f32 $0xffff, v26  }
0x1e8: {  	v27 =	vadd.f32 $2.000000000e+00, v60;
	v33 =	vbroadcast v39, $0xF;
	v29, _, _ =	vpop (xrf2);
	v26 =	vmul.f32 $1.442695020e+00, v62  }
0x1e9: {  	(erf) = vrcp.f32 v61;
	v24 =	vadd.f32 $2.000000000e+00, v28;
	v29 =	vmul.f32 $1.442695020e+00, v29  }
0x1ea: {  	v27 =	vmul.f32 v27, v60;
	v63 =	vpop (erf);
	(erf) = vrcp.f32 v31  }
0x1eb: {  	v38 =	vadd.f32 $2.000000000e+00, v63;
	v29 =	vbroadcast v29, $0xF;
	(erf) = vrcp.f32 v24;
	v31, _, _ =	vpop (xrf2)  }
0x1ec: {  	v24 =	vbroadcast v26, $0xF;
	v31 =	vmul.f32 $1.442695020e+00, v31;
	v26 =	vpop (erf)  }
0x1ed: {  	(erf) = vpow2.f32 v29;
	v29 =	vmul.f32 v38, v63;
	v41, _, _ =	vpop (xrf2)  }
0x1ee: {  	(erf) = vpow2.f32 v24;
	v40 =	vpop (erf);
	v31 =	vbroadcast v31, $0xF  }
0x1ef: {  	v24 =	vadd.f32 $2.000000000e+00, v27;
	v42 =	vmul.f32 $1.442695020e+00, v41;
	v22 =	vmul.f32 v40, v22  }
0x1f0: {  	(erf) = vpow2.f32 v31;
	v31 =	vmul.f32 $1.442695020e+00, v54  }
0x1f1: {  	(erf) = vrcp.f32 v24;
	v24 =	vbroadcast v42, $0xF;
	v44, _, _ =	vpop (xrf2)  }
0x1f2: {  	(xrf2) =	vadd.scan.msk.f32 $0xffff, v22;
	(erf) = vpow2.f32 v33;
	v22 =	vmul.f32 $1.442695020e+00, v44  }
0x1f3: {  	v43 =	vadd.f32 $2.000000000e+00, v26;
	v45 =	vpop (erf);
	v31 =	vbroadcast v31, $0xF;
	(erf) = vpow2.f32 v24  }
0x1f4: {  	v24 =	vmul.f32 v45, v30;
	v30 =	vpop (erf);
	v22 =	vbroadcast v22, $0xF  }
0x1f5: {  	v20 =	vmul.f32 v25, v20;
	v46 =	vadd.f32 $2.000000000e+00, v29;
	v26 =	vmul.f32 v43, v26;
	v48 =	vpop (erf)  }
0x1f6: {  	(erf) = vpow2.f32 v31;
	v15 =	vmul.f32 v30, v15;
	v30 =	vpop (erf)  }
0x1f7: {  	v2 =	vmul.f32 v28, v2;
	(erf) = vrcp.f32 v46;
	v49 =	vpop (erf)  }
0x1f8: {  	v6 =	vmul.f32 v27, v6;
	(xrf2) =	vadd.scan.msk.f32 $0xffff, v24;
	v24 =	vadd.f32 $2.000000000e+00, v26;
	(erf) = vpow2.f32 v22;
	v22 =	vpop (erf)  }
0x1f9: {  	v31 =	vbroadcast v47, $0xF;
	v20 =	vmul.f32 v48, v20;
	(xrf2) =	vadd.scan.msk.f32 $0xffff, v15;
	v50 =	vpop (erf)  }
0x1fa: {  	v2 =	vmul.f32 v30, v2;
	v15 =	vpop (erf)  }
0x1fb: {  	(xrf2) =	vadd.scan.msk.f32 $0xffff, v20;
	(erf) = vpow2.f32 v31;
	v6 =	vmul.f32 v15, v6  }
0x1fc: {  	(xrf2) =	vadd.scan.msk.f32 $0xffff, v2;
	(erf) = vrcp.f32 v24;
	v24, _, _ =	vpop (xrf2);
	v15 =	vmul.f32 v21, v0  }
0x1fd: {  	v27 =	vpop (erf);
	(xrf2) =	vadd.scan.msk.f32 $0xffff, v6;
	v6 =	vmul.f32 $1.442695020e+00, v24  }
0x1fe: {  	v28 =	vpop (erf)  }
0x1ff: {  	v30 =	vpop (erf);
	v6 =	vbroadcast v6, $0xF  }
0x200: {  	v20 =	vmul.f32 v23, v0;
	v2 =	vmul.f32 v29, v15;
	v15 =	vpop (erf)  }
0x201: {  	v38 =	vpop (erf)  }
0x202: {  	s9 =	simm.s32 $0x1B480;
	v20 =	vmul.f32 v26, v20;
	v2 =	vmul.f32 v15, v2;
	v15, _, _ =	vpop (xrf2)  }
0x203: {  	s28 =	simm.s32 $0x1A080;
	v26 =	vld [tilespmem:s9+$0x70];
	v21 =	vnsel vm0, $0x0, v49;
	v23 =	vmul.f32 $1.442695020e+00, v15;
	(erf) = vpow2.f32 v6;
	v6, _, _ =	vpop (xrf2)  }
0x204: {  	v21 =	vadd.f32 $0.0e+00, v21;
	v24 =	vsel vm1, $0x0, v22;
	(xrf2) =	vadd.scan.msk.f32 $0xffff, v2;
	v2 =	vld [tilespmem:s28+$0x70];
	v6 =	vmul.f32 $1.442695020e+00, v6  }
0x205: {  	v23 =	vbroadcast v23, $0xF  }
0x206: {  	v25 =	vmul.f32 v49, v3;
	v3 =	vld [tilespmem:s28+$0x50];
	v21 =	vadd.f32 v24, v21;
	v32 =	vmul.f32 v30, v7;
	v15 =	vpop (erf)  }
0x207: {  	v29 =	vsel vm2, $0x0, v50;
	v24 =	vpop (erf);
	(erf) = vpow2.f32 v23;
	v23 =	vmul.f32 v22, v4;
	v22 =	vld [tilespmem:s9+$0x50]  }
0x208: {  	v51 =	vld [tilespmem:s9+$0xFFFFFF80];
	v31 =	vmul.f32 v24, v20;
	v20 =	vadd.f32 v29, v21;
	v21 =	vbroadcast v6, $0xF;
	v6, _, _ =	vpop (xrf2)  }
0x209: {  	v55 =	vld [tilespmem:s9+$0xFFFFFF90];
	v24 =	vsel vm3, $0x0, v27;
	v39 =	vadd.f32 v26, v2;
	v4 =	vmul.f32 $1.442695020e+00, v6  }
0x20a: {  	v29 =	vadd.f32 v24, v20;
	v24 =	vmul.f32 v50, v5;
	v5 =	vld [tilespmem:s28+$0xFFFFFF80];
	(erf) = vpow2.f32 v21;
	v6, _, _ =	vpop (xrf2)  }
0x20b: {  	v54 =	vld [tilespmem:s9+$0x30];
	v20 =	vmul.f32 $1.442695020e+00, v6;
	v6, _, _ =	vpop (xrf2);
	v26 =	vmin.f32 v39, $2.000000000e+01;
	v4 =	vbroadcast v4, $0xF  }
0x20c: {  	v42 =	vadd.f32 v22, v3;
	v52 =	vmul.f32 $1.442695020e+00, v6;
	v6 =	vld [tilespmem:s28+$0x30];
	v22 =	vmul.f32 $1.442695020e+00, v26  }
0x20d: {  	v58 =	vld [tilespmem:s9+$0x0];
	v53 =	vsel vm4, $0x0, v28;
	v20 =	vbroadcast v20, $0xF;
	(erf) = vpow2.f32 v4  }
0x20e: {  	v26 =	vmul.f32 v27, v11;
	v27 =	vld [tilespmem:s9+$0x10];
	v56 =	vmin.f32 v42, $2.000000000e+01;
	v21 =	vbroadcast v52, $0xF  }
0x20f: {  	v43 =	vadd.f32 v51, v5;
	(xrf2) =	vadd.scan.msk.f32 $0xffff, v31;
	v11, _, _ =	vpop (xrf2);
	v31 =	vmul.f32 $1.442695020e+00, v56;
	(erf) = vpow2.f32 v20;
	v20 =	vld [tilespmem:s28+$0x10]  }
0x210: {  	v59 =	vsel vm5, $0x0, v30;
	v4 =	vld [tilespmem:s28+$0xFFFFFF90];
	v11 =	vmul.f32 $1.442695020e+00, v11;
	(erf) = vpow2.f32 v21  }
0x211: {  	v44 =	vld [tilespmem:s9+$0x20];
	(erf) = vpow2.f32 v22;
	v22 =	vmin.f32 v43, $2.000000000e+01;
	v46 =	vadd.f32 v54, v6  }
0x212: {  	v57 =	vadd.f32 v53, v29;
	v29 =	vmul.f32 v28, v12;
	v21 =	vld [tilespmem:s28+$0x0];
	v12 =	vmul.f32 $1.442695020e+00, v22  }
0x213: {  	v47 =	vpop (erf);
	v11 =	vbroadcast v11, $0xF;
	(erf) = vpow2.f32 v31;
	v22 =	vld [tilespmem:s28+$0x20];
	v28 =	vmin.f32 v46, $2.000000000e+01  }
0x214: {  	v40 =	vpop (erf);
	v48 =	vadd.f32 v27, v20;
	v28 =	vmul.f32 $1.442695020e+00, v28;
	(erf) = vpow2.f32 v12  }
0x215: {  	v33 =	vmul.f32 v15, v9;
	v30 =	vpop (erf);
	v41 =	vadd.f32 v55, v4;
	(erf) = vpow2.f32 v11  }
0x216: {  	v36 =	vmul.f32 v47, v10;
	v11 =	vmin.f32 v48, $2.000000000e+01;
	v27 =	vpop (erf);
	(erf) = vpow2.f32 v28  }
0x217: {  	v12 =	vld [tilespmem:s28+$0x40];
	v49 =	vadd.f32 v58, v21;
	v9 =	vmin.f32 v41, $2.000000000e+01;
	v10 =	vmul.f32 $1.442695020e+00, v11  }
0x218: {  	v9 =	vmul.f32 $1.442695020e+00, v9;
	v11 =	vld [tilespmem:s9+$0x40];
	v50 =	vadd.f32 v44, v22  }
0x219: {  	v34 =	vmul.f32 v38, v13;
	v13 =	vmin.f32 v49, $2.000000000e+01;
	v28 =	vpop (erf);
	(erf) = vpow2.f32 v10  }
0x21a: {  	v45 =	vld [tilespmem:s9+$0xFFFFFFA0];
	v60 =	vmul.f32 $1.442695020e+00, v13;
	v31 =	vpop (erf);
	(erf) = vpow2.f32 v9;
	v9 =	vmin.f32 v50, $2.000000000e+01  }
0x21b: {  	v7 =	vld [tilespmem:s28+$0xFFFFFFA0];
	v10 =	vpop (erf);
	v9 =	vmul.f32 $1.442695020e+00, v9  }
0x21c: {  	v53 =	vld [tilespmem:s9+$0x60];
	(erf) = vpow2.f32 v60;
	v51 =	vadd.f32 $2.000000000e+00, v10;
	v62 =	vpop (erf)  }
0x21d: {  	v39 =	vmul.f32 v39, v0;
	v13 =	vld [tilespmem:s28+$0x60];
	v54 =	vadd.f32 v11, v12;
	v55 =	vpop (erf)  }
0x21e: {  	v52 =	vadd.f32 v59, v57;
	v57 =	vld [tilespmem:s9+$0xFFFFFFB0];
	v37 =	vmul.f32 v40, v8;
	v10 =	vmul.f32 v51, v10;
	v35 =	vpop (erf)  }
0x21f: {  	v8 =	vld [tilespmem:s28+$0xFFFFFFB0];
	v11 =	vadd.f32 $2.000000000e+00, v62;
	(erf) = vpow2.f32 v9;
	v58 =	vmin.f32 v54, $2.000000000e+01;
	v9 =	vpop (erf)  }
0x220: {  	v61, _, _ =	vpop (xrf2);
	v51 =	vmul.f32 $1.442695020e+00, v58;
	v63 =	vadd.f32 $2.000000000e+00, v10;
	v58 =	vadd.f32 $2.000000000e+00, v9  }
0x221: {  	v56 =	vmul.f32 $1.442695020e+00, v61;
	v14 =	vmul.f32 v11, v62  }
0x222: {  	v53 =	vadd.f32 v53, v13;
	(erf) = vrcp.f32 v63;
	v58 =	vmul.f32 v58, v9;
	v9 =	vpop (erf)  }
0x223: {  	v60 =	vadd.f32 $2.000000000e+00, v14;
	(erf) = vpow2.f32 v51;
	v51 =	vadd.f32 $2.000000000e+00, v9  }
0x224: {  	v44 =	vadd.f32 v45, v7;
	v45 =	vadd.f32 v57, v8;
	v57 =	vmin.f32 v53, $2.000000000e+01;
	v61 =	vpop (erf)  }
0x225: {  	(erf) = vrcp.f32 v60;
	v60 =	vadd.f32 $2.000000000e+00, v58;
	v51 =	vmul.f32 v51, v9;
	v9 =	vpop (erf)  }
0x226: {  	v62 =	vmin.f32 v45, $2.000000000e+01;
	v57 =	vmul.f32 $1.442695020e+00, v57;
	v63 =	vadd.f32 $2.000000000e+00, v9  }
0x227: {  	(erf) = vrcp.f32 v60;
	v60 =	vmul.f32 $1.442695020e+00, v62  }
0x228: {  	v62 =	vadd.f32 $2.000000000e+00, v51;
	(erf) = vpow2.f32 v57;
	v57 =	vmul.f32 v63, v9  }
0x229: {  	v38 =	vsel vm6, $0x0, v38;
	v42 =	vmul.f32 v42, v0;
	v59 =	vmul.f32 v43, v0  }
0x22a: {  	v43 =	vmin.f32 v44, $2.000000000e+01;
	v10 =	vmul.f32 v10, v39;
	v39 =	vpop (erf);
	v11 =	vadd.f32 $2.000000000e+00, v57  }
0x22b: {  	v43 =	vmul.f32 $1.442695020e+00, v43;
	v14 =	vmul.f32 v14, v42;
	v63 =	vadd.f32 $2.000000000e+00, v39  }
0x22c: {  	v38 =	vadd.f32 v38, v52;
	v42 =	vmul.f32 v46, v0;
	v46 =	vld [tilespmem:s9+$0xFFFFFFD0];
	(erf) = vrcp.f32 v62;
	v62 =	vpop (erf)  }
0x22d: {  	v15 =	vsel vm7, $0x0, v15;
	v9 =	vld [tilespmem:s28+$0xFFFFFFC0];
	(erf) = vpow2.f32 v43;
	v52 =	vmul.f32 v63, v39;
	v39 =	vpop (erf)  }
0x22e: {  	v38 =	vadd.f32 v15, v38;
	v43 =	vld [tilespmem:s9+$0xFFFFFFC0];
	(erf) = vrcp.f32 v11;
	v63 =	vadd.f32 $2.000000000e+00, v39;
	v11 =	vpop (erf)  }
0x22f: {  	v62 =	vmul.f32 v62, v10;
	v10 =	vld [tilespmem:s28+$0xFFFFFFD0];
	v16 =	vmul.f32 v11, v14;
	v14 =	vadd.f32 $2.000000000e+00, v52  }
0x230: {  	v15 =	vnsel vm0, $0x0, v47;
	v47 =	vld [tilespmem:s9+$0xFFFFFFE0];
	v42 =	vmul.f32 v58, v42;
	v58 =	vmul.f32 v63, v39  }
0x231: {  	v48 =	vmul.f32 v48, v0;
	v11 =	vld [tilespmem:s28+$0xFFFFFFE0];
	(erf) = vrcp.f32 v14  }
0x232: {  	(erf) = vpow2.f32 v60;
	v60 =	vadd.f32 $2.000000000e+00, v58  }
0x233: {  	v51 =	vmul.f32 v51, v48;
	v48 =	vld [tilespmem:s9+$0xFFFFFFF0];
	v63 =	vadd.f32 $0.0e+00, v15  }
0x234: {  	v44 =	vmul.f32 v44, v0;
	(xrf2) =	vadd.scan.msk.f32 $0xffff, v62;
	v15 =	vld [tilespmem:s28+$0xFFFFFFF0];
	v43 =	vadd.f32 v43, v9;
	v46 =	vadd.f32 v46, v10;
	v14 =	vpop (erf)  }
0x235: {  	(xrf2) =	vadd.scan.msk.f32 $0xffff, v16;
	v16 =	vsel vm1, $0x0, v40;
	v14 =	vmul.f32 v14, v42;
	v39 =	vpop (erf);
	(erf) = vrcp.f32 v60  }
0x236: {  	v40 =	vadd.f32 v47, v11;
	v47 =	vmul.f32 v49, v0;
	v42 =	vadd.f32 $2.000000000e+00, v39;
	v60 =	vpop (erf)  }
0x237: {  	v49 =	vmul.f32 v41, v0;
	v51 =	vmul.f32 v60, v51;
	v60 =	vmin.f32 v46, $2.000000000e+01  }
0x238: {  	v39 =	vmul.f32 v42, v39;
	v42 =	vmin.f32 v43, $2.000000000e+01;
	v62 =	vmul.f32 $1.442695020e+00, v60  }
0x239: {  	v41 =	vadd.f32 v48, v15;
	(xrf2) =	vadd.scan.msk.f32 $0xffff, v14;
	v14 =	vmin.f32 v40, $2.000000000e+01;
	v42 =	vmul.f32 $1.442695020e+00, v42  }
0x23a: {  	v48 =	vadd.f32 $2.000000000e+00, v55;
	v47 =	vmul.f32 v57, v47;
	v14 =	vmul.f32 $1.442695020e+00, v14  }
0x23b: {  	v57 =	vpop (erf);
	v60 =	vmul.f32 v50, v0;
	(erf) = vpow2.f32 v42  }
0x23c: {  	v48 =	vmul.f32 v48, v55;
	v50 =	vadd.f32 $2.000000000e+00, v39;
	(erf) = vpow2.f32 v62;
	v62 =	vpop (erf)  }
0x23d: {  	v42 =	vmul.f32 v52, v60;
	v60 =	vmin.f32 v41, $2.000000000e+01;
	v47 =	vmul.f32 v62, v47  }
0x23e: {  	v53 =	vmul.f32 v53, v0;
	(xrf2) =	vadd.scan.msk.f32 $0xffff, v51;
	(erf) = vrcp.f32 v50  }
0x23f: {  	v55 =	vadd.f32 $2.000000000e+00, v48;
	v48 =	vmul.f32 v48, v59;
	(erf) = vpow2.f32 v14;
	v14 =	vpop (erf);
	(xrf2) =	vadd.scan.msk.f32 $0xffff, v47  }
0x240: {  	v52 =	vadd.f32 $2.000000000e+00, v57;
	v51 =	vmul.f32 $1.442695020e+00, v60;
	v62 =	vadd.f32 $2.000000000e+00, v61;
	v60 =	vpop (erf)  }
0x241: {  	v16 =	vadd.f32 v16, v63;
	v14 =	vmul.f32 v14, v42;
	v42 =	vmul.f32 v54, v0;
	v63 =	vpop (erf)  }
0x242: {  	v52 =	vmul.f32 v52, v57;
	v50 =	vmul.f32 v62, v61;
	v47, _, _ =	vpop (xrf2)  }
0x243: {  	v39 =	vmul.f32 v39, v53;
	v42 =	vmul.f32 v58, v42;
	v54, _, _ =	vpop (xrf2);
	(xrf2) =	vadd.scan.msk.f32 $0xffff, v14  }
0x244: {  	v44 =	vmul.f32 v52, v44;
	v49 =	vmul.f32 v50, v49;
	v14 =	vadd.f32 $2.000000000e+00, v60;
	v57 =	vpop (erf)  }
0x245: {  	v50 =	vadd.f32 $2.000000000e+00, v50;
	v42 =	vmul.f32 v63, v42;
	v58, _, _ =	vpop (xrf2);
	(erf) = vpow2.f32 v51  }
0x246: {  	v14 =	vmul.f32 v14, v60;
	v59 =	vadd.f32 $2.000000000e+00, v57;
	v60 =	vpop (erf);
	(erf) = vrcp.f32 v55  }
0x247: {  	v51 =	vadd.f32 $2.000000000e+00, v52;
	(xrf2) =	vadd.scan.msk.f32 $0xffff, v42;
	v61 =	vadd.f32 $2.000000000e+00, v60;
	v62 =	vpop (erf);
	(erf) = vrcp.f32 v50  }
0x248: {  	v55 =	vsel vm2, $0x0, v30;
	v53 =	vmul.f32 v59, v57;
	v57, _, _ =	vpop (xrf2);
	v39 =	vmul.f32 v62, v39  }
0x249: {  	v16 =	vadd.f32 v55, v16;
	v63 =	vadd.f32 $2.000000000e+00, v14;
	v42 =	vmul.f32 v61, v60;
	v60, _, _ =	vpop (xrf2)  }
0x24a: {  	(erf) = vrcp.f32 v51;
	v62 =	vsel vm3, $0x0, v27;
	v61 =	vmul.f32 $1.442695020e+00, v60  }
0x24b: {  	(erf) = vrcp.f32 v63;
	(xrf2) =	vadd.scan.msk.f32 $0xffff, v39;
	v51 =	vadd.f32 $2.000000000e+00, v53;
	v63 =	vmul.f32 $1.442695020e+00, v57  }
0x24c: {  	v54 =	vmul.f32 $1.442695020e+00, v54;
	v16 =	vadd.f32 v62, v16;
	v39 =	vpop (erf);
	v50 =	vbroadcast v61, $0xF  }
0x24d: {  	(erf) = vrcp.f32 v51;
	v51 =	vbroadcast v63, $0xF;
	v60, _, _ =	vpop (xrf2);
	v61 =	vadd.f32 $2.000000000e+00, v39  }
0x24e: {  	v62 =	vsel vm4, $0x0, v28;
	v52 =	vpop (erf);
	v57 =	vmul.f32 $1.442695020e+00, v60;
	(erf) = vpow2.f32 v50  }
0x24f: {  	v63 =	vmul.f32 $1.442695020e+00, v58;
	v39 =	vmul.f32 v61, v39  }
0x250: {  	v16 =	vadd.f32 v62, v16;
	v60 =	vpop (erf);
	v61 =	vbroadcast v57, $0xF;
	(erf) = vpow2.f32 v51  }
0x251: {  	v58 =	vsel vm5, $0x0, v31;
	v55 =	vbroadcast v63, $0xF;
	v62, _, _ =	vpop (xrf2);
	v51 =	vadd.f32 $2.000000000e+00, v42  }
0x252: {  	v59 =	vpop (erf);
	v57 =	vmul.f32 $1.442695020e+00, v62;
	(erf) = vpow2.f32 v61  }
0x253: {  	v48 =	vmul.f32 v60, v48;
	v60 =	vpop (erf);
	(erf) = vrcp.f32 v51  }
0x254: {  	v16 =	vadd.f32 v58, v16;
	v58 =	vpop (erf);
	v51 =	vbroadcast v57, $0xF;
	(erf) = vpow2.f32 v55  }
0x255: {  	v63, _, _ =	vpop (xrf2)  }
0x256: {  	s16 =	simm.s32 $0x1C790;
	v50 =	vadd.f32 $2.000000000e+00, v52;
	v62 =	vbroadcast v54, $0xF;
	(xrf2) =	vadd.scan.msk.f32 $0xffff, v48;
	v54 =	vpop (erf);
	(erf) = vpow2.f32 v51  }
0x257: {  	[tilespmem:s16+$0x0] =	vst v25;
	v49 =	vmul.f32 v59, v49;
	v57 =	vadd.f32 $2.000000000e+00, v39;
	v61 =	vmul.f32 $1.442695020e+00, v63;
	v59 =	vpop (erf)  }
0x258: {  	[tilespmem:s16+$0x50] =	vst v32;
	v50 =	vmul.f32 v50, v52;
	(erf) = vpow2.f32 v62;
	v52 =	vnsel vm0, $0x0, v59  }
0x259: {  	[tilespmem:s16+$0x10] =	vst v23;
	v63 =	vbroadcast v61, $0xF;
	(erf) = vrcp.f32 v57;
	v48 =	vpop (erf);
	v61 =	vadd.f32 $0.0e+00, v52  }
0x25a: {  	[tilespmem:s16+$0x20] =	vst v24;
	v45 =	vmul.f32 v45, v0;
	v62 =	vsel vm1, $0x0, v48  }
0x25b: {  	[tilespmem:s16+$0x30] =	vst v26;
	v23 =	vmul.f32 v43, v0;
	(erf) = vpow2.f32 v63;
	v43 =	vpop (erf);
	v63 =	vadd.f32 v62, v61  }
0x25c: {  	v24 =	vmul.f32 v46, v0;
	v25 =	vmul.f32 v60, v44;
	(xrf2) =	vadd.scan.msk.f32 $0xffff, v49;
	v49 =	vsel vm2, $0x0, v43;
	v52 =	vpop (erf)  }
0x25d: {  	[tilespmem:s16+$0x80] =	vst v38;
	v47 =	vmul.f32 $1.442695020e+00, v47;
	v14 =	vmul.f32 v14, v45;
	v38 =	vpop (erf);
	v44 =	vadd.f32 v49, v63  }
0x25e: {  	v26 =	vmul.f32 v40, v0;
	v23 =	vmul.f32 v53, v23;
	(xrf2) =	vadd.scan.msk.f32 $0xffff, v25;
	v25 =	vsel vm3, $0x0, v38  }
0x25f: {  	[tilespmem:s16+$0xFFFFFF70] =	vst v36;
	v47 =	vbroadcast v47, $0xF;
	v14 =	vmul.f32 v58, v14;
	v36 =	vpop (erf);
	v25 =	vadd.f32 v25, v44  }
0x260: {  	[tilespmem:s16+$0x40] =	vst v29;
	v24 =	vmul.f32 v42, v24;
	v60 =	vmul.f32 v54, v23;
	v58, _, _ =	vpop (xrf2);
	v23 =	vsel vm4, $0x0, v36  }
0x261: {  	v51 =	vadd.f32 $2.000000000e+00, v50;
	(xrf2) =	vadd.scan.msk.f32 $0xffff, v14;
	v14 =	vmul.f32 v39, v26;
	v40 =	vpop (erf);
	v23 =	vadd.f32 v23, v25  }
0x262: {  	[tilespmem:s16+$0xFFFFFF80] =	vst v37;
	(erf) = vpow2.f32 v47;
	v61 =	vmul.f32 v52, v24;
	v24 =	vsel vm5, $0x0, v40;
	v29 =	vpop (erf)  }
0x263: {  	(erf) = vrcp.f32 v51;
	v62 =	vmul.f32 v29, v14;
	v14 =	vadd.f32 v24, v23;
	v23 =	vld [tilespmem:$0x1FFC0];
	_ =	sdelay $0x1  }
0x264: {  	v25 =	vmul.f32 $1.442695020e+00, v58  }
0x265: {  	v56 =	vbroadcast v56, $0xF;
	v17 =	vmul.f32 v28, v17  }
0x266: {  	v57 =	vmul.f32 v41, v0;
	v25 =	vbroadcast v25, $0xF;
	v24 =	vpop (erf)  }
0x267: {  	(erf) = vpow2.f32 v56;
	[tilespmem:s16+$0x60] =	vst v34;
	v23 =	vmul.f32 v30, v23;
	v30, _, _ =	vpop (xrf2)  }
0x268: {  	v34 =	vld [tilespmem:$0x1FFD0];
	(erf) = vpow2.f32 v25;
	v25 =	vmul.f32 v31, v18;
	v18, _, _ =	vpop (xrf2);
	(xrf2) =	vadd.scan.msk.f32 $0xffff, v60  }
0x269: {  	v55 =	vsel vm6, $0x0, v35;
	v26 =	vmul.f32 v50, v57;
	v29 =	vsel vm6, $0x0, v24  }
0x26a: {  	[tilespmem:s16+$0xFFFFFFB0] =	vst v17;
	v17 =	vmul.f32 v35, v19;
	v14 =	vadd.f32 v29, v14;
	v63 =	vmul.f32 $1.442695020e+00, v30;
	v30 =	vpop (erf)  }
0x26b: {  	v29 =	vadd.f32 v55, v16;
	[tilespmem:s16+$0xFFFFFF90] =	vst v23;
	v16 =	vmul.f32 $1.442695020e+00, v18;
	(xrf2) =	vadd.scan.msk.f32 $0xffff, v61;
	v23 =	vpop (erf)  }
0x26c: {  	[tilespmem:s16+$0x70] =	vst v33;
	v28 =	vsel vm7, $0x0, v30;
	v23 =	vmul.f32 v23, v26;
	v26 =	vbroadcast v63, $0xF  }
0x26d: {  	[tilespmem:s16+$0xFFFFFFD0] =	vst v17;
	v27 =	vmul.f32 v27, v34;
	v14 =	vadd.f32 v28, v14  }
0x26e: {  	s14 =	simm.s32 $0x1C8B0;
	[tilespmem:s16+$0xFFFFFFC0] =	vst v25;
	v18 =	vmul.f32 v59, v21;
	(xrf2) =	vadd.scan.msk.f32 $0xffff, v62;
	(erf) = vpow2.f32 v26  }
0x26f: {  	v19 =	vbroadcast v16, $0xF;
	[tilespmem:s14+$0x80] =	vst v14;
	v14 =	vmul.f32 v48, v20;
	v16, _, _ =	vpop (xrf2)  }
0x270: {  	s26 =	simm.s32 $0x1A180;
	s17 =	simm.s32 $0x2;
	[tilespmem:s16+$0xFFFFFFA0] =	vst v27;
	v17 =	vpop (erf);
	v20 =	vmul.f32 $1.442695020e+00, v16;
	v16 =	vmul.f32 v43, v22  }
.LBB2_5:
0x271: {  	v21 =	vld [tilespmem:s26+$0x70];
	s9 =	sadd.s32 $0x100, s9;
	(xrf2) =	vadd.scan.msk.f32 $0xffff, v23;
	(erf) = vpow2.f32 v19;
	v25 =	vmul.f32 v17, v1;
	v17 =	vsel vm7, $0x0, v17;
	v1 =	vmovc v15  }
0x272: {  	v15 =	vld [tilespmem:s9+$0x70];
	v20 =	vbroadcast v20, $0xF;
	[tilespmem:s14+$0x0] =	vst v18;
	v18 =	vmul.f32 v38, v6;
	v6, _, _ =	vpop (xrf2);
	v17 =	vadd.f32 v17, v29  }
0x273: {  	v12 =	vmul.f32 v36, v12;
	v22 =	vld [tilespmem:s9+$0xFFFFFF80];
	v6 =	vmul.f32 $1.442695020e+00, v6;
	[tilespmem:s16+$0xFFFFFFE0] =	vst v25  }
0x274: {  	v23 =	vmul.f32 v40, v3;
	v3 =	vld [tilespmem:s26+$0x50];
	v19 =	vpop (erf);
	(erf) = vpow2.f32 v20;
	[tilespmem:s16+$0xFFFFFFF0] =	vst v17;
	s16 =	smov.u32 s14  }
0x275: {  	v17 =	vld [tilespmem:s9+$0x50];
	v20 =	vbroadcast v6, $0xF;
	v25 =	vmul.f32 v19, v5;
	v6 =	vnsel vm0, $0x0, v19;
	[tilespmem:s14+$0x10] =	vst v14;
	v14, _, _ =	vpop (xrf2)  }
0x276: {  	v13 =	vmul.f32 v24, v13;
	v5 =	vld [tilespmem:s26+$0xFFFFFF80];
	v26 =	vmul.f32 $1.442695020e+00, v14;
	v19 =	vadd.f32 $0.0e+00, v6;
	[tilespmem:s14+$0x20] =	vst v16  }
0x277: {  	v6 =	vld [tilespmem:s26+$0x30];
	v29 =	vadd.f32 v15, v21;
	[tilespmem:s14+$0xFFFFFF70] =	vst v25;
	v15 =	vmul.f32 v30, v2;
	v2 =	vpop (erf);
	(erf) = vpow2.f32 v20  }
0x278: {  	v20 =	vld [tilespmem:s9+$0x30];
	v28 =	vbroadcast v26, $0xF;
	v24 =	vmul.f32 v2, v4;
	v27 =	vsel vm1, $0x0, v2;
	[tilespmem:s14+$0x30] =	vst v18;
	v14, _, _ =	vpop (xrf2)  }
0x279: {  	v2 =	vmovc v21;
	v4 =	vld [tilespmem:s26+$0xFFFFFF90];
	v18 =	vmin.f32 v29, $2.000000000e+01;
	v25 =	vmul.f32 $1.442695020e+00, v14;
	v26 =	vadd.f32 v27, v19;
	[tilespmem:s14+$0x40] =	vst v12  }
0x27a: {  	v14 =	vld [tilespmem:s26+$0x10];
	v33 =	vadd.f32 v17, v3;
	v12 =	vmul.f32 $1.442695020e+00, v18;
	[tilespmem:s14+$0xFFFFFF80] =	vst v24;
	v19 =	vpop (erf);
	(erf) = vpow2.f32 v28  }
0x27b: {  	v17 =	vadd.f32 v22, v5;
	v21 =	vld [tilespmem:s9+$0x10];
	v22 =	vbroadcast v25, $0xF;
	v18 =	vsel vm2, $0x0, v19;
	[tilespmem:s14+$0x50] =	vst v23;
	v16, _, _ =	vpop (xrf2)  }
0x27c: {  	v23 =	vld [tilespmem:s9+$0xFFFFFF90];
	v24 =	vmin.f32 v33, $2.000000000e+01;
	(erf) = vpow2.f32 v12;
	v12 =	vmul.f32 $1.442695020e+00, v16;
	[tilespmem:s14+$0x60] =	vst v13  }
0x27d: {  	v13 =	vmin.f32 v17, $2.000000000e+01;
	v16 =	vld [tilespmem:s26+$0x0];
	v34 =	vadd.f32 v20, v6;
	v24 =	vmul.f32 $1.442695020e+00, v24;
	[tilespmem:s14+$0x70] =	vst v15;
	v20 =	vpop (erf)  }
0x27e: {  	s17 =	sadd.s32 $0x2, s17;
	v25 =	vadd.f32 v18, v26;
	v32 =	vmul.f32 v17, v0;
	v13 =	vmul.f32 $1.442695020e+00, v13;
	v15 =	vld [tilespmem:s9+$0x0]  }
0x27f: {  	p0 =	slt.u32 s17, $0x26;
	v18 =	vld [tilespmem:s26+$0xFFFFFFA0];
	v26 =	vmin.f32 v34, $2.000000000e+01;
	(erf) = vpow2.f32 v24;
	v24 =	vbroadcast v12, $0xF  }
0x280: {  	v17 =	vld [tilespmem:s26+$0x20];
	v41 =	vadd.f32 v21, v14;
	v12 =	vmul.f32 $1.442695020e+00, v26;
	(erf) = vpow2.f32 v13;
	v21 =	vpop (erf)  }
0x281: {  	v30 =	vsel vm3, $0x0, v20;
	v13 =	vadd.f32 v23, v4;
	v26 =	vld [tilespmem:s9+$0x20];
	(erf) = vpow2.f32 v22  }
0x282: {  	v25 =	vadd.f32 v30, v25;
	v27 =	vld [tilespmem:s9+$0xFFFFFFA0];
	v22 =	vmin.f32 v41, $2.000000000e+01;
	(erf) = vpow2.f32 v12  }
0x283: {  	v28 =	vmin.f32 v13, $2.000000000e+01;
	v12 =	vld [tilespmem:s26+$0x40];
	v42 =	vadd.f32 v15, v16;
	v35 =	vmul.f32 $1.442695020e+00, v22;
	v23 =	vpop (erf)  }
0x284: {  	v36 =	vmul.f32 v13, v0;
	v13 =	vsel vm4, $0x0, v21;
	v28 =	vmul.f32 $1.442695020e+00, v28;
	v30 =	vld [tilespmem:s9+$0x40]  }
0x285: {  	v38 =	vadd.f32 v13, v25;
	v22 =	vld [tilespmem:s26+$0xFFFFFFB0];
	v31 =	vmin.f32 v42, $2.000000000e+01;
	(erf) = vpow2.f32 v35;
	v15 =	vpop (erf)  }
0x286: {  	v37 =	vld [tilespmem:s9+$0xFFFFFFB0];
	v43 =	vadd.f32 v26, v17;
	v26 =	vmul.f32 $1.442695020e+00, v31;
	v31 =	vadd.f32 $2.000000000e+00, v15  }
0x287: {  	v39 =	vsel vm5, $0x0, v23;
	v25 =	vld [tilespmem:s26+$0xFFFFFFC0];
	v35 =	vadd.f32 v27, v18;
	(erf) = vpow2.f32 v28  }
0x288: {  	v13 =	vld [tilespmem:s26+$0x60];
	v27 =	vmin.f32 v43, $2.000000000e+01;
	v46 =	vmul.f32 v31, v15;
	(erf) = vpow2.f32 v26;
	v15 =	vpop (erf)  }
0x289: {  	v31 =	vld [tilespmem:s9+$0x60];
	v40 =	vadd.f32 v30, v12;
	v27 =	vmul.f32 $1.442695020e+00, v27;
	v30 =	vadd.f32 $2.000000000e+00, v15;
	v45 =	vpop (erf)  }
0x28a: {  	v44 =	vmin.f32 v35, $2.000000000e+01;
	v47 =	vld [tilespmem:s9+$0xFFFFFFC0];
	v48 =	vadd.f32 $2.000000000e+00, v45;
	v49 =	vadd.f32 $2.000000000e+00, v46;
	v28 =	vpop (erf)  }
0x28b: {  	v26 =	vld [tilespmem:s26+$0xFFFFFFD0];
	v50 =	vmin.f32 v40, $2.000000000e+01;
	v51 =	vmul.f32 v30, v15;
	(erf) = vpow2.f32 v27;
	v15 =	vpop (erf)  }
0x28c: {  	v52 =	vld [tilespmem:s9+$0xFFFFFFD0];
	v30 =	vmul.f32 $1.442695020e+00, v50;
	v50 =	vadd.f32 $2.000000000e+00, v15;
	(erf) = vrcp.f32 v49  }
0x28d: {  	v37 =	vadd.f32 v37, v22;
	v49 =	vmul.f32 $1.442695020e+00, v44;
	v27 =	vld [tilespmem:s26+$0xFFFFFFE0];
	v53 =	vadd.f32 $2.000000000e+00, v51  }
0x28e: {  	v54 =	vld [tilespmem:s9+$0xFFFFFFE0];
	v44 =	vadd.f32 v31, v13;
	v50 =	vmul.f32 v50, v15;
	v55 =	vpop (erf);
	(erf) = vpow2.f32 v30  }
0x28f: {  	v56 =	vmin.f32 v37, $2.000000000e+01;
	v15 =	vld [tilespmem:s26+$0xFFFFFFF0];
	v57 =	vadd.f32 $2.000000000e+00, v55;
	(erf) = vrcp.f32 v53  }
0x290: {  	v30 =	vadd.f32 v47, v25;
	v53 =	vld [tilespmem:s9+$0xFFFFFFF0];
	v47 =	vmin.f32 v44, $2.000000000e+01;
	v58 =	vadd.f32 $2.000000000e+00, v50;
	v59 =	vpop (erf)  }
0x291: {  	v31 =	vadd.f32 v52, v26;
	v47 =	vmul.f32 $1.442695020e+00, v47;
	v52 =	vmul.f32 v57, v55;
	v55 =	vpop (erf)  }
0x292: {  	v29 =	vmul.f32 v29, v0;
	v57 =	vadd.f32 $2.000000000e+00, v55;
	(erf) = vrcp.f32 v58  }
0x293: {  	v56 =	vmul.f32 $1.442695020e+00, v56;
	v60 =	vadd.f32 $2.000000000e+00, v52;
	(erf) = vpow2.f32 v47  }
0x294: {  	v29 =	vmul.f32 v46, v29;
	v47 =	vmin.f32 v30, $2.000000000e+01;
	v55 =	vmul.f32 v57, v55;
	v46 =	vpop (erf)  }
0x295: {  	v33 =	vmul.f32 v33, v0;
	v57 =	vadd.f32 $2.000000000e+00, v46;
	(erf) = vrcp.f32 v60;
	v58 =	vpop (erf)  }
0x296: {  	v60 =	vadd.f32 $2.000000000e+00, v55;
	v29 =	vmul.f32 v58, v29;
	(erf) = vpow2.f32 v49  }
0x297: {  	v33 =	vmul.f32 v51, v33;
	v49 =	vmin.f32 v31, $2.000000000e+01;
	v46 =	vmul.f32 v57, v46;
	v51 =	vpop (erf)  }
0x298: {  	v34 =	vmul.f32 v34, v0;
	v57 =	vadd.f32 $2.000000000e+00, v51;
	(erf) = vrcp.f32 v60;
	v58 =	vpop (erf);
	(xrf2) =	vadd.scan.msk.f32 $0xffff, v29  }
0x299: {  	v29 =	vmul.f32 $1.442695020e+00, v47;
	v60 =	vadd.f32 $2.000000000e+00, v46;
	v58 =	vmul.f32 v58, v33  }
0x29a: {  	v50 =	vmul.f32 v50, v34;
	v33 =	vadd.f32 v54, v27;
	v51 =	vmul.f32 v57, v51  }
0x29b: {  	v41 =	vmul.f32 v41, v0;
	v34 =	vadd.f32 v53, v15;
	(erf) = vrcp.f32 v60;
	v47 =	vpop (erf);
	(xrf2) =	vadd.scan.msk.f32 $0xffff, v58  }
0x29c: {  	v49 =	vmul.f32 $1.442695020e+00, v49;
	v47 =	vmul.f32 v47, v50;
	v50 =	vadd.f32 $2.000000000e+00, v51;
	v53 =	vpop (erf)  }
0x29d: {  	v41 =	vmul.f32 v52, v41;
	v54 =	vadd.f32 $2.000000000e+00, v53;
	(erf) = vpow2.f32 v56  }
0x29e: {  	v42 =	vmul.f32 v42, v0;
	v52 =	vmin.f32 v33, $2.000000000e+01;
	v56 =	vpop (erf);
	(erf) = vrcp.f32 v50;
	(xrf2) =	vadd.scan.msk.f32 $0xffff, v47  }
0x29f: {  	v47 =	vmin.f32 v34, $2.000000000e+01;
	v50 =	vmul.f32 v54, v53;
	v41 =	vmul.f32 v56, v41;
	v53 =	vpop (erf)  }
0x2a0: {  	v42 =	vmul.f32 v55, v42;
	v54 =	vadd.f32 $2.000000000e+00, v59;
	(erf) = vpow2.f32 v29  }
0x2a1: {  	v29 =	vmul.f32 v43, v0;
	v43 =	vadd.f32 $2.000000000e+00, v50;
	(erf) = vpow2.f32 v49;
	v49 =	vpop (erf);
	(xrf2) =	vadd.scan.msk.f32 $0xffff, v41  }
0x2a2: {  	v55 =	vmul.f32 $1.442695020e+00, v52;
	v52 =	vadd.f32 $2.000000000e+00, v53;
	v42 =	vmul.f32 v49, v42;
	v49, _, _ =	vpop (xrf2)  }
0x2a3: {  	v38 =	vadd.f32 v39, v38;
	v29 =	vmul.f32 v46, v29;
	(erf) = vrcp.f32 v43  }
0x2a4: {  	v39 =	vmul.f32 v48, v45;
	(erf) = vpow2.f32 v55;
	v41 =	vpop (erf);
	(xrf2) =	vadd.scan.msk.f32 $0xffff, v42;
	v42 =	vsel vm6, $0x0, v28  }
0x2a5: {  	v40 =	vmul.f32 v40, v0;
	v55 =	vmul.f32 v41, v29;
	v43, _, _ =	vpop (xrf2);
	v29 =	vadd.f32 v42, v38  }
0x2a6: {  	v45 =	vadd.f32 $2.000000000e+00, v39;
	v38 =	vmul.f32 $1.442695020e+00, v47;
	v42 =	vmul.f32 v54, v59;
	v46 =	vpop (erf)  }
0x2a7: {  	v40 =	vmul.f32 v51, v40;
	v47 =	vmul.f32 v52, v53;
	v48 =	vadd.f32 $2.000000000e+00, v46;
	v51 =	vpop (erf);
	(xrf2) =	vadd.scan.msk.f32 $0xffff, v55  }
0x2a8: {  	v32 =	vmul.f32 v39, v32;
	v36 =	vmul.f32 v42, v36;
	v39 =	vadd.f32 $2.000000000e+00, v42;
	v41, _, _ =	vpop (xrf2)  }
0x2a9: {  	v44 =	vmul.f32 v44, v0;
	v42 =	vadd.f32 $2.000000000e+00, v47;
	v40 =	vmul.f32 v51, v40;
	v51 =	vpop (erf)  }
0x2aa: {  	v46 =	vmul.f32 v48, v46;
	v48 =	vadd.f32 $2.000000000e+00, v51;
	v52 =	vpop (erf);
	(erf) = vpow2.f32 v38  }
0x2ab: {  	v44 =	vmul.f32 v50, v44;
	v38 =	vadd.f32 $2.000000000e+00, v52;
	(erf) = vrcp.f32 v45;
	v45, _, _ =	vpop (xrf2);
	(xrf2) =	vadd.scan.msk.f32 $0xffff, v40  }
0x2ac: {  	v35 =	vmul.f32 v35, v0;
	v40 =	vmul.f32 v48, v51;
	v48 =	vadd.f32 $2.000000000e+00, v46;
	v50 =	vpop (erf)  }
0x2ad: {  	v44 =	vmul.f32 v50, v44;
	v50 =	vpop (erf);
	(erf) = vrcp.f32 v39  }
0x2ae: {  	v39 =	vmul.f32 v38, v52;
	v38 =	vadd.f32 $2.000000000e+00, v40;
	(erf) = vrcp.f32 v42;
	v42, _, _ =	vpop (xrf2)  }
0x2af: {  	v51 =	vadd.f32 $2.000000000e+00, v50;
	v42 =	vmul.f32 $1.442695020e+00, v42;
	(erf) = vrcp.f32 v48;
	(xrf2) =	vadd.scan.msk.f32 $0xffff, v44  }
0x2b0: {  	v37 =	vmul.f32 v37, v0;
	v35 =	vmul.f32 v47, v35;
	v44 =	vadd.f32 $2.000000000e+00, v39  }
0x2b1: {  	v48 =	vmul.f32 $1.442695020e+00, v45;
	v42 =	vbroadcast v42, $0xF;
	v47, _, _ =	vpop (xrf2)  }
0x2b2: {  	v47 =	vmul.f32 $1.442695020e+00, v47;
	(erf) = vrcp.f32 v38  }
0x2b3: {  	v38 =	vbroadcast v48, $0xF;
	v45 =	vpop (erf);
	(erf) = vpow2.f32 v42  }
0x2b4: {  	v41 =	vmul.f32 $1.442695020e+00, v41;
	v42 =	vmul.f32 v51, v50;
	v48 =	vadd.f32 $2.000000000e+00, v45;
	v50 =	vpop (erf)  }
0x2b5: {  	v53 =	vbroadcast v47, $0xF;
	v51, _, _ =	vpop (xrf2);
	(erf) = vpow2.f32 v38  }
0x2b6: {  	v54 =	vmul.f32 v50, v32;
	v38 =	vadd.f32 $2.000000000e+00, v42;
	v50 =	vmul.f32 $1.442695020e+00, v51;
	v51 =	vpop (erf)  }
0x2b7: {  	v41 =	vbroadcast v41, $0xF;
	v52 =	vpop (erf);
	(erf) = vpow2.f32 v53  }
0x2b8: {  	v43 =	vmul.f32 $1.442695020e+00, v43;
	v47 =	vpop (erf);
	(erf) = vrcp.f32 v44  }
0x2b9: {  	v44 =	vbroadcast v50, $0xF;
	(xrf2) =	vadd.scan.msk.f32 $0xffff, v54;
	v32, _, _ =	vpop (xrf2);
	(erf) = vpow2.f32 v41  }
0x2ba: {  	v41 =	vmul.f32 v48, v45;
	v32 =	vmul.f32 $1.442695020e+00, v32  }
0x2bb: {  	v43 =	vbroadcast v43, $0xF;
	v45 =	vpop (erf);
	(erf) = vpow2.f32 v44  }
0x2bc: {  	v36 =	vmul.f32 v51, v36;
	v48 =	vmul.f32 $1.442695020e+00, v49;
	v44 =	vadd.f32 $2.000000000e+00, v41;
	v49 =	vpop (erf)  }
0x2bd: {  	v32 =	vbroadcast v32, $0xF;
	v51 =	vnsel vm0, $0x0, v49;
	(erf) = vpow2.f32 v43  }
0x2be: {  	v35 =	vmul.f32 v52, v35;
	v43 =	vadd.f32 $0.0e+00, v51;
	(erf) = vrcp.f32 v38;
	v50 =	vpop (erf)  }
0x2bf: {  	v51 =	vbroadcast v48, $0xF;
	v48 =	vsel vm1, $0x0, v50;
	(xrf2) =	vadd.scan.msk.f32 $0xffff, v36;
	(erf) = vpow2.f32 v32  }
0x2c0: {  	v30 =	vmul.f32 v30, v0;
	v32 =	vmul.f32 v46, v37;
	v36 =	vadd.f32 v48, v43;
	v37 =	vpop (erf)  }
0x2c1: {  	v31 =	vmul.f32 v31, v0;
	v43 =	vsel vm2, $0x0, v37;
	v46 =	vpop (erf);
	(erf) = vpow2.f32 v51  }
0x2c2: {  	v32 =	vmul.f32 v47, v32;
	v43 =	vadd.f32 v43, v36;
	(erf) = vrcp.f32 v44;
	(xrf2) =	vadd.scan.msk.f32 $0xffff, v35;
	v38 =	vpop (erf)  }
0x2c3: {  	v30 =	vmul.f32 v40, v30;
	v31 =	vmul.f32 v39, v31;
	v35 =	vsel vm3, $0x0, v38;
	v39, _, _ =	vpop (xrf2)  }
0x2c4: {  	v33 =	vmul.f32 v33, v0;
	v34 =	vmul.f32 v34, v0;
	v35 =	vadd.f32 v35, v43;
	v36 =	vpop (erf)  }
0x2c5: {  	v30 =	vmul.f32 v45, v30;
	v31 =	vmul.f32 v46, v31;
	v43 =	vsel vm4, $0x0, v36;
	(xrf2) =	vadd.scan.msk.f32 $0xffff, v32  }
0x2c6: {  	v32 =	vmul.f32 v42, v33;
	v33 =	vmul.f32 v41, v34;
	v34 =	vadd.f32 v43, v35;
	v40 =	vpop (erf)  }
0x2c7: {  	v42 =	vmul.f32 $1.442695020e+00, v39;
	v39 =	vsel vm5, $0x0, v40;
	v41 =	vpop (erf);
	(erf) = vpow2.f32 v24  }
0x2c8: {  	v7 =	vmul.f32 v19, v7;
	v32 =	vmul.f32 v41, v32;
	v34 =	vadd.f32 v39, v34;
	(xrf2) =	vadd.scan.msk.f32 $0xffff, v30;
	v24 =	vpop (erf)  }
0x2c9: {  	v8 =	vmul.f32 v20, v8;
	v19 =	vbroadcast v42, $0xF;
	v39 =	vsel vm6, $0x0, v24;
	v35, _, _ =	vpop (xrf2)  }
0x2ca: {  	v20 =	vmul.f32 $1.442695020e+00, v35;
	v34 =	vadd.f32 v39, v34;
	v30 =	vpop (erf);
	[tilespmem:s14+$0xFFFFFF90] =	vst v7;
	v39 =	vmul.f32 v21, v9  }
0x2cb: {  	v35 =	vsel vm7, $0x0, v30;
	v21 =	vpop (erf);
	(xrf2) =	vadd.scan.msk.f32 $0xffff, v31;
	(erf) = vpow2.f32 v19;
	v31 =	vmul.f32 v23, v10  }
.Ltmp1:
0x2cc: {  	v23 =	vmul.f32 v21, v33;
	v33 =	vbroadcast v20, $0xF;
	v19 =	vadd.f32 v35, v34;
	v9, _, _ =	vpop (xrf2);
	[tilespmem:s14+$0xFFFFFFA0] =	vst v8;
	(pc) =	sbr.rel @p0 .LBB2_5-.Ltmp1, $4  }
0x2cd: {  	v7 =	vmovc v18;
	v21 =	vmul.f32 v28, v11;
	s14 =	sadd.s32 $0x120, s14;
	v8 =	vmovc v22;
	v20 =	vmul.f32 $1.442695020e+00, v9;
	[tilespmem:s16+$0xFFFFFFB0] =	vst v39;
	v9 =	vmov v25  }
0x2ce: {  	v18 =	vmul.f32 v49, v16;
	v10 =	vmovc v26;
	[tilespmem:s14+$0x80] =	vst v19;
	(xrf2) =	vadd.scan.msk.f32 $0xffff, v32;
	(erf) = vpow2.f32 v33  }
0x2cf: {  	v14 =	vmul.f32 v50, v14;
	v11 =	vmov v27;
	v19 =	vbroadcast v20, $0xF;
	v16, _, _ =	vpop (xrf2);
	[tilespmem:s16+$0xFFFFFFC0] =	vst v31  }
0x2d0: {  	s26 =	sadd.s32 $0x100, s26;
	v20 =	vmul.f32 $1.442695020e+00, v16;
	v16 =	vmul.f32 v37, v17;
	[tilespmem:s16+$0xFFFFFFD0] =	vst v21;
	v17 =	vpop (erf)  }
0x2d1: {  	_ = 	snop  }
0x2d2: {  	(xrf2) =	vadd.scan.msk.f32 $0xffff, v23;
	_ =	sdelay $0x2  }
0x2d3: {  	(erf) = vpow2.f32 v19;
	v45, _, _ =	vpop (xrf2)  }
0x2d4: {  	v20 =	vbroadcast v20, $0xF;
	v19 =	vmul.f32 $1.442695020e+00, v45;
	v21, _, _ =	vpop (xrf2)  }
0x2d5: {  	v21 =	vmul.f32 $1.442695020e+00, v21  }
0x2d6: {  	(erf) = vpow2.f32 v20;
	v19 =	vbroadcast v19, $0xF;
	v47, _, _ =	vpop (xrf2)  }
0x2d7: {  	v46 =	vbroadcast v21, $0xF;
	v21 =	vmul.f32 $1.442695020e+00, v47  }
0x2d8: {  	v1 =	vmul.f32 v17, v1;
	(erf) = vpow2.f32 v19  }
0x2d9: {  	v49 =	vpop (erf);
	v51 =	vbroadcast v21, $0xF  }
0x2da: {  	[tilespmem:s16+$0xFFFFFFE0] =	vst v1;
	v1 =	vnsel vm0, $0x0, v49;
	(erf) = vpow2.f32 v46;
	v50, _, _ =	vpop (xrf2)  }
0x2db: {  	[tilespmem:s14+$0x0] =	vst v18;
	v1 =	vadd.f32 $0.0e+00, v1;
	v52 =	vpop (erf);
	v18 =	vmul.f32 $1.442695020e+00, v50;
	(erf) = vpow2.f32 v51  }
0x2dc: {  	[tilespmem:s14+$0x10] =	vst v14;
	v6 =	vmul.f32 v38, v6;
	v53 =	vsel vm1, $0x0, v52  }
0x2dd: {  	v12 =	vmul.f32 v36, v12;
	[tilespmem:s14+$0x20] =	vst v16;
	v1 =	vadd.f32 v53, v1;
	v54 =	vpop (erf);
	v18 =	vbroadcast v18, $0xF  }
0x2de: {  	v3 =	vmul.f32 v40, v3;
	[tilespmem:s14+$0x30] =	vst v6;
	v55 =	vsel vm2, $0x0, v54  }
0x2df: {  	v59 =	vmul.f32 v24, v13;
	[tilespmem:s14+$0x40] =	vst v12;
	v1 =	vadd.f32 v55, v1;
	v56 =	vpop (erf);
	(erf) = vpow2.f32 v18  }
0x2e0: {  	v48 =	vsel vm7, $0x0, v17;
	v2 =	vmul.f32 v30, v2;
	[tilespmem:s14+$0x50] =	vst v3;
	v57 =	vsel vm3, $0x0, v56  }
0x2e1: {  	v17 =	vadd.f32 v48, v29;
	[tilespmem:s14+$0x60] =	vst v59;
	v1 =	vadd.f32 v57, v1;
	v58 =	vpop (erf)  }
0x2e2: {  	[tilespmem:s14+$0x70] =	vst v2;
	v5 =	vmul.f32 v49, v5;
	v3 =	vsel vm4, $0x0, v58  }
0x2e3: {  	[tilespmem:s16+$0xFFFFFFF0] =	vst v17;
	v1 =	vadd.f32 v3, v1;
	v3 =	vmul.f32 v54, v7;
	v60 =	vpop (erf)  }
0x2e4: {  	[tilespmem:s14+$0xFFFFFF70] =	vst v5;
	v4 =	vmul.f32 v52, v4;
	v62 =	vpop (erf)  }
0x2e5: {  	v61 =	vmul.f32 v56, v8;
	v2 =	vsel vm5, $0x0, v60;
	[tilespmem:s14+$0xFFFFFF90] =	vst v3;
	v3 =	vsel vm6, $0x0, v62  }
0x2e6: {  	[tilespmem:s14+$0xFFFFFF80] =	vst v4;
	v1 =	vadd.f32 v2, v1;
	v2 =	vmul.f32 v58, v9  }
0x2e7: {  	s15 =	sadd.s32 $0x1, s15;
	[tilespmem:s14+$0xFFFFFFA0] =	vst v61;
	v4 =	vmul.f32 v60, v10  }
0x2e8: {  	p0 =	sne.s32 s15, $0x7D;
	[tilespmem:s14+$0xFFFFFFB0] =	vst v2;
	v2 =	vmul.f32 v62, v11;
	v1 =	vadd.f32 v3, v1;
	v3 =	vpop (erf)  }
.Ltmp2:
0x2e9: {  	[tilespmem:s14+$0xFFFFFFC0] =	vst v4;
	v63 =	vmul.f32 v3, v15;
	v3 =	vsel vm7, $0x0, v3;
	(pc) =	sbr.rel @p0 .LBB2_2-.Ltmp2, $4  }
0x2ea: {  	[tilespmem:s14+$0xFFFFFFD0] =	vst v2;
	v1 =	vadd.f32 v3, v1  }
0x2eb: {  	[tilespmem:s14+$0xFFFFFFE0] =	vst v63  }
0x2ec: {  	[tilespmem:s14+$0xFFFFFFF0] =	vst v1  }
0x2ed: {  	[spmem:s4] =	stream.indirect.scatter.add.f32 [tilespmem:s11], [sflag:$0x8], $0x90, s10, s20, $0xb8;
	[tilespmem:$0x1DD90] =	vst v63  }
0x2ee: {  	s9 =	simm.s32 $0x7  }
0x2ef: {  	_ =	swait.ge [sflag:s9], $0x1680  }
0x2f0: {  	[sflag:s9] =	ssyncset.done $0x0  }
0x2f1: {  	s17 =	simm.s32 $0x8;
	[sflag:s9] =	ssyncadd.s32 $0xFFFFE980  }
0x2f2: {  	_ =	swait.ge [sflag:s17], $0x1680  }
0x2f3: {  	[sflag:s17] =	ssyncset.done $0x0  }
0x2f4: {  	[sflag:s17] =	ssyncadd.s32 $0xFFFFE980  }
0x2f5: {  	_ =	swait.ge [sflag:s30], $0x1400  }
0x2f6: {  	[sflag:s30] =	ssyncset.done $0x0  }
0x2f7: {  	[sflag:s30] =	ssyncadd.s32 $0xFFFFEC00  }
0x2f8: {  	_ =	swait.ge [sflag:s31], $0x1400  }
0x2f9: {  	[sflag:s31] =	ssyncset.done $0x0  }
0x2fa: {  	[sflag:s31] =	ssyncadd.s32 $0xFFFFEC00  }
0x2fb: {  	_ =	swait.ge [sflag:s25], $0x50  }
0x2fc: {  	[sflag:s25] =	ssyncset.done $0x0  }
0x2fd: {  	[sflag:s25] =	ssyncadd.s32 $0xFFFFFFB0  }
0x2fe: {  	[bflag:$0x0] =	sbarrier.arrive $0xFFFF  }
0x2ff: {  	s14 =	rddreg [dreg:$0x6]  }
0x300: {  	s26 =	rddreg [dreg:$0x9]  }
0x301: {  	s16 =	simm.s32 $0x9;
	s15 =	rddreg [dreg:$0xb]  }
0x302: {  	[hbm:s26], [sflag:s14] =	dma.local [spmem:s15], $0x2BF2  }
0x303: {  	_ =	swait.ge [sflag:s16], $0x2BF2  }
0x304: {  	s17 =	rddreg [dreg:$0xc]  }
0x305: {  	s28 =	rddreg [dreg:$0xa];
	s17 =	sadd.s32 $0x1, s17  }
0x306: {  	p0 =	sne.s32 s17, s28  }
.Ltmp3:
0x307: {  	_ = 	snop;
	(pc) =	sbr.rel @p0 .LBB2_1-.Ltmp3, $3  }
0x308: {  	_ =	sdelay $0x1  }
0x309: {  	[sflag:s16] =	ssyncset.done $0x0  }
0x30a: {  	[sflag:s16] =	ssyncadd.s32 $0xFFFFD40E  }
0x30b: {  	_ =	sfence.sel $0x180000  }
0x30c: {  	[bflag:$0x0] =	sbarrier.arrive $0xFFFF  }
0x30d: {  	_ =	strace $0x90000047  }
0x30e: {  	s0 =	stileid.u32;
	[bflag:$0x2] =	sbarrier.arrive $0xFFFF  }
0x30f: {  	p0 =	sne.s32 s0, $0x0;
	s0 =	rddreg [dreg:$0x4]  }
0x310: {  	s0 =	sadd.s32 @!p0 $0x100000, s0  }
0x311: {  	[sflag:s0] =	ssyncadd.tile.s32 @!p0 $0x1;
	_ =	shalt  }
.Lfunc_end2:
_tile_overlayer_lowered:
.L_overlay_start_2:
0x312: {  	(tag) =	ssettag $0x2  }
0x313: {  	s0 =	rddreg [dreg:$0x0];
	s2 =	stileid.u32  }
0x314: {  	s1 =	rddreg [dreg:$0x1];
	p0 =	sne.s32 s2, $0x0  }
0x315: {  	s3 =	rddreg [dreg:$0x2];
	[bflag:$0x3] =	sbarrier.arrive $0xFFFF;
	s2 =	simm.s32 @!p0 $0x1C09  }
0x316: {  	[timem:s3], [sflag:s2] =	dma.local @!p0 [hbm:s0], s1  }
0x317: {  	s0 =	simm.s32 @!p0 $0x9  }
0x318: {  	_ =	swait.ge @!p0 [sflag:s0], s1  }
0x319: {  	s1 =	ssub.s32 @!p0 $0x0, s1;
	[sflag:s0] =	ssyncset.done @!p0 $0x0  }
0x31a: {  	[sflag:s0] =	ssyncadd.s32 @!p0 s1  }
0x31b: {  	[bflag:$0x3] =	sbarrier.arrive $0xFFFF  }
0x31c: {  	_ =	shalt  }

</sc_bundles>
